<compile_context>
chip_gen: v7x
topology: tpu7x:2x2x1
jax: 0.10.2.dev20260603
libtpu: 0.0.44.dev20260713+nightly
codegen_flags: <defaults>
</compile_context>

<pallas_src>
import jax
import jax.numpy as jnp
from jax import lax
from jax.experimental import pallas as pl
from jax.experimental.pallas import tpu as pltpu
from jax.experimental.pallas import tpu_sc as plsc

NC = 2
NS = 16
NW = NC * NS
NBLK = 32
NBUF = 4
ROW = 16


def _gather_body(vocab_hbm, idx_hbm, out_hbm, idx_v, *scratch):
    rows = scratch[:NBUF]
    gsems = scratch[NBUF:2 * NBUF]
    wsems = scratch[2 * NBUF:3 * NBUF]
    wid = lax.axis_index("s") * NC + lax.axis_index("c")
    blk = idx_hbm.shape[1]

    pltpu.sync_copy(idx_hbm.at[pl.ds(wid * NBLK, NBLK)], idx_v)

    copies = [None] * NBUF
    writes = [None] * NBUF
    for t in range(NBUF):
        copies[t] = pltpu.async_copy(
            vocab_hbm.at[idx_v.at[t]], rows[t], gsems[t])
    for t in range(NBLK):
        b = t % NBUF
        copies[b].wait()
        writes[b] = pltpu.async_copy(
            rows[b], out_hbm.at[pl.ds((wid * NBLK + t) * blk, blk)],
            wsems[b])
        t2 = t + NBUF
        if t2 < NBLK:
            writes[b].wait()
            copies[b] = pltpu.async_copy(
                vocab_hbm.at[idx_v.at[t2]], rows[b], gsems[b])
    for t in range(max(NBLK - NBUF, 0), NBLK):
        writes[t % NBUF].wait()


def kernel(batch, bs, seq_len, vocabulary):
    del bs, seq_len
    bs_static, seq_len_static = batch.shape
    tokens_per_item = vocabulary.shape[1]
    n = bs_static * seq_len_static
    blk = n // (NW * NBLK)
    vocab_pad = jnp.pad(vocabulary, ((0, 0), (0, ROW - tokens_per_item)))
    idx_hbm = batch.reshape(NW * NBLK, blk)

    mesh = plsc.VectorSubcoreMesh(core_axis_name="c", subcore_axis_name="s")
    run = pl.kernel(
        _gather_body,
        out_type=jax.ShapeDtypeStruct((n, ROW), jnp.int32),
        mesh=mesh,
        scratch_types=(
            [pltpu.VMEM((NBLK, blk), jnp.int32)]
            + [pltpu.VMEM((blk, ROW), jnp.int32) for _ in range(NBUF)]
            + [pltpu.SemaphoreType.DMA for _ in range(2 * NBUF)]
        ),
        compiler_params=pltpu.CompilerParams(use_tc_tiling_on_sc=False),
    )
    out = run(vocab_pad, idx_hbm)
    return out[:, :tokens_per_item].reshape(
        bs_static, seq_len_static * tokens_per_item)

# --- scband reference (transcript-rebuilt; emitter-appended) ---
"""Pipeline reference for scband-tokenizer-7765300871692 (READ-ONLY COPY).

The authoritative reference and input builder live on the scoring server;
editing this copy changes nothing except your own understanding.
"""

import jax, jax.numpy as jnp
import numpy as np

TOKENS_PER_ITEM = 4
VALUES_PER_DIMENSION = 256
NUM_ITEMS = 1000000
BS = 4096
SEQ_LEN = 200


def setup_inputs(seed: int = 0) -> dict:
    key = jax.random.key(seed)
    k1, k2 = jax.random.split(key)
    batch = jax.random.randint(k1, (BS, SEQ_LEN), 0, NUM_ITEMS, dtype=jnp.int32)
    # learned/assigned vocabulary table: (num_items + 1, tokens_per_item) int32 token ids
    vocabulary = jax.random.randint(
        k2, (NUM_ITEMS + 1, TOKENS_PER_ITEM), 0,
        TOKENS_PER_ITEM * VALUES_PER_DIMENSION, dtype=jnp.int32)
    return {"batch": batch, "bs": BS, "seq_len": SEQ_LEN, "vocabulary": vocabulary}


def reference(batch, bs, seq_len, vocabulary):
    bs_static, seq_len_static = batch.shape
    batch = batch + ((bs - bs) + (seq_len - seq_len))
    # tf.gather(self.vocabulary, batch) -> (bs, seq_len, tokens_per_item)
    gathered = jnp.take(vocabulary, batch, axis=0)
    tokens_per_item = vocabulary.shape[1]
    # tf.reshape(..., (bs, seq_len * tokens_per_item))
    return gathered.reshape(bs_static, seq_len_static * tokens_per_item)

if __name__ == "__main__":
    import jax
    _d = setup_inputs()
    print(jax.jit(kernel)(*tuple(_d.values())))

</pallas_src>

<mosaic_0001>
#map = affine_map<(d0, d1) -> (0, 0)>
module attributes {stable_mosaic.version = 14 : i64} {
  func.func @_gather_body(%arg0: i32, %arg1: i32, %arg2: memref<1000001x16xi32, #tpu.memory_space<hbm>>, %arg3: memref<1024x800xi32, #tpu.memory_space<hbm>>, %arg4: memref<819200x16xi32, #tpu.memory_space<hbm>>, %arg5: memref<32x800xi32, #tpu.memory_space<vmem>>, %arg6: memref<800x16xi32, #tpu.memory_space<vmem>>, %arg7: memref<800x16xi32, #tpu.memory_space<vmem>>, %arg8: memref<800x16xi32, #tpu.memory_space<vmem>>, %arg9: memref<800x16xi32, #tpu.memory_space<vmem>>, %arg10: memref<!tpu.dma_semaphore, #tpu.memory_space<semaphore_mem>>, %arg11: memref<!tpu.dma_semaphore, #tpu.memory_space<semaphore_mem>>, %arg12: memref<!tpu.dma_semaphore, #tpu.memory_space<semaphore_mem>>, %arg13: memref<!tpu.dma_semaphore, #tpu.memory_space<semaphore_mem>>, %arg14: memref<!tpu.dma_semaphore, #tpu.memory_space<semaphore_mem>>, %arg15: memref<!tpu.dma_semaphore, #tpu.memory_space<semaphore_mem>>, %arg16: memref<!tpu.dma_semaphore, #tpu.memory_space<semaphore_mem>>, %arg17: memref<!tpu.dma_semaphore, #tpu.memory_space<semaphore_mem>>) attributes {dimension_semantics = [#tpu.dimension_semantics<core_parallel>, #tpu.dimension_semantics<subcore_parallel>], iteration_bounds = array<i64: 2, 16>, scalar_prefetch = 0 : i64, scratch_operands = 13 : i64, tpu.core_type = #tpu.core_type<sc_vector_subcore>, window_params = [{transform_indices = #map}, {transform_indices = #map}, {transform_indices = #map}]} {
    %mul3A = arith.constant 2 : i32
    %mul3A_0 = arith.muli %arg1, %mul3A : i32
    %add3A = arith.addi %mul3A_0, %arg0 : i32
    %mul3A_1 = arith.constant 32 : i32
    %mul3A_2 = arith.muli %add3A, %mul3A_1 : i32
    "tpu.region"() ({
      %run_scoped3A = tpu.sem_alloc : memref<!tpu.dma_semaphore, #tpu.memory_space<semaphore_mem>>
      %dma_start3A_897 = arith.constant 0 : i32
      %dma_start3A_898 = tpu.memref_slice %arg3[%mul3A_2, %dma_start3A_897] : memref<1024x800xi32, #tpu.memory_space<hbm>> -> memref<32x800xi32, #tpu.memory_space<hbm>>
      %dma_start3A_899 = arith.constant 0 : i32
      %dma_start3A_900 = tpu.memref_slice %arg3[%mul3A_2, %dma_start3A_899] : memref<1024x800xi32, #tpu.memory_space<hbm>> -> memref<32x800xi32, #tpu.memory_space<hbm>>
      tpu.enqueue_dma source(%dma_start3A_900 : memref<32x800xi32, #tpu.memory_space<hbm>>) target(%arg5 : memref<32x800xi32, #tpu.memory_space<vmem>>) target_semaphore(%run_scoped3A : memref<!tpu.dma_semaphore, #tpu.memory_space<semaphore_mem>>)
      %dma_wait3A_901 = arith.constant 0 : i32
      %dma_wait3A_902 = tpu.memref_slice %arg3[%mul3A_2, %dma_wait3A_901] : memref<1024x800xi32, #tpu.memory_space<hbm>> -> memref<32x800xi32, #tpu.memory_space<hbm>>
      %dma_wait3A_903 = arith.constant 0 : i32
      %dma_wait3A_904 = tpu.memref_slice %arg3[%mul3A_2, %dma_wait3A_903] : memref<1024x800xi32, #tpu.memory_space<hbm>> -> memref<32x800xi32, #tpu.memory_space<hbm>>
      tpu.wait_dma2 semaphore(%run_scoped3A : memref<!tpu.dma_semaphore, #tpu.memory_space<semaphore_mem>>) src(%dma_wait3A_904 : memref<32x800xi32, #tpu.memory_space<hbm>>) dst(%arg5 : memref<32x800xi32, #tpu.memory_space<vmem>>)
      tpu.yield
    }) : () -> ()
    %dma_start3A = arith.constant 0 : i32
    %dma_start3A_3 = arith.constant 0 : i32
    %dma_start3A_4 = tpu.memref_slice %arg5[%dma_start3A, %dma_start3A_3] : memref<32x800xi32, #tpu.memory_space<vmem>> -> memref<1x800xi32, #tpu.memory_space<vmem>>
    %dma_start3A_5 = tpu.memref_squeeze %dma_start3A_4 : memref<1x800xi32, #tpu.memory_space<vmem>> -> memref<800xi32, #tpu.memory_space<vmem>>
    %dma_start3A_6 = arith.constant 0 : i32
    %dma_start3A_7 = arith.constant 0 : i32
    %dma_start3A_8 = tpu.memref_slice %arg2[%dma_start3A_6, %dma_start3A_7] : memref<1000001x16xi32, #tpu.memory_space<hbm>> -> memref<1000001x16xi32, #tpu.memory_space<hbm>>
    tpu.enqueue_indirect_dma source(%dma_start3A_8 : memref<1000001x16xi32, #tpu.memory_space<hbm>>) target(%arg6 : memref<800x16xi32, #tpu.memory_space<vmem>>) offsets(%dma_start3A_5 : memref<800xi32, #tpu.memory_space<vmem>>) semaphore(%arg10 : memref<!tpu.dma_semaphore, #tpu.memory_space<semaphore_mem>>)
    %dma_start3A_9 = arith.constant 1 : i32
    %dma_start3A_10 = arith.constant 0 : i32
    %dma_start3A_11 = tpu.memref_slice %arg5[%dma_start3A_9, %dma_start3A_10] : memref<32x800xi32, #tpu.memory_space<vmem>> -> memref<1x800xi32, #tpu.memory_space<vmem>>
    %dma_start3A_12 = tpu.memref_squeeze %dma_start3A_11 : memref<1x800xi32, #tpu.memory_space<vmem>> -> memref<800xi32, #tpu.memory_space<vmem>>
    %dma_start3A_13 = arith.constant 0 : i32
    %dma_start3A_14 = arith.constant 0 : i32
    %dma_start3A_15 = tpu.memref_slice %arg2[%dma_start3A_13, %dma_start3A_14] : memref<1000001x16xi32, #tpu.memory_space<hbm>> -> memref<1000001x16xi32, #tpu.memory_space<hbm>>
    tpu.enqueue_indirect_dma source(%dma_start3A_15 : memref<1000001x16xi32, #tpu.memory_space<hbm>>) target(%arg7 : memref<800x16xi32, #tpu.memory_space<vmem>>) offsets(%dma_start3A_12 : memref<800xi32, #tpu.memory_space<vmem>>) semaphore(%arg11 : memref<!tpu.dma_semaphore, #tpu.memory_space<semaphore_mem>>)
    %dma_start3A_16 = arith.constant 2 : i32
    %dma_start3A_17 = arith.constant 0 : i32
    %dma_start3A_18 = tpu.memref_slice %arg5[%dma_start3A_16, %dma_start3A_17] : memref<32x800xi32, #tpu.memory_space<vmem>> -> memref<1x800xi32, #tpu.memory_space<vmem>>
    %dma_start3A_19 = tpu.memref_squeeze %dma_start3A_18 : memref<1x800xi32, #tpu.memory_space<vmem>> -> memref<800xi32, #tpu.memory_space<vmem>>
    %dma_start3A_20 = arith.constant 0 : i32
    %dma_start3A_21 = arith.constant 0 : i32
    %dma_start3A_22 = tpu.memref_slice %arg2[%dma_start3A_20, %dma_start3A_21] : memref<1000001x16xi32, #tpu.memory_space<hbm>> -> memref<1000001x16xi32, #tpu.memory_space<hbm>>
    tpu.enqueue_indirect_dma source(%dma_start3A_22 : memref<1000001x16xi32, #tpu.memory_space<hbm>>) target(%arg8 : memref<800x16xi32, #tpu.memory_space<vmem>>) offsets(%dma_start3A_19 : memref<800xi32, #tpu.memory_space<vmem>>) semaphore(%arg12 : memref<!tpu.dma_semaphore, #tpu.memory_space<semaphore_mem>>)
    %dma_start3A_23 = arith.constant 3 : i32
    %dma_start3A_24 = arith.constant 0 : i32
    %dma_start3A_25 = tpu.memref_slice %arg5[%dma_start3A_23, %dma_start3A_24] : memref<32x800xi32, #tpu.memory_space<vmem>> -> memref<1x800xi32, #tpu.memory_space<vmem>>
    %dma_start3A_26 = tpu.memref_squeeze %dma_start3A_25 : memref<1x800xi32, #tpu.memory_space<vmem>> -> memref<800xi32, #tpu.memory_space<vmem>>
    %dma_start3A_27 = arith.constant 0 : i32
    %dma_start3A_28 = arith.constant 0 : i32
    %dma_start3A_29 = tpu.memref_slice %arg2[%dma_start3A_27, %dma_start3A_28] : memref<1000001x16xi32, #tpu.memory_space<hbm>> -> memref<1000001x16xi32, #tpu.memory_space<hbm>>
    tpu.enqueue_indirect_dma source(%dma_start3A_29 : memref<1000001x16xi32, #tpu.memory_space<hbm>>) target(%arg9 : memref<800x16xi32, #tpu.memory_space<vmem>>) offsets(%dma_start3A_26 : memref<800xi32, #tpu.memory_space<vmem>>) semaphore(%arg13 : memref<!tpu.dma_semaphore, #tpu.memory_space<semaphore_mem>>)
    %dma_wait3A = arith.constant 0 : i32
    %dma_wait3A_30 = arith.constant 0 : i32
    %dma_wait3A_31 = tpu.memref_slice %arg5[%dma_wait3A, %dma_wait3A_30] : memref<32x800xi32, #tpu.memory_space<vmem>> -> memref<1x800xi32, #tpu.memory_space<vmem>>
    %dma_wait3A_32 = tpu.memref_squeeze %dma_wait3A_31 : memref<1x800xi32, #tpu.memory_space<vmem>> -> memref<800xi32, #tpu.memory_space<vmem>>
    %dma_wait3A_33 = arith.constant 0 : i32
    %dma_wait3A_34 = arith.constant 0 : i32
    %dma_wait3A_35 = tpu.memref_slice %arg2[%dma_wait3A_33, %dma_wait3A_34] : memref<1000001x16xi32, #tpu.memory_space<hbm>> -> memref<1000001x16xi32, #tpu.memory_space<hbm>>
    tpu.wait_indirect_dma semaphore(%arg10 : memref<!tpu.dma_semaphore, #tpu.memory_space<semaphore_mem>>) src(%dma_wait3A_35 : memref<1000001x16xi32, #tpu.memory_space<hbm>>) dst(%arg6 : memref<800x16xi32, #tpu.memory_space<vmem>>)
    %mul3A_36 = arith.constant 32 : i32
    %mul3A_37 = arith.muli %add3A, %mul3A_36 : i32
    %add3A_38 = arith.constant 0 : i32
    %add3A_39 = arith.addi %mul3A_37, %add3A_38 : i32
    %mul3A_40 = arith.constant 800 : i32
    %mul3A_41 = arith.muli %add3A_39, %mul3A_40 : i32
    %dma_start3A_42 = arith.constant 0 : i32
    %dma_start3A_43 = tpu.memref_slice %arg4[%mul3A_41, %dma_start3A_42] : memref<819200x16xi32, #tpu.memory_space<hbm>> -> memref<800x16xi32, #tpu.memory_space<hbm>>
    %dma_start3A_44 = arith.constant 0 : i32
    %dma_start3A_45 = tpu.memref_slice %arg4[%mul3A_41, %dma_start3A_44] : memref<819200x16xi32, #tpu.memory_space<hbm>> -> memref<800x16xi32, #tpu.memory_space<hbm>>
    tpu.enqueue_dma source(%arg6 : memref<800x16xi32, #tpu.memory_space<vmem>>) target(%dma_start3A_45 : memref<800x16xi32, #tpu.memory_space<hbm>>) target_semaphore(%arg14 : memref<!tpu.dma_semaphore, #tpu.memory_space<semaphore_mem>>)
    %dma_wait3A_46 = arith.constant 0 : i32
    %dma_wait3A_47 = tpu.memref_slice %arg4[%mul3A_41, %dma_wait3A_46] : memref<819200x16xi32, #tpu.memory_space<hbm>> -> memref<800x16xi32, #tpu.memory_space<hbm>>
    %dma_wait3A_48 = arith.constant 0 : i32
    %dma_wait3A_49 = tpu.memref_slice %arg4[%mul3A_41, %dma_wait3A_48] : memref<819200x16xi32, #tpu.memory_space<hbm>> -> memref<800x16xi32, #tpu.memory_space<hbm>>
    tpu.wait_dma2 semaphore(%arg14 : memref<!tpu.dma_semaphore, #tpu.memory_space<semaphore_mem>>) src(%arg6 : memref<800x16xi32, #tpu.memory_space<vmem>>) dst(%dma_wait3A_49 : memref<800x16xi32, #tpu.memory_space<hbm>>)
    %dma_start3A_50 = arith.constant 4 : i32
    %dma_start3A_51 = arith.constant 0 : i32
    %dma_start3A_52 = tpu.memref_slice %arg5[%dma_start3A_50, %dma_start3A_51] : memref<32x800xi32, #tpu.memory_space<vmem>> -> memref<1x800xi32, #tpu.memory_space<vmem>>
    %dma_start3A_53 = tpu.memref_squeeze %dma_start3A_52 : memref<1x800xi32, #tpu.memory_space<vmem>> -> memref<800xi32, #tpu.memory_space<vmem>>
    %dma_start3A_54 = arith.constant 0 : i32
    %dma_start3A_55 = arith.constant 0 : i32
    %dma_start3A_56 = tpu.memref_slice %arg2[%dma_start3A_54, %dma_start3A_55] : memref<1000001x16xi32, #tpu.memory_space<hbm>> -> memref<1000001x16xi32, #tpu.memory_space<hbm>>
    tpu.enqueue_indirect_dma source(%dma_start3A_56 : memref<1000001x16xi32, #tpu.memory_space<hbm>>) target(%arg6 : memref<800x16xi32, #tpu.memory_space<vmem>>) offsets(%dma_start3A_53 : memref<800xi32, #tpu.memory_space<vmem>>) semaphore(%arg10 : memref<!tpu.dma_semaphore, #tpu.memory_space<semaphore_mem>>)
    %dma_wait3A_57 = arith.constant 1 : i32
    %dma_wait3A_58 = arith.constant 0 : i32
    %dma_wait3A_59 = tpu.memref_slice %arg5[%dma_wait3A_57, %dma_wait3A_58] : memref<32x800xi32, #tpu.memory_space<vmem>> -> memref<1x800xi32, #tpu.memory_space<vmem>>
    %dma_wait3A_60 = tpu.memref_squeeze %dma_wait3A_59 : memref<1x800xi32, #tpu.memory_space<vmem>> -> memref<800xi32, #tpu.memory_space<vmem>>
    %dma_wait3A_61 = arith.constant 0 : i32
    %dma_wait3A_62 = arith.constant 0 : i32
    %dma_wait3A_63 = tpu.memref_slice %arg2[%dma_wait3A_61, %dma_wait3A_62] : memref<1000001x16xi32, #tpu.memory_space<hbm>> -> memref<1000001x16xi32, #tpu.memory_space<hbm>>
    tpu.wait_indirect_dma semaphore(%arg11 : memref<!tpu.dma_semaphore, #tpu.memory_space<semaphore_mem>>) src(%dma_wait3A_63 : memref<1000001x16xi32, #tpu.memory_space<hbm>>) dst(%arg7 : memref<800x16xi32, #tpu.memory_space<vmem>>)
    %mul3A_64 = arith.constant 32 : i32
    %mul3A_65 = arith.muli %add3A, %mul3A_64 : i32
    %add3A_66 = arith.constant 1 : i32
    %add3A_67 = arith.addi %mul3A_65, %add3A_66 : i32
    %mul3A_68 = arith.constant 800 : i32
    %mul3A_69 = arith.muli %add3A_67, %mul3A_68 : i32
    %dma_start3A_70 = arith.constant 0 : i32
    %dma_start3A_71 = tpu.memref_slice %arg4[%mul3A_69, %dma_start3A_70] : memref<819200x16xi32, #tpu.memory_space<hbm>> -> memref<800x16xi32, #tpu.memory_space<hbm>>
    %dma_start3A_72 = arith.constant 0 : i32
    %dma_start3A_73 = tpu.memref_slice %arg4[%mul3A_69, %dma_start3A_72] : memref<819200x16xi32, #tpu.memory_space<hbm>> -> memref<800x16xi32, #tpu.memory_space<hbm>>
    tpu.enqueue_dma source(%arg7 : memref<800x16xi32, #tpu.memory_space<vmem>>) target(%dma_start3A_73 : memref<800x16xi32, #tpu.memory_space<hbm>>) target_semaphore(%arg15 : memref<!tpu.dma_semaphore, #tpu.memory_space<semaphore_mem>>)
    %dma_wait3A_74 = arith.constant 0 : i32
    %dma_wait3A_75 = tpu.memref_slice %arg4[%mul3A_69, %dma_wait3A_74] : memref<819200x16xi32, #tpu.memory_space<hbm>> -> memref<800x16xi32, #tpu.memory_space<hbm>>
    %dma_wait3A_76 = arith.constant 0 : i32
    %dma_wait3A_77 = tpu.memref_slice %arg4[%mul3A_69, %dma_wait3A_76] : memref<819200x16xi32, #tpu.memory_space<hbm>> -> memref<800x16xi32, #tpu.memory_space<hbm>>
    tpu.wait_dma2 semaphore(%arg15 : memref<!tpu.dma_semaphore, #tpu.memory_space<semaphore_mem>>) src(%arg7 : memref<800x16xi32, #tpu.memory_space<vmem>>) dst(%dma_wait3A_77 : memref<800x16xi32, #tpu.memory_space<hbm>>)
    %dma_start3A_78 = arith.constant 5 : i32
    %dma_start3A_79 = arith.constant 0 : i32
    %dma_start3A_80 = tpu.memref_slice %arg5[%dma_start3A_78, %dma_start3A_79] : memref<32x800xi32, #tpu.memory_space<vmem>> -> memref<1x800xi32, #tpu.memory_space<vmem>>
    %dma_start3A_81 = tpu.memref_squeeze %dma_start3A_80 : memref<1x800xi32, #tpu.memory_space<vmem>> -> memref<800xi32, #tpu.memory_space<vmem>>
    %dma_start3A_82 = arith.constant 0 : i32
    %dma_start3A_83 = arith.constant 0 : i32
    %dma_start3A_84 = tpu.memref_slice %arg2[%dma_start3A_82, %dma_start3A_83] : memref<1000001x16xi32, #tpu.memory_space<hbm>> -> memref<1000001x16xi32, #tpu.memory_space<hbm>>
    tpu.enqueue_indirect_dma source(%dma_start3A_84 : memref<1000001x16xi32, #tpu.memory_space<hbm>>) target(%arg7 : memref<800x16xi32, #tpu.memory_space<vmem>>) offsets(%dma_start3A_81 : memref<800xi32, #tpu.memory_space<vmem>>) semaphore(%arg11 : memref<!tpu.dma_semaphore, #tpu.memory_space<semaphore_mem>>)
    %dma_wait3A_85 = arith.constant 2 : i32
    %dma_wait3A_86 = arith.constant 0 : i32
    %dma_wait3A_87 = tpu.memref_slice %arg5[%dma_wait3A_85, %dma_wait3A_86] : memref<32x800xi32, #tpu.memory_space<vmem>> -> memref<1x800xi32, #tpu.memory_space<vmem>>
    %dma_wait3A_88 = tpu.memref_squeeze %dma_wait3A_87 : memref<1x800xi32, #tpu.memory_space<vmem>> -> memref<800xi32, #tpu.memory_space<vmem>>
    %dma_wait3A_89 = arith.constant 0 : i32
    %dma_wait3A_90 = arith.constant 0 : i32
    %dma_wait3A_91 = tpu.memref_slice %arg2[%dma_wait3A_89, %dma_wait3A_90] : memref<1000001x16xi32, #tpu.memory_space<hbm>> -> memref<1000001x16xi32, #tpu.memory_space<hbm>>
    tpu.wait_indirect_dma semaphore(%arg12 : memref<!tpu.dma_semaphore, #tpu.memory_space<semaphore_mem>>) src(%dma_wait3A_91 : memref<1000001x16xi32, #tpu.memory_space<hbm>>) dst(%arg8 : memref<800x16xi32, #tpu.memory_space<vmem>>)
    %mul3A_92 = arith.constant 32 : i32
    %mul3A_93 = arith.muli %add3A, %mul3A_92 : i32
    %add3A_94 = arith.constant 2 : i32
    %add3A_95 = arith.addi %mul3A_93, %add3A_94 : i32
    %mul3A_96 = arith.constant 800 : i32
    %mul3A_97 = arith.muli %add3A_95, %mul3A_96 : i32
    %dma_start3A_98 = arith.constant 0 : i32
    %dma_start3A_99 = tpu.memref_slice %arg4[%mul3A_97, %dma_start3A_98] : memref<819200x16xi32, #tpu.memory_space<hbm>> -> memref<800x16xi32, #tpu.memory_space<hbm>>
    %dma_start3A_100 = arith.constant 0 : i32
    %dma_start3A_101 = tpu.memref_slice %arg4[%mul3A_97, %dma_start3A_100] : memref<819200x16xi32, #tpu.memory_space<hbm>> -> memref<800x16xi32, #tpu.memory_space<hbm>>
    tpu.enqueue_dma source(%arg8 : memref<800x16xi32, #tpu.memory_space<vmem>>) target(%dma_start3A_101 : memref<800x16xi32, #tpu.memory_space<hbm>>) target_semaphore(%arg16 : memref<!tpu.dma_semaphore, #tpu.memory_space<semaphore_mem>>)
    %dma_wait3A_102 = arith.constant 0 : i32
    %dma_wait3A_103 = tpu.memref_slice %arg4[%mul3A_97, %dma_wait3A_102] : memref<819200x16xi32, #tpu.memory_space<hbm>> -> memref<800x16xi32, #tpu.memory_space<hbm>>
    %dma_wait3A_104 = arith.constant 0 : i32
    %dma_wait3A_105 = tpu.memref_slice %arg4[%mul3A_97, %dma_wait3A_104] : memref<819200x16xi32, #tpu.memory_space<hbm>> -> memref<800x16xi32, #tpu.memory_space<hbm>>
    tpu.wait_dma2 semaphore(%arg16 : memref<!tpu.dma_semaphore, #tpu.memory_space<semaphore_mem>>) src(%arg8 : memref<800x16xi32, #tpu.memory_space<vmem>>) dst(%dma_wait3A_105 : memref<800x16xi32, #tpu.memory_space<hbm>>)
    %dma_start3A_106 = arith.constant 6 : i32
    %dma_start3A_107 = arith.constant 0 : i32
    %dma_start3A_108 = tpu.memref_slice %arg5[%dma_start3A_106, %dma_start3A_107] : memref<32x800xi32, #tpu.memory_space<vmem>> -> memref<1x800xi32, #tpu.memory_space<vmem>>
    %dma_start3A_109 = tpu.memref_squeeze %dma_start3A_108 : memref<1x800xi32, #tpu.memory_space<vmem>> -> memref<800xi32, #tpu.memory_space<vmem>>
    %dma_start3A_110 = arith.constant 0 : i32
    %dma_start3A_111 = arith.constant 0 : i32
    %dma_start3A_112 = tpu.memref_slice %arg2[%dma_start3A_110, %dma_start3A_111] : memref<1000001x16xi32, #tpu.memory_space<hbm>> -> memref<1000001x16xi32, #tpu.memory_space<hbm>>
    tpu.enqueue_indirect_dma source(%dma_start3A_112 : memref<1000001x16xi32, #tpu.memory_space<hbm>>) target(%arg8 : memref<800x16xi32, #tpu.memory_space<vmem>>) offsets(%dma_start3A_109 : memref<800xi32, #tpu.memory_space<vmem>>) semaphore(%arg12 : memref<!tpu.dma_semaphore, #tpu.memory_space<semaphore_mem>>)
    %dma_wait3A_113 = arith.constant 3 : i32
    %dma_wait3A_114 = arith.constant 0 : i32
    %dma_wait3A_115 = tpu.memref_slice %arg5[%dma_wait3A_113, %dma_wait3A_114] : memref<32x800xi32, #tpu.memory_space<vmem>> -> memref<1x800xi32, #tpu.memory_space<vmem>>
    %dma_wait3A_116 = tpu.memref_squeeze %dma_wait3A_115 : memref<1x800xi32, #tpu.memory_space<vmem>> -> memref<800xi32, #tpu.memory_space<vmem>>
    %dma_wait3A_117 = arith.constant 0 : i32
    %dma_wait3A_118 = arith.constant 0 : i32
    %dma_wait3A_119 = tpu.memref_slice %arg2[%dma_wait3A_117, %dma_wait3A_118] : memref<1000001x16xi32, #tpu.memory_space<hbm>> -> memref<1000001x16xi32, #tpu.memory_space<hbm>>
    tpu.wait_indirect_dma semaphore(%arg13 : memref<!tpu.dma_semaphore, #tpu.memory_space<semaphore_mem>>) src(%dma_wait3A_119 : memref<1000001x16xi32, #tpu.memory_space<hbm>>) dst(%arg9 : memref<800x16xi32, #tpu.memory_space<vmem>>)
    %mul3A_120 = arith.constant 32 : i32
    %mul3A_121 = arith.muli %add3A, %mul3A_120 : i32
    %add3A_122 = arith.constant 3 : i32
    %add3A_123 = arith.addi %mul3A_121, %add3A_122 : i32
    %mul3A_124 = arith.constant 800 : i32
    %mul3A_125 = arith.muli %add3A_123, %mul3A_124 : i32
    %dma_start3A_126 = arith.constant 0 : i32
    %dma_start3A_127 = tpu.memref_slice %arg4[%mul3A_125, %dma_start3A_126] : memref<819200x16xi32, #tpu.memory_space<hbm>> -> memref<800x16xi32, #tpu.memory_space<hbm>>
    %dma_start3A_128 = arith.constant 0 : i32
    %dma_start3A_129 = tpu.memref_slice %arg4[%mul3A_125, %dma_start3A_128] : memref<819200x16xi32, #tpu.memory_space<hbm>> -> memref<800x16xi32, #tpu.memory_space<hbm>>
    tpu.enqueue_dma source(%arg9 : memref<800x16xi32, #tpu.memory_space<vmem>>) target(%dma_start3A_129 : memref<800x16xi32, #tpu.memory_space<hbm>>) target_semaphore(%arg17 : memref<!tpu.dma_semaphore, #tpu.memory_space<semaphore_mem>>)
    %dma_wait3A_130 = arith.constant 0 : i32
    %dma_wait3A_131 = tpu.memref_slice %arg4[%mul3A_125, %dma_wait3A_130] : memref<819200x16xi32, #tpu.memory_space<hbm>> -> memref<800x16xi32, #tpu.memory_space<hbm>>
    %dma_wait3A_132 = arith.constant 0 : i32
    %dma_wait3A_133 = tpu.memref_slice %arg4[%mul3A_125, %dma_wait3A_132] : memref<819200x16xi32, #tpu.memory_space<hbm>> -> memref<800x16xi32, #tpu.memory_space<hbm>>
    tpu.wait_dma2 semaphore(%arg17 : memref<!tpu.dma_semaphore, #tpu.memory_space<semaphore_mem>>) src(%arg9 : memref<800x16xi32, #tpu.memory_space<vmem>>) dst(%dma_wait3A_133 : memref<800x16xi32, #tpu.memory_space<hbm>>)
    %dma_start3A_134 = arith.constant 7 : i32
    %dma_start3A_135 = arith.constant 0 : i32
    %dma_start3A_136 = tpu.memref_slice %arg5[%dma_start3A_134, %dma_start3A_135] : memref<32x800xi32, #tpu.memory_space<vmem>> -> memref<1x800xi32, #tpu.memory_space<vmem>>
    %dma_start3A_137 = tpu.memref_squeeze %dma_start3A_136 : memref<1x800xi32, #tpu.memory_space<vmem>> -> memref<800xi32, #tpu.memory_space<vmem>>
    %dma_start3A_138 = arith.constant 0 : i32
    %dma_start3A_139 = arith.constant 0 : i32
    %dma_start3A_140 = tpu.memref_slice %arg2[%dma_start3A_138, %dma_start3A_139] : memref<1000001x16xi32, #tpu.memory_space<hbm>> -> memref<1000001x16xi32, #tpu.memory_space<hbm>>
    tpu.enqueue_indirect_dma source(%dma_start3A_140 : memref<1000001x16xi32, #tpu.memory_space<hbm>>) target(%arg9 : memref<800x16xi32, #tpu.memory_space<vmem>>) offsets(%dma_start3A_137 : memref<800xi32, #tpu.memory_space<vmem>>) semaphore(%arg13 : memref<!tpu.dma_semaphore, #tpu.memory_space<semaphore_mem>>)
    %dma_wait3A_141 = arith.constant 4 : i32
    %dma_wait3A_142 = arith.constant 0 : i32
    %dma_wait3A_143 = tpu.memref_slice %arg5[%dma_wait3A_141, %dma_wait3A_142] : memref<32x800xi32, #tpu.memory_space<vmem>> -> memref<1x800xi32, #tpu.memory_space<vmem>>
    %dma_wait3A_144 = tpu.memref_squeeze %dma_wait3A_143 : memref<1x800xi32, #tpu.memory_space<vmem>> -> memref<800xi32, #tpu.memory_space<vmem>>
    %dma_wait3A_145 = arith.constant 0 : i32
    %dma_wait3A_146 = arith.constant 0 : i32
    %dma_wait3A_147 = tpu.memref_slice %arg2[%dma_wait3A_145, %dma_wait3A_146] : memref<1000001x16xi32, #tpu.memory_space<hbm>> -> memref<1000001x16xi32, #tpu.memory_space<hbm>>
    tpu.wait_indirect_dma semaphore(%arg10 : memref<!tpu.dma_semaphore, #tpu.memory_space<semaphore_mem>>) src(%dma_wait3A_147 : memref<1000001x16xi32, #tpu.memory_space<hbm>>) dst(%arg6 : memref<800x16xi32, #tpu.memory_space<vmem>>)
    %mul3A_148 = arith.constant 32 : i32
    %mul3A_149 = arith.muli %add3A, %mul3A_148 : i32
    %add3A_150 = arith.constant 4 : i32
    %add3A_151 = arith.addi %mul3A_149, %add3A_150 : i32
    %mul3A_152 = arith.constant 800 : i32
    %mul3A_153 = arith.muli %add3A_151, %mul3A_152 : i32
    %dma_start3A_154 = arith.constant 0 : i32
    %dma_start3A_155 = tpu.memref_slice %arg4[%mul3A_153, %dma_start3A_154] : memref<819200x16xi32, #tpu.memory_space<hbm>> -> memref<800x16xi32, #tpu.memory_space<hbm>>
    %dma_start3A_156 = arith.constant 0 : i32
    %dma_start3A_157 = tpu.memref_slice %arg4[%mul3A_153, %dma_start3A_156] : memref<819200x16xi32, #tpu.memory_space<hbm>> -> memref<800x16xi32, #tpu.memory_space<hbm>>
    tpu.enqueue_dma source(%arg6 : memref<800x16xi32, #tpu.memory_space<vmem>>) target(%dma_start3A_157 : memref<800x16xi32, #tpu.memory_space<hbm>>) target_semaphore(%arg14 : memref<!tpu.dma_semaphore, #tpu.memory_space<semaphore_mem>>)
    %dma_wait3A_158 = arith.constant 0 : i32
    %dma_wait3A_159 = tpu.memref_slice %arg4[%mul3A_153, %dma_wait3A_158] : memref<819200x16xi32, #tpu.memory_space<hbm>> -> memref<800x16xi32, #tpu.memory_space<hbm>>
    %dma_wait3A_160 = arith.constant 0 : i32
    %dma_wait3A_161 = tpu.memref_slice %arg4[%mul3A_153, %dma_wait3A_160] : memref<819200x16xi32, #tpu.memory_space<hbm>> -> memref<800x16xi32, #tpu.memory_space<hbm>>
    tpu.wait_dma2 semaphore(%arg14 : memref<!tpu.dma_semaphore, #tpu.memory_space<semaphore_mem>>) src(%arg6 : memref<800x16xi32, #tpu.memory_space<vmem>>) dst(%dma_wait3A_161 : memref<800x16xi32, #tpu.memory_space<hbm>>)
    %dma_start3A_162 = arith.constant 8 : i32
    %dma_start3A_163 = arith.constant 0 : i32
    %dma_start3A_164 = tpu.memref_slice %arg5[%dma_start3A_162, %dma_start3A_163] : memref<32x800xi32, #tpu.memory_space<vmem>> -> memref<1x800xi32, #tpu.memory_space<vmem>>
    %dma_start3A_165 = tpu.memref_squeeze %dma_start3A_164 : memref<1x800xi32, #tpu.memory_space<vmem>> -> memref<800xi32, #tpu.memory_space<vmem>>
    %dma_start3A_166 = arith.constant 0 : i32
    %dma_start3A_167 = arith.constant 0 : i32
    %dma_start3A_168 = tpu.memref_slice %arg2[%dma_start3A_166, %dma_start3A_167] : memref<1000001x16xi32, #tpu.memory_space<hbm>> -> memref<1000001x16xi32, #tpu.memory_space<hbm>>
    tpu.enqueue_indirect_dma source(%dma_start3A_168 : memref<1000001x16xi32, #tpu.memory_space<hbm>>) target(%arg6 : memref<800x16xi32, #tpu.memory_space<vmem>>) offsets(%dma_start3A_165 : memref<800xi32, #tpu.memory_space<vmem>>) semaphore(%arg10 : memref<!tpu.dma_semaphore, #tpu.memory_space<semaphore_mem>>)
    %dma_wait3A_169 = arith.constant 5 : i32
    %dma_wait3A_170 = arith.constant 0 : i32
    %dma_wait3A_171 = tpu.memref_slice %arg5[%dma_wait3A_169, %dma_wait3A_170] : memref<32x800xi32, #tpu.memory_space<vmem>> -> memref<1x800xi32, #tpu.memory_space<vmem>>
    %dma_wait3A_172 = tpu.memref_squeeze %dma_wait3A_171 : memref<1x800xi32, #tpu.memory_space<vmem>> -> memref<800xi32, #tpu.memory_space<vmem>>
    %dma_wait3A_173 = arith.constant 0 : i32
    %dma_wait3A_174 = arith.constant 0 : i32
    %dma_wait3A_175 = tpu.memref_slice %arg2[%dma_wait3A_173, %dma_wait3A_174] : memref<1000001x16xi32, #tpu.memory_space<hbm>> -> memref<1000001x16xi32, #tpu.memory_space<hbm>>
    tpu.wait_indirect_dma semaphore(%arg11 : memref<!tpu.dma_semaphore, #tpu.memory_space<semaphore_mem>>) src(%dma_wait3A_175 : memref<1000001x16xi32, #tpu.memory_space<hbm>>) dst(%arg7 : memref<800x16xi32, #tpu.memory_space<vmem>>)
    %mul3A_176 = arith.constant 32 : i32
    %mul3A_177 = arith.muli %add3A, %mul3A_176 : i32
    %add3A_178 = arith.constant 5 : i32
    %add3A_179 = arith.addi %mul3A_177, %add3A_178 : i32
    %mul3A_180 = arith.constant 800 : i32
    %mul3A_181 = arith.muli %add3A_179, %mul3A_180 : i32
    %dma_start3A_182 = arith.constant 0 : i32
    %dma_start3A_183 = tpu.memref_slice %arg4[%mul3A_181, %dma_start3A_182] : memref<819200x16xi32, #tpu.memory_space<hbm>> -> memref<800x16xi32, #tpu.memory_space<hbm>>
    %dma_start3A_184 = arith.constant 0 : i32
    %dma_start3A_185 = tpu.memref_slice %arg4[%mul3A_181, %dma_start3A_184] : memref<819200x16xi32, #tpu.memory_space<hbm>> -> memref<800x16xi32, #tpu.memory_space<hbm>>
    tpu.enqueue_dma source(%arg7 : memref<800x16xi32, #tpu.memory_space<vmem>>) target(%dma_start3A_185 : memref<800x16xi32, #tpu.memory_space<hbm>>) target_semaphore(%arg15 : memref<!tpu.dma_semaphore, #tpu.memory_space<semaphore_mem>>)
    %dma_wait3A_186 = arith.constant 0 : i32
    %dma_wait3A_187 = tpu.memref_slice %arg4[%mul3A_181, %dma_wait3A_186] : memref<819200x16xi32, #tpu.memory_space<hbm>> -> memref<800x16xi32, #tpu.memory_space<hbm>>
    %dma_wait3A_188 = arith.constant 0 : i32
    %dma_wait3A_189 = tpu.memref_slice %arg4[%mul3A_181, %dma_wait3A_188] : memref<819200x16xi32, #tpu.memory_space<hbm>> -> memref<800x16xi32, #tpu.memory_space<hbm>>
    tpu.wait_dma2 semaphore(%arg15 : memref<!tpu.dma_semaphore, #tpu.memory_space<semaphore_mem>>) src(%arg7 : memref<800x16xi32, #tpu.memory_space<vmem>>) dst(%dma_wait3A_189 : memref<800x16xi32, #tpu.memory_space<hbm>>)
    %dma_start3A_190 = arith.constant 9 : i32
    %dma_start3A_191 = arith.constant 0 : i32
    %dma_start3A_192 = tpu.memref_slice %arg5[%dma_start3A_190, %dma_start3A_191] : memref<32x800xi32, #tpu.memory_space<vmem>> -> memref<1x800xi32, #tpu.memory_space<vmem>>
    %dma_start3A_193 = tpu.memref_squeeze %dma_start3A_192 : memref<1x800xi32, #tpu.memory_space<vmem>> -> memref<800xi32, #tpu.memory_space<vmem>>
    %dma_start3A_194 = arith.constant 0 : i32
    %dma_start3A_195 = arith.constant 0 : i32
    %dma_start3A_196 = tpu.memref_slice %arg2[%dma_start3A_194, %dma_start3A_195] : memref<1000001x16xi32, #tpu.memory_space<hbm>> -> memref<1000001x16xi32, #tpu.memory_space<hbm>>
    tpu.enqueue_indirect_dma source(%dma_start3A_196 : memref<1000001x16xi32, #tpu.memory_space<hbm>>) target(%arg7 : memref<800x16xi32, #tpu.memory_space<vmem>>) offsets(%dma_start3A_193 : memref<800xi32, #tpu.memory_space<vmem>>) semaphore(%arg11 : memref<!tpu.dma_semaphore, #tpu.memory_space<semaphore_mem>>)
    %dma_wait3A_197 = arith.constant 6 : i32
    %dma_wait3A_198 = arith.constant 0 : i32
    %dma_wait3A_199 = tpu.memref_slice %arg5[%dma_wait3A_197, %dma_wait3A_198] : memref<32x800xi32, #tpu.memory_space<vmem>> -> memref<1x800xi32, #tpu.memory_space<vmem>>
    %dma_wait3A_200 = tpu.memref_squeeze %dma_wait3A_199 : memref<1x800xi32, #tpu.memory_space<vmem>> -> memref<800xi32, #tpu.memory_space<vmem>>
    %dma_wait3A_201 = arith.constant 0 : i32
    %dma_wait3A_202 = arith.constant 0 : i32
    %dma_wait3A_203 = tpu.memref_slice %arg2[%dma_wait3A_201, %dma_wait3A_202] : memref<1000001x16xi32, #tpu.memory_space<hbm>> -> memref<1000001x16xi32, #tpu.memory_space<hbm>>
    tpu.wait_indirect_dma semaphore(%arg12 : memref<!tpu.dma_semaphore, #tpu.memory_space<semaphore_mem>>) src(%dma_wait3A_203 : memref<1000001x16xi32, #tpu.memory_space<hbm>>) dst(%arg8 : memref<800x16xi32, #tpu.memory_space<vmem>>)
    %mul3A_204 = arith.constant 32 : i32
    %mul3A_205 = arith.muli %add3A, %mul3A_204 : i32
    %add3A_206 = arith.constant 6 : i32
    %add3A_207 = arith.addi %mul3A_205, %add3A_206 : i32
    %mul3A_208 = arith.constant 800 : i32
    %mul3A_209 = arith.muli %add3A_207, %mul3A_208 : i32
    %dma_start3A_210 = arith.constant 0 : i32
    %dma_start3A_211 = tpu.memref_slice %arg4[%mul3A_209, %dma_start3A_210] : memref<819200x16xi32, #tpu.memory_space<hbm>> -> memref<800x16xi32, #tpu.memory_space<hbm>>
    %dma_start3A_212 = arith.constant 0 : i32
    %dma_start3A_213 = tpu.memref_slice %arg4[%mul3A_209, %dma_start3A_212] : memref<819200x16xi32, #tpu.memory_space<hbm>> -> memref<800x16xi32, #tpu.memory_space<hbm>>
    tpu.enqueue_dma source(%arg8 : memref<800x16xi32, #tpu.memory_space<vmem>>) target(%dma_start3A_213 : memref<800x16xi32, #tpu.memory_space<hbm>>) target_semaphore(%arg16 : memref<!tpu.dma_semaphore, #tpu.memory_space<semaphore_mem>>)
    %dma_wait3A_214 = arith.constant 0 : i32
    %dma_wait3A_215 = tpu.memref_slice %arg4[%mul3A_209, %dma_wait3A_214] : memref<819200x16xi32, #tpu.memory_space<hbm>> -> memref<800x16xi32, #tpu.memory_space<hbm>>
    %dma_wait3A_216 = arith.constant 0 : i32
    %dma_wait3A_217 = tpu.memref_slice %arg4[%mul3A_209, %dma_wait3A_216] : memref<819200x16xi32, #tpu.memory_space<hbm>> -> memref<800x16xi32, #tpu.memory_space<hbm>>
    tpu.wait_dma2 semaphore(%arg16 : memref<!tpu.dma_semaphore, #tpu.memory_space<semaphore_mem>>) src(%arg8 : memref<800x16xi32, #tpu.memory_space<vmem>>) dst(%dma_wait3A_217 : memref<800x16xi32, #tpu.memory_space<hbm>>)
    %dma_start3A_218 = arith.constant 10 : i32
    %dma_start3A_219 = arith.constant 0 : i32
    %dma_start3A_220 = tpu.memref_slice %arg5[%dma_start3A_218, %dma_start3A_219] : memref<32x800xi32, #tpu.memory_space<vmem>> -> memref<1x800xi32, #tpu.memory_space<vmem>>
    %dma_start3A_221 = tpu.memref_squeeze %dma_start3A_220 : memref<1x800xi32, #tpu.memory_space<vmem>> -> memref<800xi32, #tpu.memory_space<vmem>>
    %dma_start3A_222 = arith.constant 0 : i32
    %dma_start3A_223 = arith.constant 0 : i32
    %dma_start3A_224 = tpu.memref_slice %arg2[%dma_start3A_222, %dma_start3A_223] : memref<1000001x16xi32, #tpu.memory_space<hbm>> -> memref<1000001x16xi32, #tpu.memory_space<hbm>>
    tpu.enqueue_indirect_dma source(%dma_start3A_224 : memref<1000001x16xi32, #tpu.memory_space<hbm>>) target(%arg8 : memref<800x16xi32, #tpu.memory_space<vmem>>) offsets(%dma_start3A_221 : memref<800xi32, #tpu.memory_space<vmem>>) semaphore(%arg12 : memref<!tpu.dma_semaphore, #tpu.memory_space<semaphore_mem>>)
    %dma_wait3A_225 = arith.constant 7 : i32
    %dma_wait3A_226 = arith.constant 0 : i32
    %dma_wait3A_227 = tpu.memref_slice %arg5[%dma_wait3A_225, %dma_wait3A_226] : memref<32x800xi32, #tpu.memory_space<vmem>> -> memref<1x800xi32, #tpu.memory_space<vmem>>
    %dma_wait3A_228 = tpu.memref_squeeze %dma_wait3A_227 : memref<1x800xi32, #tpu.memory_space<vmem>> -> memref<800xi32, #tpu.memory_space<vmem>>
    %dma_wait3A_229 = arith.constant 0 : i32
    %dma_wait3A_230 = arith.constant 0 : i32
    %dma_wait3A_231 = tpu.memref_slice %arg2[%dma_wait3A_229, %dma_wait3A_230] : memref<1000001x16xi32, #tpu.memory_space<hbm>> -> memref<1000001x16xi32, #tpu.memory_space<hbm>>
    tpu.wait_indirect_dma semaphore(%arg13 : memref<!tpu.dma_semaphore, #tpu.memory_space<semaphore_mem>>) src(%dma_wait3A_231 : memref<1000001x16xi32, #tpu.memory_space<hbm>>) dst(%arg9 : memref<800x16xi32, #tpu.memory_space<vmem>>)
    %mul3A_232 = arith.constant 32 : i32
    %mul3A_233 = arith.muli %add3A, %mul3A_232 : i32
    %add3A_234 = arith.constant 7 : i32
    %add3A_235 = arith.addi %mul3A_233, %add3A_234 : i32
    %mul3A_236 = arith.constant 800 : i32
    %mul3A_237 = arith.muli %add3A_235, %mul3A_236 : i32
    %dma_start3A_238 = arith.constant 0 : i32
    %dma_start3A_239 = tpu.memref_slice %arg4[%mul3A_237, %dma_start3A_238] : memref<819200x16xi32, #tpu.memory_space<hbm>> -> memref<800x16xi32, #tpu.memory_space<hbm>>
    %dma_start3A_240 = arith.constant 0 : i32
    %dma_start3A_241 = tpu.memref_slice %arg4[%mul3A_237, %dma_start3A_240] : memref<819200x16xi32, #tpu.memory_space<hbm>> -> memref<800x16xi32, #tpu.memory_space<hbm>>
    tpu.enqueue_dma source(%arg9 : memref<800x16xi32, #tpu.memory_space<vmem>>) target(%dma_start3A_241 : memref<800x16xi32, #tpu.memory_space<hbm>>) target_semaphore(%arg17 : memref<!tpu.dma_semaphore, #tpu.memory_space<semaphore_mem>>)
    %dma_wait3A_242 = arith.constant 0 : i32
    %dma_wait3A_243 = tpu.memref_slice %arg4[%mul3A_237, %dma_wait3A_242] : memref<819200x16xi32, #tpu.memory_space<hbm>> -> memref<800x16xi32, #tpu.memory_space<hbm>>
    %dma_wait3A_244 = arith.constant 0 : i32
    %dma_wait3A_245 = tpu.memref_slice %arg4[%mul3A_237, %dma_wait3A_244] : memref<819200x16xi32, #tpu.memory_space<hbm>> -> memref<800x16xi32, #tpu.memory_space<hbm>>
    tpu.wait_dma2 semaphore(%arg17 : memref<!tpu.dma_semaphore, #tpu.memory_space<semaphore_mem>>) src(%arg9 : memref<800x16xi32, #tpu.memory_space<vmem>>) dst(%dma_wait3A_245 : memref<800x16xi32, #tpu.memory_space<hbm>>)
    %dma_start3A_246 = arith.constant 11 : i32
    %dma_start3A_247 = arith.constant 0 : i32
    %dma_start3A_248 = tpu.memref_slice %arg5[%dma_start3A_246, %dma_start3A_247] : memref<32x800xi32, #tpu.memory_space<vmem>> -> memref<1x800xi32, #tpu.memory_space<vmem>>
    %dma_start3A_249 = tpu.memref_squeeze %dma_start3A_248 : memref<1x800xi32, #tpu.memory_space<vmem>> -> memref<800xi32, #tpu.memory_space<vmem>>
    %dma_start3A_250 = arith.constant 0 : i32
    %dma_start3A_251 = arith.constant 0 : i32
    %dma_start3A_252 = tpu.memref_slice %arg2[%dma_start3A_250, %dma_start3A_251] : memref<1000001x16xi32, #tpu.memory_space<hbm>> -> memref<1000001x16xi32, #tpu.memory_space<hbm>>
    tpu.enqueue_indirect_dma source(%dma_start3A_252 : memref<1000001x16xi32, #tpu.memory_space<hbm>>) target(%arg9 : memref<800x16xi32, #tpu.memory_space<vmem>>) offsets(%dma_start3A_249 : memref<800xi32, #tpu.memory_space<vmem>>) semaphore(%arg13 : memref<!tpu.dma_semaphore, #tpu.memory_space<semaphore_mem>>)
    %dma_wait3A_253 = arith.constant 8 : i32
    %dma_wait3A_254 = arith.constant 0 : i32
    %dma_wait3A_255 = tpu.memref_slice %arg5[%dma_wait3A_253, %dma_wait3A_254] : memref<32x800xi32, #tpu.memory_space<vmem>> -> memref<1x800xi32, #tpu.memory_space<vmem>>
    %dma_wait3A_256 = tpu.memref_squeeze %dma_wait3A_255 : memref<1x800xi32, #tpu.memory_space<vmem>> -> memref<800xi32, #tpu.memory_space<vmem>>
    %dma_wait3A_257 = arith.constant 0 : i32
    %dma_wait3A_258 = arith.constant 0 : i32
    %dma_wait3A_259 = tpu.memref_slice %arg2[%dma_wait3A_257, %dma_wait3A_258] : memref<1000001x16xi32, #tpu.memory_space<hbm>> -> memref<1000001x16xi32, #tpu.memory_space<hbm>>
    tpu.wait_indirect_dma semaphore(%arg10 : memref<!tpu.dma_semaphore, #tpu.memory_space<semaphore_mem>>) src(%dma_wait3A_259 : memref<1000001x16xi32, #tpu.memory_space<hbm>>) dst(%arg6 : memref<800x16xi32, #tpu.memory_space<vmem>>)
    %mul3A_260 = arith.constant 32 : i32
    %mul3A_261 = arith.muli %add3A, %mul3A_260 : i32
    %add3A_262 = arith.constant 8 : i32
    %add3A_263 = arith.addi %mul3A_261, %add3A_262 : i32
    %mul3A_264 = arith.constant 800 : i32
    %mul3A_265 = arith.muli %add3A_263, %mul3A_264 : i32
    %dma_start3A_266 = arith.constant 0 : i32
    %dma_start3A_267 = tpu.memref_slice %arg4[%mul3A_265, %dma_start3A_266] : memref<819200x16xi32, #tpu.memory_space<hbm>> -> memref<800x16xi32, #tpu.memory_space<hbm>>
    %dma_start3A_268 = arith.constant 0 : i32
    %dma_start3A_269 = tpu.memref_slice %arg4[%mul3A_265, %dma_start3A_268] : memref<819200x16xi32, #tpu.memory_space<hbm>> -> memref<800x16xi32, #tpu.memory_space<hbm>>
    tpu.enqueue_dma source(%arg6 : memref<800x16xi32, #tpu.memory_space<vmem>>) target(%dma_start3A_269 : memref<800x16xi32, #tpu.memory_space<hbm>>) target_semaphore(%arg14 : memref<!tpu.dma_semaphore, #tpu.memory_space<semaphore_mem>>)
    %dma_wait3A_270 = arith.constant 0 : i32
    %dma_wait3A_271 = tpu.memref_slice %arg4[%mul3A_265, %dma_wait3A_270] : memref<819200x16xi32, #tpu.memory_space<hbm>> -> memref<800x16xi32, #tpu.memory_space<hbm>>
    %dma_wait3A_272 = arith.constant 0 : i32
    %dma_wait3A_273 = tpu.memref_slice %arg4[%mul3A_265, %dma_wait3A_272] : memref<819200x16xi32, #tpu.memory_space<hbm>> -> memref<800x16xi32, #tpu.memory_space<hbm>>
    tpu.wait_dma2 semaphore(%arg14 : memref<!tpu.dma_semaphore, #tpu.memory_space<semaphore_mem>>) src(%arg6 : memref<800x16xi32, #tpu.memory_space<vmem>>) dst(%dma_wait3A_273 : memref<800x16xi32, #tpu.memory_space<hbm>>)
    %dma_start3A_274 = arith.constant 12 : i32
    %dma_start3A_275 = arith.constant 0 : i32
    %dma_start3A_276 = tpu.memref_slice %arg5[%dma_start3A_274, %dma_start3A_275] : memref<32x800xi32, #tpu.memory_space<vmem>> -> memref<1x800xi32, #tpu.memory_space<vmem>>
    %dma_start3A_277 = tpu.memref_squeeze %dma_start3A_276 : memref<1x800xi32, #tpu.memory_space<vmem>> -> memref<800xi32, #tpu.memory_space<vmem>>
    %dma_start3A_278 = arith.constant 0 : i32
    %dma_start3A_279 = arith.constant 0 : i32
    %dma_start3A_280 = tpu.memref_slice %arg2[%dma_start3A_278, %dma_start3A_279] : memref<1000001x16xi32, #tpu.memory_space<hbm>> -> memref<1000001x16xi32, #tpu.memory_space<hbm>>
    tpu.enqueue_indirect_dma source(%dma_start3A_280 : memref<1000001x16xi32, #tpu.memory_space<hbm>>) target(%arg6 : memref<800x16xi32, #tpu.memory_space<vmem>>) offsets(%dma_start3A_277 : memref<800xi32, #tpu.memory_space<vmem>>) semaphore(%arg10 : memref<!tpu.dma_semaphore, #tpu.memory_space<semaphore_mem>>)
    %dma_wait3A_281 = arith.constant 9 : i32
    %dma_wait3A_282 = arith.constant 0 : i32
    %dma_wait3A_283 = tpu.memref_slice %arg5[%dma_wait3A_281, %dma_wait3A_282] : memref<32x800xi32, #tpu.memory_space<vmem>> -> memref<1x800xi32, #tpu.memory_space<vmem>>
    %dma_wait3A_284 = tpu.memref_squeeze %dma_wait3A_283 : memref<1x800xi32, #tpu.memory_space<vmem>> -> memref<800xi32, #tpu.memory_space<vmem>>
    %dma_wait3A_285 = arith.constant 0 : i32
    %dma_wait3A_286 = arith.constant 0 : i32
    %dma_wait3A_287 = tpu.memref_slice %arg2[%dma_wait3A_285, %dma_wait3A_286] : memref<1000001x16xi32, #tpu.memory_space<hbm>> -> memref<1000001x16xi32, #tpu.memory_space<hbm>>
    tpu.wait_indirect_dma semaphore(%arg11 : memref<!tpu.dma_semaphore, #tpu.memory_space<semaphore_mem>>) src(%dma_wait3A_287 : memref<1000001x16xi32, #tpu.memory_space<hbm>>) dst(%arg7 : memref<800x16xi32, #tpu.memory_space<vmem>>)
    %mul3A_288 = arith.constant 32 : i32
    %mul3A_289 = arith.muli %add3A, %mul3A_288 : i32
    %add3A_290 = arith.constant 9 : i32
    %add3A_291 = arith.addi %mul3A_289, %add3A_290 : i32
    %mul3A_292 = arith.constant 800 : i32
    %mul3A_293 = arith.muli %add3A_291, %mul3A_292 : i32
    %dma_start3A_294 = arith.constant 0 : i32
    %dma_start3A_295 = tpu.memref_slice %arg4[%mul3A_293, %dma_start3A_294] : memref<819200x16xi32, #tpu.memory_space<hbm>> -> memref<800x16xi32, #tpu.memory_space<hbm>>
    %dma_start3A_296 = arith.constant 0 : i32
    %dma_start3A_297 = tpu.memref_slice %arg4[%mul3A_293, %dma_start3A_296] : memref<819200x16xi32, #tpu.memory_space<hbm>> -> memref<800x16xi32, #tpu.memory_space<hbm>>
    tpu.enqueue_dma source(%arg7 : memref<800x16xi32, #tpu.memory_space<vmem>>) target(%dma_start3A_297 : memref<800x16xi32, #tpu.memory_space<hbm>>) target_semaphore(%arg15 : memref<!tpu.dma_semaphore, #tpu.memory_space<semaphore_mem>>)
    %dma_wait3A_298 = arith.constant 0 : i32
    %dma_wait3A_299 = tpu.memref_slice %arg4[%mul3A_293, %dma_wait3A_298] : memref<819200x16xi32, #tpu.memory_space<hbm>> -> memref<800x16xi32, #tpu.memory_space<hbm>>
    %dma_wait3A_300 = arith.constant 0 : i32
    %dma_wait3A_301 = tpu.memref_slice %arg4[%mul3A_293, %dma_wait3A_300] : memref<819200x16xi32, #tpu.memory_space<hbm>> -> memref<800x16xi32, #tpu.memory_space<hbm>>
    tpu.wait_dma2 semaphore(%arg15 : memref<!tpu.dma_semaphore, #tpu.memory_space<semaphore_mem>>) src(%arg7 : memref<800x16xi32, #tpu.memory_space<vmem>>) dst(%dma_wait3A_301 : memref<800x16xi32, #tpu.memory_space<hbm>>)
    %dma_start3A_302 = arith.constant 13 : i32
    %dma_start3A_303 = arith.constant 0 : i32
    %dma_start3A_304 = tpu.memref_slice %arg5[%dma_start3A_302, %dma_start3A_303] : memref<32x800xi32, #tpu.memory_space<vmem>> -> memref<1x800xi32, #tpu.memory_space<vmem>>
    %dma_start3A_305 = tpu.memref_squeeze %dma_start3A_304 : memref<1x800xi32, #tpu.memory_space<vmem>> -> memref<800xi32, #tpu.memory_space<vmem>>
    %dma_start3A_306 = arith.constant 0 : i32
    %dma_start3A_307 = arith.constant 0 : i32
    %dma_start3A_308 = tpu.memref_slice %arg2[%dma_start3A_306, %dma_start3A_307] : memref<1000001x16xi32, #tpu.memory_space<hbm>> -> memref<1000001x16xi32, #tpu.memory_space<hbm>>
    tpu.enqueue_indirect_dma source(%dma_start3A_308 : memref<1000001x16xi32, #tpu.memory_space<hbm>>) target(%arg7 : memref<800x16xi32, #tpu.memory_space<vmem>>) offsets(%dma_start3A_305 : memref<800xi32, #tpu.memory_space<vmem>>) semaphore(%arg11 : memref<!tpu.dma_semaphore, #tpu.memory_space<semaphore_mem>>)
    %dma_wait3A_309 = arith.constant 10 : i32
    %dma_wait3A_310 = arith.constant 0 : i32
    %dma_wait3A_311 = tpu.memref_slice %arg5[%dma_wait3A_309, %dma_wait3A_310] : memref<32x800xi32, #tpu.memory_space<vmem>> -> memref<1x800xi32, #tpu.memory_space<vmem>>
    %dma_wait3A_312 = tpu.memref_squeeze %dma_wait3A_311 : memref<1x800xi32, #tpu.memory_space<vmem>> -> memref<800xi32, #tpu.memory_space<vmem>>
    %dma_wait3A_313 = arith.constant 0 : i32
    %dma_wait3A_314 = arith.constant 0 : i32
    %dma_wait3A_315 = tpu.memref_slice %arg2[%dma_wait3A_313, %dma_wait3A_314] : memref<1000001x16xi32, #tpu.memory_space<hbm>> -> memref<1000001x16xi32, #tpu.memory_space<hbm>>
    tpu.wait_indirect_dma semaphore(%arg12 : memref<!tpu.dma_semaphore, #tpu.memory_space<semaphore_mem>>) src(%dma_wait3A_315 : memref<1000001x16xi32, #tpu.memory_space<hbm>>) dst(%arg8 : memref<800x16xi32, #tpu.memory_space<vmem>>)
    %mul3A_316 = arith.constant 32 : i32
    %mul3A_317 = arith.muli %add3A, %mul3A_316 : i32
    %add3A_318 = arith.constant 10 : i32
    %add3A_319 = arith.addi %mul3A_317, %add3A_318 : i32
    %mul3A_320 = arith.constant 800 : i32
    %mul3A_321 = arith.muli %add3A_319, %mul3A_320 : i32
    %dma_start3A_322 = arith.constant 0 : i32
    %dma_start3A_323 = tpu.memref_slice %arg4[%mul3A_321, %dma_start3A_322] : memref<819200x16xi32, #tpu.memory_space<hbm>> -> memref<800x16xi32, #tpu.memory_space<hbm>>
    %dma_start3A_324 = arith.constant 0 : i32
    %dma_start3A_325 = tpu.memref_slice %arg4[%mul3A_321, %dma_start3A_324] : memref<819200x16xi32, #tpu.memory_space<hbm>> -> memref<800x16xi32, #tpu.memory_space<hbm>>
    tpu.enqueue_dma source(%arg8 : memref<800x16xi32, #tpu.memory_space<vmem>>) target(%dma_start3A_325 : memref<800x16xi32, #tpu.memory_space<hbm>>) target_semaphore(%arg16 : memref<!tpu.dma_semaphore, #tpu.memory_space<semaphore_mem>>)
    %dma_wait3A_326 = arith.constant 0 : i32
    %dma_wait3A_327 = tpu.memref_slice %arg4[%mul3A_321, %dma_wait3A_326] : memref<819200x16xi32, #tpu.memory_space<hbm>> -> memref<800x16xi32, #tpu.memory_space<hbm>>
    %dma_wait3A_328 = arith.constant 0 : i32
    %dma_wait3A_329 = tpu.memref_slice %arg4[%mul3A_321, %dma_wait3A_328] : memref<819200x16xi32, #tpu.memory_space<hbm>> -> memref<800x16xi32, #tpu.memory_space<hbm>>
    tpu.wait_dma2 semaphore(%arg16 : memref<!tpu.dma_semaphore, #tpu.memory_space<semaphore_mem>>) src(%arg8 : memref<800x16xi32, #tpu.memory_space<vmem>>) dst(%dma_wait3A_329 : memref<800x16xi32, #tpu.memory_space<hbm>>)
    %dma_start3A_330 = arith.constant 14 : i32
    %dma_start3A_331 = arith.constant 0 : i32
    %dma_start3A_332 = tpu.memref_slice %arg5[%dma_start3A_330, %dma_start3A_331] : memref<32x800xi32, #tpu.memory_space<vmem>> -> memref<1x800xi32, #tpu.memory_space<vmem>>
    %dma_start3A_333 = tpu.memref_squeeze %dma_start3A_332 : memref<1x800xi32, #tpu.memory_space<vmem>> -> memref<800xi32, #tpu.memory_space<vmem>>
    %dma_start3A_334 = arith.constant 0 : i32
    %dma_start3A_335 = arith.constant 0 : i32
    %dma_start3A_336 = tpu.memref_slice %arg2[%dma_start3A_334, %dma_start3A_335] : memref<1000001x16xi32, #tpu.memory_space<hbm>> -> memref<1000001x16xi32, #tpu.memory_space<hbm>>
    tpu.enqueue_indirect_dma source(%dma_start3A_336 : memref<1000001x16xi32, #tpu.memory_space<hbm>>) target(%arg8 : memref<800x16xi32, #tpu.memory_space<vmem>>) offsets(%dma_start3A_333 : memref<800xi32, #tpu.memory_space<vmem>>) semaphore(%arg12 : memref<!tpu.dma_semaphore, #tpu.memory_space<semaphore_mem>>)
    %dma_wait3A_337 = arith.constant 11 : i32
    %dma_wait3A_338 = arith.constant 0 : i32
    %dma_wait3A_339 = tpu.memref_slice %arg5[%dma_wait3A_337, %dma_wait3A_338] : memref<32x800xi32, #tpu.memory_space<vmem>> -> memref<1x800xi32, #tpu.memory_space<vmem>>
    %dma_wait3A_340 = tpu.memref_squeeze %dma_wait3A_339 : memref<1x800xi32, #tpu.memory_space<vmem>> -> memref<800xi32, #tpu.memory_space<vmem>>
    %dma_wait3A_341 = arith.constant 0 : i32
    %dma_wait3A_342 = arith.constant 0 : i32
    %dma_wait3A_343 = tpu.memref_slice %arg2[%dma_wait3A_341, %dma_wait3A_342] : memref<1000001x16xi32, #tpu.memory_space<hbm>> -> memref<1000001x16xi32, #tpu.memory_space<hbm>>
    tpu.wait_indirect_dma semaphore(%arg13 : memref<!tpu.dma_semaphore, #tpu.memory_space<semaphore_mem>>) src(%dma_wait3A_343 : memref<1000001x16xi32, #tpu.memory_space<hbm>>) dst(%arg9 : memref<800x16xi32, #tpu.memory_space<vmem>>)
    %mul3A_344 = arith.constant 32 : i32
    %mul3A_345 = arith.muli %add3A, %mul3A_344 : i32
    %add3A_346 = arith.constant 11 : i32
    %add3A_347 = arith.addi %mul3A_345, %add3A_346 : i32
    %mul3A_348 = arith.constant 800 : i32
    %mul3A_349 = arith.muli %add3A_347, %mul3A_348 : i32
    %dma_start3A_350 = arith.constant 0 : i32
    %dma_start3A_351 = tpu.memref_slice %arg4[%mul3A_349, %dma_start3A_350] : memref<819200x16xi32, #tpu.memory_space<hbm>> -> memref<800x16xi32, #tpu.memory_space<hbm>>
    %dma_start3A_352 = arith.constant 0 : i32
    %dma_start3A_353 = tpu.memref_slice %arg4[%mul3A_349, %dma_start3A_352] : memref<819200x16xi32, #tpu.memory_space<hbm>> -> memref<800x16xi32, #tpu.memory_space<hbm>>
    tpu.enqueue_dma source(%arg9 : memref<800x16xi32, #tpu.memory_space<vmem>>) target(%dma_start3A_353 : memref<800x16xi32, #tpu.memory_space<hbm>>) target_semaphore(%arg17 : memref<!tpu.dma_semaphore, #tpu.memory_space<semaphore_mem>>)
    %dma_wait3A_354 = arith.constant 0 : i32
    %dma_wait3A_355 = tpu.memref_slice %arg4[%mul3A_349, %dma_wait3A_354] : memref<819200x16xi32, #tpu.memory_space<hbm>> -> memref<800x16xi32, #tpu.memory_space<hbm>>
    %dma_wait3A_356 = arith.constant 0 : i32
    %dma_wait3A_357 = tpu.memref_slice %arg4[%mul3A_349, %dma_wait3A_356] : memref<819200x16xi32, #tpu.memory_space<hbm>> -> memref<800x16xi32, #tpu.memory_space<hbm>>
    tpu.wait_dma2 semaphore(%arg17 : memref<!tpu.dma_semaphore, #tpu.memory_space<semaphore_mem>>) src(%arg9 : memref<800x16xi32, #tpu.memory_space<vmem>>) dst(%dma_wait3A_357 : memref<800x16xi32, #tpu.memory_space<hbm>>)
    %dma_start3A_358 = arith.constant 15 : i32
    %dma_start3A_359 = arith.constant 0 : i32
    %dma_start3A_360 = tpu.memref_slice %arg5[%dma_start3A_358, %dma_start3A_359] : memref<32x800xi32, #tpu.memory_space<vmem>> -> memref<1x800xi32, #tpu.memory_space<vmem>>
    %dma_start3A_361 = tpu.memref_squeeze %dma_start3A_360 : memref<1x800xi32, #tpu.memory_space<vmem>> -> memref<800xi32, #tpu.memory_space<vmem>>
    %dma_start3A_362 = arith.constant 0 : i32
    %dma_start3A_363 = arith.constant 0 : i32
    %dma_start3A_364 = tpu.memref_slice %arg2[%dma_start3A_362, %dma_start3A_363] : memref<1000001x16xi32, #tpu.memory_space<hbm>> -> memref<1000001x16xi32, #tpu.memory_space<hbm>>
    tpu.enqueue_indirect_dma source(%dma_start3A_364 : memref<1000001x16xi32, #tpu.memory_space<hbm>>) target(%arg9 : memref<800x16xi32, #tpu.memory_space<vmem>>) offsets(%dma_start3A_361 : memref<800xi32, #tpu.memory_space<vmem>>) semaphore(%arg13 : memref<!tpu.dma_semaphore, #tpu.memory_space<semaphore_mem>>)
    %dma_wait3A_365 = arith.constant 12 : i32
    %dma_wait3A_366 = arith.constant 0 : i32
    %dma_wait3A_367 = tpu.memref_slice %arg5[%dma_wait3A_365, %dma_wait3A_366] : memref<32x800xi32, #tpu.memory_space<vmem>> -> memref<1x800xi32, #tpu.memory_space<vmem>>
    %dma_wait3A_368 = tpu.memref_squeeze %dma_wait3A_367 : memref<1x800xi32, #tpu.memory_space<vmem>> -> memref<800xi32, #tpu.memory_space<vmem>>
    %dma_wait3A_369 = arith.constant 0 : i32
    %dma_wait3A_370 = arith.constant 0 : i32
    %dma_wait3A_371 = tpu.memref_slice %arg2[%dma_wait3A_369, %dma_wait3A_370] : memref<1000001x16xi32, #tpu.memory_space<hbm>> -> memref<1000001x16xi32, #tpu.memory_space<hbm>>
    tpu.wait_indirect_dma semaphore(%arg10 : memref<!tpu.dma_semaphore, #tpu.memory_space<semaphore_mem>>) src(%dma_wait3A_371 : memref<1000001x16xi32, #tpu.memory_space<hbm>>) dst(%arg6 : memref<800x16xi32, #tpu.memory_space<vmem>>)
    %mul3A_372 = arith.constant 32 : i32
    %mul3A_373 = arith.muli %add3A, %mul3A_372 : i32
    %add3A_374 = arith.constant 12 : i32
    %add3A_375 = arith.addi %mul3A_373, %add3A_374 : i32
    %mul3A_376 = arith.constant 800 : i32
    %mul3A_377 = arith.muli %add3A_375, %mul3A_376 : i32
    %dma_start3A_378 = arith.constant 0 : i32
    %dma_start3A_379 = tpu.memref_slice %arg4[%mul3A_377, %dma_start3A_378] : memref<819200x16xi32, #tpu.memory_space<hbm>> -> memref<800x16xi32, #tpu.memory_space<hbm>>
    %dma_start3A_380 = arith.constant 0 : i32
    %dma_start3A_381 = tpu.memref_slice %arg4[%mul3A_377, %dma_start3A_380] : memref<819200x16xi32, #tpu.memory_space<hbm>> -> memref<800x16xi32, #tpu.memory_space<hbm>>
    tpu.enqueue_dma source(%arg6 : memref<800x16xi32, #tpu.memory_space<vmem>>) target(%dma_start3A_381 : memref<800x16xi32, #tpu.memory_space<hbm>>) target_semaphore(%arg14 : memref<!tpu.dma_semaphore, #tpu.memory_space<semaphore_mem>>)
    %dma_wait3A_382 = arith.constant 0 : i32
    %dma_wait3A_383 = tpu.memref_slice %arg4[%mul3A_377, %dma_wait3A_382] : memref<819200x16xi32, #tpu.memory_space<hbm>> -> memref<800x16xi32, #tpu.memory_space<hbm>>
    %dma_wait3A_384 = arith.constant 0 : i32
    %dma_wait3A_385 = tpu.memref_slice %arg4[%mul3A_377, %dma_wait3A_384] : memref<819200x16xi32, #tpu.memory_space<hbm>> -> memref<800x16xi32, #tpu.memory_space<hbm>>
    tpu.wait_dma2 semaphore(%arg14 : memref<!tpu.dma_semaphore, #tpu.memory_space<semaphore_mem>>) src(%arg6 : memref<800x16xi32, #tpu.memory_space<vmem>>) dst(%dma_wait3A_385 : memref<800x16xi32, #tpu.memory_space<hbm>>)
    %dma_start3A_386 = arith.constant 16 : i32
    %dma_start3A_387 = arith.constant 0 : i32
    %dma_start3A_388 = tpu.memref_slice %arg5[%dma_start3A_386, %dma_start3A_387] : memref<32x800xi32, #tpu.memory_space<vmem>> -> memref<1x800xi32, #tpu.memory_space<vmem>>
    %dma_start3A_389 = tpu.memref_squeeze %dma_start3A_388 : memref<1x800xi32, #tpu.memory_space<vmem>> -> memref<800xi32, #tpu.memory_space<vmem>>
    %dma_start3A_390 = arith.constant 0 : i32
    %dma_start3A_391 = arith.constant 0 : i32
    %dma_start3A_392 = tpu.memref_slice %arg2[%dma_start3A_390, %dma_start3A_391] : memref<1000001x16xi32, #tpu.memory_space<hbm>> -> memref<1000001x16xi32, #tpu.memory_space<hbm>>
    tpu.enqueue_indirect_dma source(%dma_start3A_392 : memref<1000001x16xi32, #tpu.memory_space<hbm>>) target(%arg6 : memref<800x16xi32, #tpu.memory_space<vmem>>) offsets(%dma_start3A_389 : memref<800xi32, #tpu.memory_space<vmem>>) semaphore(%arg10 : memref<!tpu.dma_semaphore, #tpu.memory_space<semaphore_mem>>)
    %dma_wait3A_393 = arith.constant 13 : i32
    %dma_wait3A_394 = arith.constant 0 : i32
    %dma_wait3A_395 = tpu.memref_slice %arg5[%dma_wait3A_393, %dma_wait3A_394] : memref<32x800xi32, #tpu.memory_space<vmem>> -> memref<1x800xi32, #tpu.memory_space<vmem>>
    %dma_wait3A_396 = tpu.memref_squeeze %dma_wait3A_395 : memref<1x800xi32, #tpu.memory_space<vmem>> -> memref<800xi32, #tpu.memory_space<vmem>>
    %dma_wait3A_397 = arith.constant 0 : i32
    %dma_wait3A_398 = arith.constant 0 : i32
    %dma_wait3A_399 = tpu.memref_slice %arg2[%dma_wait3A_397, %dma_wait3A_398] : memref<1000001x16xi32, #tpu.memory_space<hbm>> -> memref<1000001x16xi32, #tpu.memory_space<hbm>>
    tpu.wait_indirect_dma semaphore(%arg11 : memref<!tpu.dma_semaphore, #tpu.memory_space<semaphore_mem>>) src(%dma_wait3A_399 : memref<1000001x16xi32, #tpu.memory_space<hbm>>) dst(%arg7 : memref<800x16xi32, #tpu.memory_space<vmem>>)
    %mul3A_400 = arith.constant 32 : i32
    %mul3A_401 = arith.muli %add3A, %mul3A_400 : i32
    %add3A_402 = arith.constant 13 : i32
    %add3A_403 = arith.addi %mul3A_401, %add3A_402 : i32
    %mul3A_404 = arith.constant 800 : i32
    %mul3A_405 = arith.muli %add3A_403, %mul3A_404 : i32
    %dma_start3A_406 = arith.constant 0 : i32
    %dma_start3A_407 = tpu.memref_slice %arg4[%mul3A_405, %dma_start3A_406] : memref<819200x16xi32, #tpu.memory_space<hbm>> -> memref<800x16xi32, #tpu.memory_space<hbm>>
    %dma_start3A_408 = arith.constant 0 : i32
    %dma_start3A_409 = tpu.memref_slice %arg4[%mul3A_405, %dma_start3A_408] : memref<819200x16xi32, #tpu.memory_space<hbm>> -> memref<800x16xi32, #tpu.memory_space<hbm>>
    tpu.enqueue_dma source(%arg7 : memref<800x16xi32, #tpu.memory_space<vmem>>) target(%dma_start3A_409 : memref<800x16xi32, #tpu.memory_space<hbm>>) target_semaphore(%arg15 : memref<!tpu.dma_semaphore, #tpu.memory_space<semaphore_mem>>)
    %dma_wait3A_410 = arith.constant 0 : i32
    %dma_wait3A_411 = tpu.memref_slice %arg4[%mul3A_405, %dma_wait3A_410] : memref<819200x16xi32, #tpu.memory_space<hbm>> -> memref<800x16xi32, #tpu.memory_space<hbm>>
    %dma_wait3A_412 = arith.constant 0 : i32
    %dma_wait3A_413 = tpu.memref_slice %arg4[%mul3A_405, %dma_wait3A_412] : memref<819200x16xi32, #tpu.memory_space<hbm>> -> memref<800x16xi32, #tpu.memory_space<hbm>>
    tpu.wait_dma2 semaphore(%arg15 : memref<!tpu.dma_semaphore, #tpu.memory_space<semaphore_mem>>) src(%arg7 : memref<800x16xi32, #tpu.memory_space<vmem>>) dst(%dma_wait3A_413 : memref<800x16xi32, #tpu.memory_space<hbm>>)
    %dma_start3A_414 = arith.constant 17 : i32
    %dma_start3A_415 = arith.constant 0 : i32
    %dma_start3A_416 = tpu.memref_slice %arg5[%dma_start3A_414, %dma_start3A_415] : memref<32x800xi32, #tpu.memory_space<vmem>> -> memref<1x800xi32, #tpu.memory_space<vmem>>
    %dma_start3A_417 = tpu.memref_squeeze %dma_start3A_416 : memref<1x800xi32, #tpu.memory_space<vmem>> -> memref<800xi32, #tpu.memory_space<vmem>>
    %dma_start3A_418 = arith.constant 0 : i32
    %dma_start3A_419 = arith.constant 0 : i32
    %dma_start3A_420 = tpu.memref_slice %arg2[%dma_start3A_418, %dma_start3A_419] : memref<1000001x16xi32, #tpu.memory_space<hbm>> -> memref<1000001x16xi32, #tpu.memory_space<hbm>>
    tpu.enqueue_indirect_dma source(%dma_start3A_420 : memref<1000001x16xi32, #tpu.memory_space<hbm>>) target(%arg7 : memref<800x16xi32, #tpu.memory_space<vmem>>) offsets(%dma_start3A_417 : memref<800xi32, #tpu.memory_space<vmem>>) semaphore(%arg11 : memref<!tpu.dma_semaphore, #tpu.memory_space<semaphore_mem>>)
    %dma_wait3A_421 = arith.constant 14 : i32
    %dma_wait3A_422 = arith.constant 0 : i32
    %dma_wait3A_423 = tpu.memref_slice %arg5[%dma_wait3A_421, %dma_wait3A_422] : memref<32x800xi32, #tpu.memory_space<vmem>> -> memref<1x800xi32, #tpu.memory_space<vmem>>
    %dma_wait3A_424 = tpu.memref_squeeze %dma_wait3A_423 : memref<1x800xi32, #tpu.memory_space<vmem>> -> memref<800xi32, #tpu.memory_space<vmem>>
    %dma_wait3A_425 = arith.constant 0 : i32
    %dma_wait3A_426 = arith.constant 0 : i32
    %dma_wait3A_427 = tpu.memref_slice %arg2[%dma_wait3A_425, %dma_wait3A_426] : memref<1000001x16xi32, #tpu.memory_space<hbm>> -> memref<1000001x16xi32, #tpu.memory_space<hbm>>
    tpu.wait_indirect_dma semaphore(%arg12 : memref<!tpu.dma_semaphore, #tpu.memory_space<semaphore_mem>>) src(%dma_wait3A_427 : memref<1000001x16xi32, #tpu.memory_space<hbm>>) dst(%arg8 : memref<800x16xi32, #tpu.memory_space<vmem>>)
    %mul3A_428 = arith.constant 32 : i32
    %mul3A_429 = arith.muli %add3A, %mul3A_428 : i32
    %add3A_430 = arith.constant 14 : i32
    %add3A_431 = arith.addi %mul3A_429, %add3A_430 : i32
    %mul3A_432 = arith.constant 800 : i32
    %mul3A_433 = arith.muli %add3A_431, %mul3A_432 : i32
    %dma_start3A_434 = arith.constant 0 : i32
    %dma_start3A_435 = tpu.memref_slice %arg4[%mul3A_433, %dma_start3A_434] : memref<819200x16xi32, #tpu.memory_space<hbm>> -> memref<800x16xi32, #tpu.memory_space<hbm>>
    %dma_start3A_436 = arith.constant 0 : i32
    %dma_start3A_437 = tpu.memref_slice %arg4[%mul3A_433, %dma_start3A_436] : memref<819200x16xi32, #tpu.memory_space<hbm>> -> memref<800x16xi32, #tpu.memory_space<hbm>>
    tpu.enqueue_dma source(%arg8 : memref<800x16xi32, #tpu.memory_space<vmem>>) target(%dma_start3A_437 : memref<800x16xi32, #tpu.memory_space<hbm>>) target_semaphore(%arg16 : memref<!tpu.dma_semaphore, #tpu.memory_space<semaphore_mem>>)
    %dma_wait3A_438 = arith.constant 0 : i32
    %dma_wait3A_439 = tpu.memref_slice %arg4[%mul3A_433, %dma_wait3A_438] : memref<819200x16xi32, #tpu.memory_space<hbm>> -> memref<800x16xi32, #tpu.memory_space<hbm>>
    %dma_wait3A_440 = arith.constant 0 : i32
    %dma_wait3A_441 = tpu.memref_slice %arg4[%mul3A_433, %dma_wait3A_440] : memref<819200x16xi32, #tpu.memory_space<hbm>> -> memref<800x16xi32, #tpu.memory_space<hbm>>
    tpu.wait_dma2 semaphore(%arg16 : memref<!tpu.dma_semaphore, #tpu.memory_space<semaphore_mem>>) src(%arg8 : memref<800x16xi32, #tpu.memory_space<vmem>>) dst(%dma_wait3A_441 : memref<800x16xi32, #tpu.memory_space<hbm>>)
    %dma_start3A_442 = arith.constant 18 : i32
    %dma_start3A_443 = arith.constant 0 : i32
    %dma_start3A_444 = tpu.memref_slice %arg5[%dma_start3A_442, %dma_start3A_443] : memref<32x800xi32, #tpu.memory_space<vmem>> -> memref<1x800xi32, #tpu.memory_space<vmem>>
    %dma_start3A_445 = tpu.memref_squeeze %dma_start3A_444 : memref<1x800xi32, #tpu.memory_space<vmem>> -> memref<800xi32, #tpu.memory_space<vmem>>
    %dma_start3A_446 = arith.constant 0 : i32
    %dma_start3A_447 = arith.constant 0 : i32
    %dma_start3A_448 = tpu.memref_slice %arg2[%dma_start3A_446, %dma_start3A_447] : memref<1000001x16xi32, #tpu.memory_space<hbm>> -> memref<1000001x16xi32, #tpu.memory_space<hbm>>
    tpu.enqueue_indirect_dma source(%dma_start3A_448 : memref<1000001x16xi32, #tpu.memory_space<hbm>>) target(%arg8 : memref<800x16xi32, #tpu.memory_space<vmem>>) offsets(%dma_start3A_445 : memref<800xi32, #tpu.memory_space<vmem>>) semaphore(%arg12 : memref<!tpu.dma_semaphore, #tpu.memory_space<semaphore_mem>>)
    %dma_wait3A_449 = arith.constant 15 : i32
    %dma_wait3A_450 = arith.constant 0 : i32
    %dma_wait3A_451 = tpu.memref_slice %arg5[%dma_wait3A_449, %dma_wait3A_450] : memref<32x800xi32, #tpu.memory_space<vmem>> -> memref<1x800xi32, #tpu.memory_space<vmem>>
    %dma_wait3A_452 = tpu.memref_squeeze %dma_wait3A_451 : memref<1x800xi32, #tpu.memory_space<vmem>> -> memref<800xi32, #tpu.memory_space<vmem>>
    %dma_wait3A_453 = arith.constant 0 : i32
    %dma_wait3A_454 = arith.constant 0 : i32
    %dma_wait3A_455 = tpu.memref_slice %arg2[%dma_wait3A_453, %dma_wait3A_454] : memref<1000001x16xi32, #tpu.memory_space<hbm>> -> memref<1000001x16xi32, #tpu.memory_space<hbm>>
    tpu.wait_indirect_dma semaphore(%arg13 : memref<!tpu.dma_semaphore, #tpu.memory_space<semaphore_mem>>) src(%dma_wait3A_455 : memref<1000001x16xi32, #tpu.memory_space<hbm>>) dst(%arg9 : memref<800x16xi32, #tpu.memory_space<vmem>>)
    %mul3A_456 = arith.constant 32 : i32
    %mul3A_457 = arith.muli %add3A, %mul3A_456 : i32
    %add3A_458 = arith.constant 15 : i32
    %add3A_459 = arith.addi %mul3A_457, %add3A_458 : i32
    %mul3A_460 = arith.constant 800 : i32
    %mul3A_461 = arith.muli %add3A_459, %mul3A_460 : i32
    %dma_start3A_462 = arith.constant 0 : i32
    %dma_start3A_463 = tpu.memref_slice %arg4[%mul3A_461, %dma_start3A_462] : memref<819200x16xi32, #tpu.memory_space<hbm>> -> memref<800x16xi32, #tpu.memory_space<hbm>>
    %dma_start3A_464 = arith.constant 0 : i32
    %dma_start3A_465 = tpu.memref_slice %arg4[%mul3A_461, %dma_start3A_464] : memref<819200x16xi32, #tpu.memory_space<hbm>> -> memref<800x16xi32, #tpu.memory_space<hbm>>
    tpu.enqueue_dma source(%arg9 : memref<800x16xi32, #tpu.memory_space<vmem>>) target(%dma_start3A_465 : memref<800x16xi32, #tpu.memory_space<hbm>>) target_semaphore(%arg17 : memref<!tpu.dma_semaphore, #tpu.memory_space<semaphore_mem>>)
    %dma_wait3A_466 = arith.constant 0 : i32
    %dma_wait3A_467 = tpu.memref_slice %arg4[%mul3A_461, %dma_wait3A_466] : memref<819200x16xi32, #tpu.memory_space<hbm>> -> memref<800x16xi32, #tpu.memory_space<hbm>>
    %dma_wait3A_468 = arith.constant 0 : i32
    %dma_wait3A_469 = tpu.memref_slice %arg4[%mul3A_461, %dma_wait3A_468] : memref<819200x16xi32, #tpu.memory_space<hbm>> -> memref<800x16xi32, #tpu.memory_space<hbm>>
    tpu.wait_dma2 semaphore(%arg17 : memref<!tpu.dma_semaphore, #tpu.memory_space<semaphore_mem>>) src(%arg9 : memref<800x16xi32, #tpu.memory_space<vmem>>) dst(%dma_wait3A_469 : memref<800x16xi32, #tpu.memory_space<hbm>>)
    %dma_start3A_470 = arith.constant 19 : i32
    %dma_start3A_471 = arith.constant 0 : i32
    %dma_start3A_472 = tpu.memref_slice %arg5[%dma_start3A_470, %dma_start3A_471] : memref<32x800xi32, #tpu.memory_space<vmem>> -> memref<1x800xi32, #tpu.memory_space<vmem>>
    %dma_start3A_473 = tpu.memref_squeeze %dma_start3A_472 : memref<1x800xi32, #tpu.memory_space<vmem>> -> memref<800xi32, #tpu.memory_space<vmem>>
    %dma_start3A_474 = arith.constant 0 : i32
    %dma_start3A_475 = arith.constant 0 : i32
    %dma_start3A_476 = tpu.memref_slice %arg2[%dma_start3A_474, %dma_start3A_475] : memref<1000001x16xi32, #tpu.memory_space<hbm>> -> memref<1000001x16xi32, #tpu.memory_space<hbm>>
    tpu.enqueue_indirect_dma source(%dma_start3A_476 : memref<1000001x16xi32, #tpu.memory_space<hbm>>) target(%arg9 : memref<800x16xi32, #tpu.memory_space<vmem>>) offsets(%dma_start3A_473 : memref<800xi32, #tpu.memory_space<vmem>>) semaphore(%arg13 : memref<!tpu.dma_semaphore, #tpu.memory_space<semaphore_mem>>)
    %dma_wait3A_477 = arith.constant 16 : i32
    %dma_wait3A_478 = arith.constant 0 : i32
    %dma_wait3A_479 = tpu.memref_slice %arg5[%dma_wait3A_477, %dma_wait3A_478] : memref<32x800xi32, #tpu.memory_space<vmem>> -> memref<1x800xi32, #tpu.memory_space<vmem>>
    %dma_wait3A_480 = tpu.memref_squeeze %dma_wait3A_479 : memref<1x800xi32, #tpu.memory_space<vmem>> -> memref<800xi32, #tpu.memory_space<vmem>>
    %dma_wait3A_481 = arith.constant 0 : i32
    %dma_wait3A_482 = arith.constant 0 : i32
    %dma_wait3A_483 = tpu.memref_slice %arg2[%dma_wait3A_481, %dma_wait3A_482] : memref<1000001x16xi32, #tpu.memory_space<hbm>> -> memref<1000001x16xi32, #tpu.memory_space<hbm>>
    tpu.wait_indirect_dma semaphore(%arg10 : memref<!tpu.dma_semaphore, #tpu.memory_space<semaphore_mem>>) src(%dma_wait3A_483 : memref<1000001x16xi32, #tpu.memory_space<hbm>>) dst(%arg6 : memref<800x16xi32, #tpu.memory_space<vmem>>)
    %mul3A_484 = arith.constant 32 : i32
    %mul3A_485 = arith.muli %add3A, %mul3A_484 : i32
    %add3A_486 = arith.constant 16 : i32
    %add3A_487 = arith.addi %mul3A_485, %add3A_486 : i32
    %mul3A_488 = arith.constant 800 : i32
    %mul3A_489 = arith.muli %add3A_487, %mul3A_488 : i32
    %dma_start3A_490 = arith.constant 0 : i32
    %dma_start3A_491 = tpu.memref_slice %arg4[%mul3A_489, %dma_start3A_490] : memref<819200x16xi32, #tpu.memory_space<hbm>> -> memref<800x16xi32, #tpu.memory_space<hbm>>
    %dma_start3A_492 = arith.constant 0 : i32
    %dma_start3A_493 = tpu.memref_slice %arg4[%mul3A_489, %dma_start3A_492] : memref<819200x16xi32, #tpu.memory_space<hbm>> -> memref<800x16xi32, #tpu.memory_space<hbm>>
    tpu.enqueue_dma source(%arg6 : memref<800x16xi32, #tpu.memory_space<vmem>>) target(%dma_start3A_493 : memref<800x16xi32, #tpu.memory_space<hbm>>) target_semaphore(%arg14 : memref<!tpu.dma_semaphore, #tpu.memory_space<semaphore_mem>>)
    %dma_wait3A_494 = arith.constant 0 : i32
    %dma_wait3A_495 = tpu.memref_slice %arg4[%mul3A_489, %dma_wait3A_494] : memref<819200x16xi32, #tpu.memory_space<hbm>> -> memref<800x16xi32, #tpu.memory_space<hbm>>
    %dma_wait3A_496 = arith.constant 0 : i32
    %dma_wait3A_497 = tpu.memref_slice %arg4[%mul3A_489, %dma_wait3A_496] : memref<819200x16xi32, #tpu.memory_space<hbm>> -> memref<800x16xi32, #tpu.memory_space<hbm>>
    tpu.wait_dma2 semaphore(%arg14 : memref<!tpu.dma_semaphore, #tpu.memory_space<semaphore_mem>>) src(%arg6 : memref<800x16xi32, #tpu.memory_space<vmem>>) dst(%dma_wait3A_497 : memref<800x16xi32, #tpu.memory_space<hbm>>)
    %dma_start3A_498 = arith.constant 20 : i32
    %dma_start3A_499 = arith.constant 0 : i32
    %dma_start3A_500 = tpu.memref_slice %arg5[%dma_start3A_498, %dma_start3A_499] : memref<32x800xi32, #tpu.memory_space<vmem>> -> memref<1x800xi32, #tpu.memory_space<vmem>>
    %dma_start3A_501 = tpu.memref_squeeze %dma_start3A_500 : memref<1x800xi32, #tpu.memory_space<vmem>> -> memref<800xi32, #tpu.memory_space<vmem>>
    %dma_start3A_502 = arith.constant 0 : i32
    %dma_start3A_503 = arith.constant 0 : i32
    %dma_start3A_504 = tpu.memref_slice %arg2[%dma_start3A_502, %dma_start3A_503] : memref<1000001x16xi32, #tpu.memory_space<hbm>> -> memref<1000001x16xi32, #tpu.memory_space<hbm>>
    tpu.enqueue_indirect_dma source(%dma_start3A_504 : memref<1000001x16xi32, #tpu.memory_space<hbm>>) target(%arg6 : memref<800x16xi32, #tpu.memory_space<vmem>>) offsets(%dma_start3A_501 : memref<800xi32, #tpu.memory_space<vmem>>) semaphore(%arg10 : memref<!tpu.dma_semaphore, #tpu.memory_space<semaphore_mem>>)
    %dma_wait3A_505 = arith.constant 17 : i32
    %dma_wait3A_506 = arith.constant 0 : i32
    %dma_wait3A_507 = tpu.memref_slice %arg5[%dma_wait3A_505, %dma_wait3A_506] : memref<32x800xi32, #tpu.memory_space<vmem>> -> memref<1x800xi32, #tpu.memory_space<vmem>>
    %dma_wait3A_508 = tpu.memref_squeeze %dma_wait3A_507 : memref<1x800xi32, #tpu.memory_space<vmem>> -> memref<800xi32, #tpu.memory_space<vmem>>
    %dma_wait3A_509 = arith.constant 0 : i32
    %dma_wait3A_510 = arith.constant 0 : i32
    %dma_wait3A_511 = tpu.memref_slice %arg2[%dma_wait3A_509, %dma_wait3A_510] : memref<1000001x16xi32, #tpu.memory_space<hbm>> -> memref<1000001x16xi32, #tpu.memory_space<hbm>>
    tpu.wait_indirect_dma semaphore(%arg11 : memref<!tpu.dma_semaphore, #tpu.memory_space<semaphore_mem>>) src(%dma_wait3A_511 : memref<1000001x16xi32, #tpu.memory_space<hbm>>) dst(%arg7 : memref<800x16xi32, #tpu.memory_space<vmem>>)
    %mul3A_512 = arith.constant 32 : i32
    %mul3A_513 = arith.muli %add3A, %mul3A_512 : i32
    %add3A_514 = arith.constant 17 : i32
    %add3A_515 = arith.addi %mul3A_513, %add3A_514 : i32
    %mul3A_516 = arith.constant 800 : i32
    %mul3A_517 = arith.muli %add3A_515, %mul3A_516 : i32
    %dma_start3A_518 = arith.constant 0 : i32
    %dma_start3A_519 = tpu.memref_slice %arg4[%mul3A_517, %dma_start3A_518] : memref<819200x16xi32, #tpu.memory_space<hbm>> -> memref<800x16xi32, #tpu.memory_space<hbm>>
    %dma_start3A_520 = arith.constant 0 : i32
    %dma_start3A_521 = tpu.memref_slice %arg4[%mul3A_517, %dma_start3A_520] : memref<819200x16xi32, #tpu.memory_space<hbm>> -> memref<800x16xi32, #tpu.memory_space<hbm>>
    tpu.enqueue_dma source(%arg7 : memref<800x16xi32, #tpu.memory_space<vmem>>) target(%dma_start3A_521 : memref<800x16xi32, #tpu.memory_space<hbm>>) target_semaphore(%arg15 : memref<!tpu.dma_semaphore, #tpu.memory_space<semaphore_mem>>)
    %dma_wait3A_522 = arith.constant 0 : i32
    %dma_wait3A_523 = tpu.memref_slice %arg4[%mul3A_517, %dma_wait3A_522] : memref<819200x16xi32, #tpu.memory_space<hbm>> -> memref<800x16xi32, #tpu.memory_space<hbm>>
    %dma_wait3A_524 = arith.constant 0 : i32
    %dma_wait3A_525 = tpu.memref_slice %arg4[%mul3A_517, %dma_wait3A_524] : memref<819200x16xi32, #tpu.memory_space<hbm>> -> memref<800x16xi32, #tpu.memory_space<hbm>>
    tpu.wait_dma2 semaphore(%arg15 : memref<!tpu.dma_semaphore, #tpu.memory_space<semaphore_mem>>) src(%arg7 : memref<800x16xi32, #tpu.memory_space<vmem>>) dst(%dma_wait3A_525 : memref<800x16xi32, #tpu.memory_space<hbm>>)
    %dma_start3A_526 = arith.constant 21 : i32
    %dma_start3A_527 = arith.constant 0 : i32
    %dma_start3A_528 = tpu.memref_slice %arg5[%dma_start3A_526, %dma_start3A_527] : memref<32x800xi32, #tpu.memory_space<vmem>> -> memref<1x800xi32, #tpu.memory_space<vmem>>
    %dma_start3A_529 = tpu.memref_squeeze %dma_start3A_528 : memref<1x800xi32, #tpu.memory_space<vmem>> -> memref<800xi32, #tpu.memory_space<vmem>>
    %dma_start3A_530 = arith.constant 0 : i32
    %dma_start3A_531 = arith.constant 0 : i32
    %dma_start3A_532 = tpu.memref_slice %arg2[%dma_start3A_530, %dma_start3A_531] : memref<1000001x16xi32, #tpu.memory_space<hbm>> -> memref<1000001x16xi32, #tpu.memory_space<hbm>>
    tpu.enqueue_indirect_dma source(%dma_start3A_532 : memref<1000001x16xi32, #tpu.memory_space<hbm>>) target(%arg7 : memref<800x16xi32, #tpu.memory_space<vmem>>) offsets(%dma_start3A_529 : memref<800xi32, #tpu.memory_space<vmem>>) semaphore(%arg11 : memref<!tpu.dma_semaphore, #tpu.memory_space<semaphore_mem>>)
    %dma_wait3A_533 = arith.constant 18 : i32
    %dma_wait3A_534 = arith.constant 0 : i32
    %dma_wait3A_535 = tpu.memref_slice %arg5[%dma_wait3A_533, %dma_wait3A_534] : memref<32x800xi32, #tpu.memory_space<vmem>> -> memref<1x800xi32, #tpu.memory_space<vmem>>
    %dma_wait3A_536 = tpu.memref_squeeze %dma_wait3A_535 : memref<1x800xi32, #tpu.memory_space<vmem>> -> memref<800xi32, #tpu.memory_space<vmem>>
    %dma_wait3A_537 = arith.constant 0 : i32
    %dma_wait3A_538 = arith.constant 0 : i32
    %dma_wait3A_539 = tpu.memref_slice %arg2[%dma_wait3A_537, %dma_wait3A_538] : memref<1000001x16xi32, #tpu.memory_space<hbm>> -> memref<1000001x16xi32, #tpu.memory_space<hbm>>
    tpu.wait_indirect_dma semaphore(%arg12 : memref<!tpu.dma_semaphore, #tpu.memory_space<semaphore_mem>>) src(%dma_wait3A_539 : memref<1000001x16xi32, #tpu.memory_space<hbm>>) dst(%arg8 : memref<800x16xi32, #tpu.memory_space<vmem>>)
    %mul3A_540 = arith.constant 32 : i32
    %mul3A_541 = arith.muli %add3A, %mul3A_540 : i32
    %add3A_542 = arith.constant 18 : i32
    %add3A_543 = arith.addi %mul3A_541, %add3A_542 : i32
    %mul3A_544 = arith.constant 800 : i32
    %mul3A_545 = arith.muli %add3A_543, %mul3A_544 : i32
    %dma_start3A_546 = arith.constant 0 : i32
    %dma_start3A_547 = tpu.memref_slice %arg4[%mul3A_545, %dma_start3A_546] : memref<819200x16xi32, #tpu.memory_space<hbm>> -> memref<800x16xi32, #tpu.memory_space<hbm>>
    %dma_start3A_548 = arith.constant 0 : i32
    %dma_start3A_549 = tpu.memref_slice %arg4[%mul3A_545, %dma_start3A_548] : memref<819200x16xi32, #tpu.memory_space<hbm>> -> memref<800x16xi32, #tpu.memory_space<hbm>>
    tpu.enqueue_dma source(%arg8 : memref<800x16xi32, #tpu.memory_space<vmem>>) target(%dma_start3A_549 : memref<800x16xi32, #tpu.memory_space<hbm>>) target_semaphore(%arg16 : memref<!tpu.dma_semaphore, #tpu.memory_space<semaphore_mem>>)
    %dma_wait3A_550 = arith.constant 0 : i32
    %dma_wait3A_551 = tpu.memref_slice %arg4[%mul3A_545, %dma_wait3A_550] : memref<819200x16xi32, #tpu.memory_space<hbm>> -> memref<800x16xi32, #tpu.memory_space<hbm>>
    %dma_wait3A_552 = arith.constant 0 : i32
    %dma_wait3A_553 = tpu.memref_slice %arg4[%mul3A_545, %dma_wait3A_552] : memref<819200x16xi32, #tpu.memory_space<hbm>> -> memref<800x16xi32, #tpu.memory_space<hbm>>
    tpu.wait_dma2 semaphore(%arg16 : memref<!tpu.dma_semaphore, #tpu.memory_space<semaphore_mem>>) src(%arg8 : memref<800x16xi32, #tpu.memory_space<vmem>>) dst(%dma_wait3A_553 : memref<800x16xi32, #tpu.memory_space<hbm>>)
    %dma_start3A_554 = arith.constant 22 : i32
    %dma_start3A_555 = arith.constant 0 : i32
    %dma_start3A_556 = tpu.memref_slice %arg5[%dma_start3A_554, %dma_start3A_555] : memref<32x800xi32, #tpu.memory_space<vmem>> -> memref<1x800xi32, #tpu.memory_space<vmem>>
    %dma_start3A_557 = tpu.memref_squeeze %dma_start3A_556 : memref<1x800xi32, #tpu.memory_space<vmem>> -> memref<800xi32, #tpu.memory_space<vmem>>
    %dma_start3A_558 = arith.constant 0 : i32
    %dma_start3A_559 = arith.constant 0 : i32
    %dma_start3A_560 = tpu.memref_slice %arg2[%dma_start3A_558, %dma_start3A_559] : memref<1000001x16xi32, #tpu.memory_space<hbm>> -> memref<1000001x16xi32, #tpu.memory_space<hbm>>
    tpu.enqueue_indirect_dma source(%dma_start3A_560 : memref<1000001x16xi32, #tpu.memory_space<hbm>>) target(%arg8 : memref<800x16xi32, #tpu.memory_space<vmem>>) offsets(%dma_start3A_557 : memref<800xi32, #tpu.memory_space<vmem>>) semaphore(%arg12 : memref<!tpu.dma_semaphore, #tpu.memory_space<semaphore_mem>>)
    %dma_wait3A_561 = arith.constant 19 : i32
    %dma_wait3A_562 = arith.constant 0 : i32
    %dma_wait3A_563 = tpu.memref_slice %arg5[%dma_wait3A_561, %dma_wait3A_562] : memref<32x800xi32, #tpu.memory_space<vmem>> -> memref<1x800xi32, #tpu.memory_space<vmem>>
    %dma_wait3A_564 = tpu.memref_squeeze %dma_wait3A_563 : memref<1x800xi32, #tpu.memory_space<vmem>> -> memref<800xi32, #tpu.memory_space<vmem>>
    %dma_wait3A_565 = arith.constant 0 : i32
    %dma_wait3A_566 = arith.constant 0 : i32
    %dma_wait3A_567 = tpu.memref_slice %arg2[%dma_wait3A_565, %dma_wait3A_566] : memref<1000001x16xi32, #tpu.memory_space<hbm>> -> memref<1000001x16xi32, #tpu.memory_space<hbm>>
    tpu.wait_indirect_dma semaphore(%arg13 : memref<!tpu.dma_semaphore, #tpu.memory_space<semaphore_mem>>) src(%dma_wait3A_567 : memref<1000001x16xi32, #tpu.memory_space<hbm>>) dst(%arg9 : memref<800x16xi32, #tpu.memory_space<vmem>>)
    %mul3A_568 = arith.constant 32 : i32
    %mul3A_569 = arith.muli %add3A, %mul3A_568 : i32
    %add3A_570 = arith.constant 19 : i32
    %add3A_571 = arith.addi %mul3A_569, %add3A_570 : i32
    %mul3A_572 = arith.constant 800 : i32
    %mul3A_573 = arith.muli %add3A_571, %mul3A_572 : i32
    %dma_start3A_574 = arith.constant 0 : i32
    %dma_start3A_575 = tpu.memref_slice %arg4[%mul3A_573, %dma_start3A_574] : memref<819200x16xi32, #tpu.memory_space<hbm>> -> memref<800x16xi32, #tpu.memory_space<hbm>>
    %dma_start3A_576 = arith.constant 0 : i32
    %dma_start3A_577 = tpu.memref_slice %arg4[%mul3A_573, %dma_start3A_576] : memref<819200x16xi32, #tpu.memory_space<hbm>> -> memref<800x16xi32, #tpu.memory_space<hbm>>
    tpu.enqueue_dma source(%arg9 : memref<800x16xi32, #tpu.memory_space<vmem>>) target(%dma_start3A_577 : memref<800x16xi32, #tpu.memory_space<hbm>>) target_semaphore(%arg17 : memref<!tpu.dma_semaphore, #tpu.memory_space<semaphore_mem>>)
    %dma_wait3A_578 = arith.constant 0 : i32
    %dma_wait3A_579 = tpu.memref_slice %arg4[%mul3A_573, %dma_wait3A_578] : memref<819200x16xi32, #tpu.memory_space<hbm>> -> memref<800x16xi32, #tpu.memory_space<hbm>>
    %dma_wait3A_580 = arith.constant 0 : i32
    %dma_wait3A_581 = tpu.memref_slice %arg4[%mul3A_573, %dma_wait3A_580] : memref<819200x16xi32, #tpu.memory_space<hbm>> -> memref<800x16xi32, #tpu.memory_space<hbm>>
    tpu.wait_dma2 semaphore(%arg17 : memref<!tpu.dma_semaphore, #tpu.memory_space<semaphore_mem>>) src(%arg9 : memref<800x16xi32, #tpu.memory_space<vmem>>) dst(%dma_wait3A_581 : memref<800x16xi32, #tpu.memory_space<hbm>>)
    %dma_start3A_582 = arith.constant 23 : i32
    %dma_start3A_583 = arith.constant 0 : i32
    %dma_start3A_584 = tpu.memref_slice %arg5[%dma_start3A_582, %dma_start3A_583] : memref<32x800xi32, #tpu.memory_space<vmem>> -> memref<1x800xi32, #tpu.memory_space<vmem>>
    %dma_start3A_585 = tpu.memref_squeeze %dma_start3A_584 : memref<1x800xi32, #tpu.memory_space<vmem>> -> memref<800xi32, #tpu.memory_space<vmem>>
    %dma_start3A_586 = arith.constant 0 : i32
    %dma_start3A_587 = arith.constant 0 : i32
    %dma_start3A_588 = tpu.memref_slice %arg2[%dma_start3A_586, %dma_start3A_587] : memref<1000001x16xi32, #tpu.memory_space<hbm>> -> memref<1000001x16xi32, #tpu.memory_space<hbm>>
    tpu.enqueue_indirect_dma source(%dma_start3A_588 : memref<1000001x16xi32, #tpu.memory_space<hbm>>) target(%arg9 : memref<800x16xi32, #tpu.memory_space<vmem>>) offsets(%dma_start3A_585 : memref<800xi32, #tpu.memory_space<vmem>>) semaphore(%arg13 : memref<!tpu.dma_semaphore, #tpu.memory_space<semaphore_mem>>)
    %dma_wait3A_589 = arith.constant 20 : i32
    %dma_wait3A_590 = arith.constant 0 : i32
    %dma_wait3A_591 = tpu.memref_slice %arg5[%dma_wait3A_589, %dma_wait3A_590] : memref<32x800xi32, #tpu.memory_space<vmem>> -> memref<1x800xi32, #tpu.memory_space<vmem>>
    %dma_wait3A_592 = tpu.memref_squeeze %dma_wait3A_591 : memref<1x800xi32, #tpu.memory_space<vmem>> -> memref<800xi32, #tpu.memory_space<vmem>>
    %dma_wait3A_593 = arith.constant 0 : i32
    %dma_wait3A_594 = arith.constant 0 : i32
    %dma_wait3A_595 = tpu.memref_slice %arg2[%dma_wait3A_593, %dma_wait3A_594] : memref<1000001x16xi32, #tpu.memory_space<hbm>> -> memref<1000001x16xi32, #tpu.memory_space<hbm>>
    tpu.wait_indirect_dma semaphore(%arg10 : memref<!tpu.dma_semaphore, #tpu.memory_space<semaphore_mem>>) src(%dma_wait3A_595 : memref<1000001x16xi32, #tpu.memory_space<hbm>>) dst(%arg6 : memref<800x16xi32, #tpu.memory_space<vmem>>)
    %mul3A_596 = arith.constant 32 : i32
    %mul3A_597 = arith.muli %add3A, %mul3A_596 : i32
    %add3A_598 = arith.constant 20 : i32
    %add3A_599 = arith.addi %mul3A_597, %add3A_598 : i32
    %mul3A_600 = arith.constant 800 : i32
    %mul3A_601 = arith.muli %add3A_599, %mul3A_600 : i32
    %dma_start3A_602 = arith.constant 0 : i32
    %dma_start3A_603 = tpu.memref_slice %arg4[%mul3A_601, %dma_start3A_602] : memref<819200x16xi32, #tpu.memory_space<hbm>> -> memref<800x16xi32, #tpu.memory_space<hbm>>
    %dma_start3A_604 = arith.constant 0 : i32
    %dma_start3A_605 = tpu.memref_slice %arg4[%mul3A_601, %dma_start3A_604] : memref<819200x16xi32, #tpu.memory_space<hbm>> -> memref<800x16xi32, #tpu.memory_space<hbm>>
    tpu.enqueue_dma source(%arg6 : memref<800x16xi32, #tpu.memory_space<vmem>>) target(%dma_start3A_605 : memref<800x16xi32, #tpu.memory_space<hbm>>) target_semaphore(%arg14 : memref<!tpu.dma_semaphore, #tpu.memory_space<semaphore_mem>>)
    %dma_wait3A_606 = arith.constant 0 : i32
    %dma_wait3A_607 = tpu.memref_slice %arg4[%mul3A_601, %dma_wait3A_606] : memref<819200x16xi32, #tpu.memory_space<hbm>> -> memref<800x16xi32, #tpu.memory_space<hbm>>
    %dma_wait3A_608 = arith.constant 0 : i32
    %dma_wait3A_609 = tpu.memref_slice %arg4[%mul3A_601, %dma_wait3A_608] : memref<819200x16xi32, #tpu.memory_space<hbm>> -> memref<800x16xi32, #tpu.memory_space<hbm>>
    tpu.wait_dma2 semaphore(%arg14 : memref<!tpu.dma_semaphore, #tpu.memory_space<semaphore_mem>>) src(%arg6 : memref<800x16xi32, #tpu.memory_space<vmem>>) dst(%dma_wait3A_609 : memref<800x16xi32, #tpu.memory_space<hbm>>)
    %dma_start3A_610 = arith.constant 24 : i32
    %dma_start3A_611 = arith.constant 0 : i32
    %dma_start3A_612 = tpu.memref_slice %arg5[%dma_start3A_610, %dma_start3A_611] : memref<32x800xi32, #tpu.memory_space<vmem>> -> memref<1x800xi32, #tpu.memory_space<vmem>>
    %dma_start3A_613 = tpu.memref_squeeze %dma_start3A_612 : memref<1x800xi32, #tpu.memory_space<vmem>> -> memref<800xi32, #tpu.memory_space<vmem>>
    %dma_start3A_614 = arith.constant 0 : i32
    %dma_start3A_615 = arith.constant 0 : i32
    %dma_start3A_616 = tpu.memref_slice %arg2[%dma_start3A_614, %dma_start3A_615] : memref<1000001x16xi32, #tpu.memory_space<hbm>> -> memref<1000001x16xi32, #tpu.memory_space<hbm>>
    tpu.enqueue_indirect_dma source(%dma_start3A_616 : memref<1000001x16xi32, #tpu.memory_space<hbm>>) target(%arg6 : memref<800x16xi32, #tpu.memory_space<vmem>>) offsets(%dma_start3A_613 : memref<800xi32, #tpu.memory_space<vmem>>) semaphore(%arg10 : memref<!tpu.dma_semaphore, #tpu.memory_space<semaphore_mem>>)
    %dma_wait3A_617 = arith.constant 21 : i32
    %dma_wait3A_618 = arith.constant 0 : i32
    %dma_wait3A_619 = tpu.memref_slice %arg5[%dma_wait3A_617, %dma_wait3A_618] : memref<32x800xi32, #tpu.memory_space<vmem>> -> memref<1x800xi32, #tpu.memory_space<vmem>>
    %dma_wait3A_620 = tpu.memref_squeeze %dma_wait3A_619 : memref<1x800xi32, #tpu.memory_space<vmem>> -> memref<800xi32, #tpu.memory_space<vmem>>
    %dma_wait3A_621 = arith.constant 0 : i32
    %dma_wait3A_622 = arith.constant 0 : i32
    %dma_wait3A_623 = tpu.memref_slice %arg2[%dma_wait3A_621, %dma_wait3A_622] : memref<1000001x16xi32, #tpu.memory_space<hbm>> -> memref<1000001x16xi32, #tpu.memory_space<hbm>>
    tpu.wait_indirect_dma semaphore(%arg11 : memref<!tpu.dma_semaphore, #tpu.memory_space<semaphore_mem>>) src(%dma_wait3A_623 : memref<1000001x16xi32, #tpu.memory_space<hbm>>) dst(%arg7 : memref<800x16xi32, #tpu.memory_space<vmem>>)
    %mul3A_624 = arith.constant 32 : i32
    %mul3A_625 = arith.muli %add3A, %mul3A_624 : i32
    %add3A_626 = arith.constant 21 : i32
    %add3A_627 = arith.addi %mul3A_625, %add3A_626 : i32
    %mul3A_628 = arith.constant 800 : i32
    %mul3A_629 = arith.muli %add3A_627, %mul3A_628 : i32
    %dma_start3A_630 = arith.constant 0 : i32
    %dma_start3A_631 = tpu.memref_slice %arg4[%mul3A_629, %dma_start3A_630] : memref<819200x16xi32, #tpu.memory_space<hbm>> -> memref<800x16xi32, #tpu.memory_space<hbm>>
    %dma_start3A_632 = arith.constant 0 : i32
    %dma_start3A_633 = tpu.memref_slice %arg4[%mul3A_629, %dma_start3A_632] : memref<819200x16xi32, #tpu.memory_space<hbm>> -> memref<800x16xi32, #tpu.memory_space<hbm>>
    tpu.enqueue_dma source(%arg7 : memref<800x16xi32, #tpu.memory_space<vmem>>) target(%dma_start3A_633 : memref<800x16xi32, #tpu.memory_space<hbm>>) target_semaphore(%arg15 : memref<!tpu.dma_semaphore, #tpu.memory_space<semaphore_mem>>)
    %dma_wait3A_634 = arith.constant 0 : i32
    %dma_wait3A_635 = tpu.memref_slice %arg4[%mul3A_629, %dma_wait3A_634] : memref<819200x16xi32, #tpu.memory_space<hbm>> -> memref<800x16xi32, #tpu.memory_space<hbm>>
    %dma_wait3A_636 = arith.constant 0 : i32
    %dma_wait3A_637 = tpu.memref_slice %arg4[%mul3A_629, %dma_wait3A_636] : memref<819200x16xi32, #tpu.memory_space<hbm>> -> memref<800x16xi32, #tpu.memory_space<hbm>>
    tpu.wait_dma2 semaphore(%arg15 : memref<!tpu.dma_semaphore, #tpu.memory_space<semaphore_mem>>) src(%arg7 : memref<800x16xi32, #tpu.memory_space<vmem>>) dst(%dma_wait3A_637 : memref<800x16xi32, #tpu.memory_space<hbm>>)
    %dma_start3A_638 = arith.constant 25 : i32
    %dma_start3A_639 = arith.constant 0 : i32
    %dma_start3A_640 = tpu.memref_slice %arg5[%dma_start3A_638, %dma_start3A_639] : memref<32x800xi32, #tpu.memory_space<vmem>> -> memref<1x800xi32, #tpu.memory_space<vmem>>
    %dma_start3A_641 = tpu.memref_squeeze %dma_start3A_640 : memref<1x800xi32, #tpu.memory_space<vmem>> -> memref<800xi32, #tpu.memory_space<vmem>>
    %dma_start3A_642 = arith.constant 0 : i32
    %dma_start3A_643 = arith.constant 0 : i32
    %dma_start3A_644 = tpu.memref_slice %arg2[%dma_start3A_642, %dma_start3A_643] : memref<1000001x16xi32, #tpu.memory_space<hbm>> -> memref<1000001x16xi32, #tpu.memory_space<hbm>>
    tpu.enqueue_indirect_dma source(%dma_start3A_644 : memref<1000001x16xi32, #tpu.memory_space<hbm>>) target(%arg7 : memref<800x16xi32, #tpu.memory_space<vmem>>) offsets(%dma_start3A_641 : memref<800xi32, #tpu.memory_space<vmem>>) semaphore(%arg11 : memref<!tpu.dma_semaphore, #tpu.memory_space<semaphore_mem>>)
    %dma_wait3A_645 = arith.constant 22 : i32
    %dma_wait3A_646 = arith.constant 0 : i32
    %dma_wait3A_647 = tpu.memref_slice %arg5[%dma_wait3A_645, %dma_wait3A_646] : memref<32x800xi32, #tpu.memory_space<vmem>> -> memref<1x800xi32, #tpu.memory_space<vmem>>
    %dma_wait3A_648 = tpu.memref_squeeze %dma_wait3A_647 : memref<1x800xi32, #tpu.memory_space<vmem>> -> memref<800xi32, #tpu.memory_space<vmem>>
    %dma_wait3A_649 = arith.constant 0 : i32
    %dma_wait3A_650 = arith.constant 0 : i32
    %dma_wait3A_651 = tpu.memref_slice %arg2[%dma_wait3A_649, %dma_wait3A_650] : memref<1000001x16xi32, #tpu.memory_space<hbm>> -> memref<1000001x16xi32, #tpu.memory_space<hbm>>
    tpu.wait_indirect_dma semaphore(%arg12 : memref<!tpu.dma_semaphore, #tpu.memory_space<semaphore_mem>>) src(%dma_wait3A_651 : memref<1000001x16xi32, #tpu.memory_space<hbm>>) dst(%arg8 : memref<800x16xi32, #tpu.memory_space<vmem>>)
    %mul3A_652 = arith.constant 32 : i32
    %mul3A_653 = arith.muli %add3A, %mul3A_652 : i32
    %add3A_654 = arith.constant 22 : i32
    %add3A_655 = arith.addi %mul3A_653, %add3A_654 : i32
    %mul3A_656 = arith.constant 800 : i32
    %mul3A_657 = arith.muli %add3A_655, %mul3A_656 : i32
    %dma_start3A_658 = arith.constant 0 : i32
    %dma_start3A_659 = tpu.memref_slice %arg4[%mul3A_657, %dma_start3A_658] : memref<819200x16xi32, #tpu.memory_space<hbm>> -> memref<800x16xi32, #tpu.memory_space<hbm>>
    %dma_start3A_660 = arith.constant 0 : i32
    %dma_start3A_661 = tpu.memref_slice %arg4[%mul3A_657, %dma_start3A_660] : memref<819200x16xi32, #tpu.memory_space<hbm>> -> memref<800x16xi32, #tpu.memory_space<hbm>>
    tpu.enqueue_dma source(%arg8 : memref<800x16xi32, #tpu.memory_space<vmem>>) target(%dma_start3A_661 : memref<800x16xi32, #tpu.memory_space<hbm>>) target_semaphore(%arg16 : memref<!tpu.dma_semaphore, #tpu.memory_space<semaphore_mem>>)
    %dma_wait3A_662 = arith.constant 0 : i32
    %dma_wait3A_663 = tpu.memref_slice %arg4[%mul3A_657, %dma_wait3A_662] : memref<819200x16xi32, #tpu.memory_space<hbm>> -> memref<800x16xi32, #tpu.memory_space<hbm>>
    %dma_wait3A_664 = arith.constant 0 : i32
    %dma_wait3A_665 = tpu.memref_slice %arg4[%mul3A_657, %dma_wait3A_664] : memref<819200x16xi32, #tpu.memory_space<hbm>> -> memref<800x16xi32, #tpu.memory_space<hbm>>
    tpu.wait_dma2 semaphore(%arg16 : memref<!tpu.dma_semaphore, #tpu.memory_space<semaphore_mem>>) src(%arg8 : memref<800x16xi32, #tpu.memory_space<vmem>>) dst(%dma_wait3A_665 : memref<800x16xi32, #tpu.memory_space<hbm>>)
    %dma_start3A_666 = arith.constant 26 : i32
    %dma_start3A_667 = arith.constant 0 : i32
    %dma_start3A_668 = tpu.memref_slice %arg5[%dma_start3A_666, %dma_start3A_667] : memref<32x800xi32, #tpu.memory_space<vmem>> -> memref<1x800xi32, #tpu.memory_space<vmem>>
    %dma_start3A_669 = tpu.memref_squeeze %dma_start3A_668 : memref<1x800xi32, #tpu.memory_space<vmem>> -> memref<800xi32, #tpu.memory_space<vmem>>
    %dma_start3A_670 = arith.constant 0 : i32
    %dma_start3A_671 = arith.constant 0 : i32
    %dma_start3A_672 = tpu.memref_slice %arg2[%dma_start3A_670, %dma_start3A_671] : memref<1000001x16xi32, #tpu.memory_space<hbm>> -> memref<1000001x16xi32, #tpu.memory_space<hbm>>
    tpu.enqueue_indirect_dma source(%dma_start3A_672 : memref<1000001x16xi32, #tpu.memory_space<hbm>>) target(%arg8 : memref<800x16xi32, #tpu.memory_space<vmem>>) offsets(%dma_start3A_669 : memref<800xi32, #tpu.memory_space<vmem>>) semaphore(%arg12 : memref<!tpu.dma_semaphore, #tpu.memory_space<semaphore_mem>>)
    %dma_wait3A_673 = arith.constant 23 : i32
    %dma_wait3A_674 = arith.constant 0 : i32
    %dma_wait3A_675 = tpu.memref_slice %arg5[%dma_wait3A_673, %dma_wait3A_674] : memref<32x800xi32, #tpu.memory_space<vmem>> -> memref<1x800xi32, #tpu.memory_space<vmem>>
    %dma_wait3A_676 = tpu.memref_squeeze %dma_wait3A_675 : memref<1x800xi32, #tpu.memory_space<vmem>> -> memref<800xi32, #tpu.memory_space<vmem>>
    %dma_wait3A_677 = arith.constant 0 : i32
    %dma_wait3A_678 = arith.constant 0 : i32
    %dma_wait3A_679 = tpu.memref_slice %arg2[%dma_wait3A_677, %dma_wait3A_678] : memref<1000001x16xi32, #tpu.memory_space<hbm>> -> memref<1000001x16xi32, #tpu.memory_space<hbm>>
    tpu.wait_indirect_dma semaphore(%arg13 : memref<!tpu.dma_semaphore, #tpu.memory_space<semaphore_mem>>) src(%dma_wait3A_679 : memref<1000001x16xi32, #tpu.memory_space<hbm>>) dst(%arg9 : memref<800x16xi32, #tpu.memory_space<vmem>>)
    %mul3A_680 = arith.constant 32 : i32
    %mul3A_681 = arith.muli %add3A, %mul3A_680 : i32
    %add3A_682 = arith.constant 23 : i32
    %add3A_683 = arith.addi %mul3A_681, %add3A_682 : i32
    %mul3A_684 = arith.constant 800 : i32
    %mul3A_685 = arith.muli %add3A_683, %mul3A_684 : i32
    %dma_start3A_686 = arith.constant 0 : i32
    %dma_start3A_687 = tpu.memref_slice %arg4[%mul3A_685, %dma_start3A_686] : memref<819200x16xi32, #tpu.memory_space<hbm>> -> memref<800x16xi32, #tpu.memory_space<hbm>>
    %dma_start3A_688 = arith.constant 0 : i32
    %dma_start3A_689 = tpu.memref_slice %arg4[%mul3A_685, %dma_start3A_688] : memref<819200x16xi32, #tpu.memory_space<hbm>> -> memref<800x16xi32, #tpu.memory_space<hbm>>
    tpu.enqueue_dma source(%arg9 : memref<800x16xi32, #tpu.memory_space<vmem>>) target(%dma_start3A_689 : memref<800x16xi32, #tpu.memory_space<hbm>>) target_semaphore(%arg17 : memref<!tpu.dma_semaphore, #tpu.memory_space<semaphore_mem>>)
    %dma_wait3A_690 = arith.constant 0 : i32
    %dma_wait3A_691 = tpu.memref_slice %arg4[%mul3A_685, %dma_wait3A_690] : memref<819200x16xi32, #tpu.memory_space<hbm>> -> memref<800x16xi32, #tpu.memory_space<hbm>>
    %dma_wait3A_692 = arith.constant 0 : i32
    %dma_wait3A_693 = tpu.memref_slice %arg4[%mul3A_685, %dma_wait3A_692] : memref<819200x16xi32, #tpu.memory_space<hbm>> -> memref<800x16xi32, #tpu.memory_space<hbm>>
    tpu.wait_dma2 semaphore(%arg17 : memref<!tpu.dma_semaphore, #tpu.memory_space<semaphore_mem>>) src(%arg9 : memref<800x16xi32, #tpu.memory_space<vmem>>) dst(%dma_wait3A_693 : memref<800x16xi32, #tpu.memory_space<hbm>>)
    %dma_start3A_694 = arith.constant 27 : i32
    %dma_start3A_695 = arith.constant 0 : i32
    %dma_start3A_696 = tpu.memref_slice %arg5[%dma_start3A_694, %dma_start3A_695] : memref<32x800xi32, #tpu.memory_space<vmem>> -> memref<1x800xi32, #tpu.memory_space<vmem>>
    %dma_start3A_697 = tpu.memref_squeeze %dma_start3A_696 : memref<1x800xi32, #tpu.memory_space<vmem>> -> memref<800xi32, #tpu.memory_space<vmem>>
    %dma_start3A_698 = arith.constant 0 : i32
    %dma_start3A_699 = arith.constant 0 : i32
    %dma_start3A_700 = tpu.memref_slice %arg2[%dma_start3A_698, %dma_start3A_699] : memref<1000001x16xi32, #tpu.memory_space<hbm>> -> memref<1000001x16xi32, #tpu.memory_space<hbm>>
    tpu.enqueue_indirect_dma source(%dma_start3A_700 : memref<1000001x16xi32, #tpu.memory_space<hbm>>) target(%arg9 : memref<800x16xi32, #tpu.memory_space<vmem>>) offsets(%dma_start3A_697 : memref<800xi32, #tpu.memory_space<vmem>>) semaphore(%arg13 : memref<!tpu.dma_semaphore, #tpu.memory_space<semaphore_mem>>)
    %dma_wait3A_701 = arith.constant 24 : i32
    %dma_wait3A_702 = arith.constant 0 : i32
    %dma_wait3A_703 = tpu.memref_slice %arg5[%dma_wait3A_701, %dma_wait3A_702] : memref<32x800xi32, #tpu.memory_space<vmem>> -> memref<1x800xi32, #tpu.memory_space<vmem>>
    %dma_wait3A_704 = tpu.memref_squeeze %dma_wait3A_703 : memref<1x800xi32, #tpu.memory_space<vmem>> -> memref<800xi32, #tpu.memory_space<vmem>>
    %dma_wait3A_705 = arith.constant 0 : i32
    %dma_wait3A_706 = arith.constant 0 : i32
    %dma_wait3A_707 = tpu.memref_slice %arg2[%dma_wait3A_705, %dma_wait3A_706] : memref<1000001x16xi32, #tpu.memory_space<hbm>> -> memref<1000001x16xi32, #tpu.memory_space<hbm>>
    tpu.wait_indirect_dma semaphore(%arg10 : memref<!tpu.dma_semaphore, #tpu.memory_space<semaphore_mem>>) src(%dma_wait3A_707 : memref<1000001x16xi32, #tpu.memory_space<hbm>>) dst(%arg6 : memref<800x16xi32, #tpu.memory_space<vmem>>)
    %mul3A_708 = arith.constant 32 : i32
    %mul3A_709 = arith.muli %add3A, %mul3A_708 : i32
    %add3A_710 = arith.constant 24 : i32
    %add3A_711 = arith.addi %mul3A_709, %add3A_710 : i32
    %mul3A_712 = arith.constant 800 : i32
    %mul3A_713 = arith.muli %add3A_711, %mul3A_712 : i32
    %dma_start3A_714 = arith.constant 0 : i32
    %dma_start3A_715 = tpu.memref_slice %arg4[%mul3A_713, %dma_start3A_714] : memref<819200x16xi32, #tpu.memory_space<hbm>> -> memref<800x16xi32, #tpu.memory_space<hbm>>
    %dma_start3A_716 = arith.constant 0 : i32
    %dma_start3A_717 = tpu.memref_slice %arg4[%mul3A_713, %dma_start3A_716] : memref<819200x16xi32, #tpu.memory_space<hbm>> -> memref<800x16xi32, #tpu.memory_space<hbm>>
    tpu.enqueue_dma source(%arg6 : memref<800x16xi32, #tpu.memory_space<vmem>>) target(%dma_start3A_717 : memref<800x16xi32, #tpu.memory_space<hbm>>) target_semaphore(%arg14 : memref<!tpu.dma_semaphore, #tpu.memory_space<semaphore_mem>>)
    %dma_wait3A_718 = arith.constant 0 : i32
    %dma_wait3A_719 = tpu.memref_slice %arg4[%mul3A_713, %dma_wait3A_718] : memref<819200x16xi32, #tpu.memory_space<hbm>> -> memref<800x16xi32, #tpu.memory_space<hbm>>
    %dma_wait3A_720 = arith.constant 0 : i32
    %dma_wait3A_721 = tpu.memref_slice %arg4[%mul3A_713, %dma_wait3A_720] : memref<819200x16xi32, #tpu.memory_space<hbm>> -> memref<800x16xi32, #tpu.memory_space<hbm>>
    tpu.wait_dma2 semaphore(%arg14 : memref<!tpu.dma_semaphore, #tpu.memory_space<semaphore_mem>>) src(%arg6 : memref<800x16xi32, #tpu.memory_space<vmem>>) dst(%dma_wait3A_721 : memref<800x16xi32, #tpu.memory_space<hbm>>)
    %dma_start3A_722 = arith.constant 28 : i32
    %dma_start3A_723 = arith.constant 0 : i32
    %dma_start3A_724 = tpu.memref_slice %arg5[%dma_start3A_722, %dma_start3A_723] : memref<32x800xi32, #tpu.memory_space<vmem>> -> memref<1x800xi32, #tpu.memory_space<vmem>>
    %dma_start3A_725 = tpu.memref_squeeze %dma_start3A_724 : memref<1x800xi32, #tpu.memory_space<vmem>> -> memref<800xi32, #tpu.memory_space<vmem>>
    %dma_start3A_726 = arith.constant 0 : i32
    %dma_start3A_727 = arith.constant 0 : i32
    %dma_start3A_728 = tpu.memref_slice %arg2[%dma_start3A_726, %dma_start3A_727] : memref<1000001x16xi32, #tpu.memory_space<hbm>> -> memref<1000001x16xi32, #tpu.memory_space<hbm>>
    tpu.enqueue_indirect_dma source(%dma_start3A_728 : memref<1000001x16xi32, #tpu.memory_space<hbm>>) target(%arg6 : memref<800x16xi32, #tpu.memory_space<vmem>>) offsets(%dma_start3A_725 : memref<800xi32, #tpu.memory_space<vmem>>) semaphore(%arg10 : memref<!tpu.dma_semaphore, #tpu.memory_space<semaphore_mem>>)
    %dma_wait3A_729 = arith.constant 25 : i32
    %dma_wait3A_730 = arith.constant 0 : i32
    %dma_wait3A_731 = tpu.memref_slice %arg5[%dma_wait3A_729, %dma_wait3A_730] : memref<32x800xi32, #tpu.memory_space<vmem>> -> memref<1x800xi32, #tpu.memory_space<vmem>>
    %dma_wait3A_732 = tpu.memref_squeeze %dma_wait3A_731 : memref<1x800xi32, #tpu.memory_space<vmem>> -> memref<800xi32, #tpu.memory_space<vmem>>
    %dma_wait3A_733 = arith.constant 0 : i32
    %dma_wait3A_734 = arith.constant 0 : i32
    %dma_wait3A_735 = tpu.memref_slice %arg2[%dma_wait3A_733, %dma_wait3A_734] : memref<1000001x16xi32, #tpu.memory_space<hbm>> -> memref<1000001x16xi32, #tpu.memory_space<hbm>>
    tpu.wait_indirect_dma semaphore(%arg11 : memref<!tpu.dma_semaphore, #tpu.memory_space<semaphore_mem>>) src(%dma_wait3A_735 : memref<1000001x16xi32, #tpu.memory_space<hbm>>) dst(%arg7 : memref<800x16xi32, #tpu.memory_space<vmem>>)
    %mul3A_736 = arith.constant 32 : i32
    %mul3A_737 = arith.muli %add3A, %mul3A_736 : i32
    %add3A_738 = arith.constant 25 : i32
    %add3A_739 = arith.addi %mul3A_737, %add3A_738 : i32
    %mul3A_740 = arith.constant 800 : i32
    %mul3A_741 = arith.muli %add3A_739, %mul3A_740 : i32
    %dma_start3A_742 = arith.constant 0 : i32
    %dma_start3A_743 = tpu.memref_slice %arg4[%mul3A_741, %dma_start3A_742] : memref<819200x16xi32, #tpu.memory_space<hbm>> -> memref<800x16xi32, #tpu.memory_space<hbm>>
    %dma_start3A_744 = arith.constant 0 : i32
    %dma_start3A_745 = tpu.memref_slice %arg4[%mul3A_741, %dma_start3A_744] : memref<819200x16xi32, #tpu.memory_space<hbm>> -> memref<800x16xi32, #tpu.memory_space<hbm>>
    tpu.enqueue_dma source(%arg7 : memref<800x16xi32, #tpu.memory_space<vmem>>) target(%dma_start3A_745 : memref<800x16xi32, #tpu.memory_space<hbm>>) target_semaphore(%arg15 : memref<!tpu.dma_semaphore, #tpu.memory_space<semaphore_mem>>)
    %dma_wait3A_746 = arith.constant 0 : i32
    %dma_wait3A_747 = tpu.memref_slice %arg4[%mul3A_741, %dma_wait3A_746] : memref<819200x16xi32, #tpu.memory_space<hbm>> -> memref<800x16xi32, #tpu.memory_space<hbm>>
    %dma_wait3A_748 = arith.constant 0 : i32
    %dma_wait3A_749 = tpu.memref_slice %arg4[%mul3A_741, %dma_wait3A_748] : memref<819200x16xi32, #tpu.memory_space<hbm>> -> memref<800x16xi32, #tpu.memory_space<hbm>>
    tpu.wait_dma2 semaphore(%arg15 : memref<!tpu.dma_semaphore, #tpu.memory_space<semaphore_mem>>) src(%arg7 : memref<800x16xi32, #tpu.memory_space<vmem>>) dst(%dma_wait3A_749 : memref<800x16xi32, #tpu.memory_space<hbm>>)
    %dma_start3A_750 = arith.constant 29 : i32
    %dma_start3A_751 = arith.constant 0 : i32
    %dma_start3A_752 = tpu.memref_slice %arg5[%dma_start3A_750, %dma_start3A_751] : memref<32x800xi32, #tpu.memory_space<vmem>> -> memref<1x800xi32, #tpu.memory_space<vmem>>
    %dma_start3A_753 = tpu.memref_squeeze %dma_start3A_752 : memref<1x800xi32, #tpu.memory_space<vmem>> -> memref<800xi32, #tpu.memory_space<vmem>>
    %dma_start3A_754 = arith.constant 0 : i32
    %dma_start3A_755 = arith.constant 0 : i32
    %dma_start3A_756 = tpu.memref_slice %arg2[%dma_start3A_754, %dma_start3A_755] : memref<1000001x16xi32, #tpu.memory_space<hbm>> -> memref<1000001x16xi32, #tpu.memory_space<hbm>>
    tpu.enqueue_indirect_dma source(%dma_start3A_756 : memref<1000001x16xi32, #tpu.memory_space<hbm>>) target(%arg7 : memref<800x16xi32, #tpu.memory_space<vmem>>) offsets(%dma_start3A_753 : memref<800xi32, #tpu.memory_space<vmem>>) semaphore(%arg11 : memref<!tpu.dma_semaphore, #tpu.memory_space<semaphore_mem>>)
    %dma_wait3A_757 = arith.constant 26 : i32
    %dma_wait3A_758 = arith.constant 0 : i32
    %dma_wait3A_759 = tpu.memref_slice %arg5[%dma_wait3A_757, %dma_wait3A_758] : memref<32x800xi32, #tpu.memory_space<vmem>> -> memref<1x800xi32, #tpu.memory_space<vmem>>
    %dma_wait3A_760 = tpu.memref_squeeze %dma_wait3A_759 : memref<1x800xi32, #tpu.memory_space<vmem>> -> memref<800xi32, #tpu.memory_space<vmem>>
    %dma_wait3A_761 = arith.constant 0 : i32
    %dma_wait3A_762 = arith.constant 0 : i32
    %dma_wait3A_763 = tpu.memref_slice %arg2[%dma_wait3A_761, %dma_wait3A_762] : memref<1000001x16xi32, #tpu.memory_space<hbm>> -> memref<1000001x16xi32, #tpu.memory_space<hbm>>
    tpu.wait_indirect_dma semaphore(%arg12 : memref<!tpu.dma_semaphore, #tpu.memory_space<semaphore_mem>>) src(%dma_wait3A_763 : memref<1000001x16xi32, #tpu.memory_space<hbm>>) dst(%arg8 : memref<800x16xi32, #tpu.memory_space<vmem>>)
    %mul3A_764 = arith.constant 32 : i32
    %mul3A_765 = arith.muli %add3A, %mul3A_764 : i32
    %add3A_766 = arith.constant 26 : i32
    %add3A_767 = arith.addi %mul3A_765, %add3A_766 : i32
    %mul3A_768 = arith.constant 800 : i32
    %mul3A_769 = arith.muli %add3A_767, %mul3A_768 : i32
    %dma_start3A_770 = arith.constant 0 : i32
    %dma_start3A_771 = tpu.memref_slice %arg4[%mul3A_769, %dma_start3A_770] : memref<819200x16xi32, #tpu.memory_space<hbm>> -> memref<800x16xi32, #tpu.memory_space<hbm>>
    %dma_start3A_772 = arith.constant 0 : i32
    %dma_start3A_773 = tpu.memref_slice %arg4[%mul3A_769, %dma_start3A_772] : memref<819200x16xi32, #tpu.memory_space<hbm>> -> memref<800x16xi32, #tpu.memory_space<hbm>>
    tpu.enqueue_dma source(%arg8 : memref<800x16xi32, #tpu.memory_space<vmem>>) target(%dma_start3A_773 : memref<800x16xi32, #tpu.memory_space<hbm>>) target_semaphore(%arg16 : memref<!tpu.dma_semaphore, #tpu.memory_space<semaphore_mem>>)
    %dma_wait3A_774 = arith.constant 0 : i32
    %dma_wait3A_775 = tpu.memref_slice %arg4[%mul3A_769, %dma_wait3A_774] : memref<819200x16xi32, #tpu.memory_space<hbm>> -> memref<800x16xi32, #tpu.memory_space<hbm>>
    %dma_wait3A_776 = arith.constant 0 : i32
    %dma_wait3A_777 = tpu.memref_slice %arg4[%mul3A_769, %dma_wait3A_776] : memref<819200x16xi32, #tpu.memory_space<hbm>> -> memref<800x16xi32, #tpu.memory_space<hbm>>
    tpu.wait_dma2 semaphore(%arg16 : memref<!tpu.dma_semaphore, #tpu.memory_space<semaphore_mem>>) src(%arg8 : memref<800x16xi32, #tpu.memory_space<vmem>>) dst(%dma_wait3A_777 : memref<800x16xi32, #tpu.memory_space<hbm>>)
    %dma_start3A_778 = arith.constant 30 : i32
    %dma_start3A_779 = arith.constant 0 : i32
    %dma_start3A_780 = tpu.memref_slice %arg5[%dma_start3A_778, %dma_start3A_779] : memref<32x800xi32, #tpu.memory_space<vmem>> -> memref<1x800xi32, #tpu.memory_space<vmem>>
    %dma_start3A_781 = tpu.memref_squeeze %dma_start3A_780 : memref<1x800xi32, #tpu.memory_space<vmem>> -> memref<800xi32, #tpu.memory_space<vmem>>
    %dma_start3A_782 = arith.constant 0 : i32
    %dma_start3A_783 = arith.constant 0 : i32
    %dma_start3A_784 = tpu.memref_slice %arg2[%dma_start3A_782, %dma_start3A_783] : memref<1000001x16xi32, #tpu.memory_space<hbm>> -> memref<1000001x16xi32, #tpu.memory_space<hbm>>
    tpu.enqueue_indirect_dma source(%dma_start3A_784 : memref<1000001x16xi32, #tpu.memory_space<hbm>>) target(%arg8 : memref<800x16xi32, #tpu.memory_space<vmem>>) offsets(%dma_start3A_781 : memref<800xi32, #tpu.memory_space<vmem>>) semaphore(%arg12 : memref<!tpu.dma_semaphore, #tpu.memory_space<semaphore_mem>>)
    %dma_wait3A_785 = arith.constant 27 : i32
    %dma_wait3A_786 = arith.constant 0 : i32
    %dma_wait3A_787 = tpu.memref_slice %arg5[%dma_wait3A_785, %dma_wait3A_786] : memref<32x800xi32, #tpu.memory_space<vmem>> -> memref<1x800xi32, #tpu.memory_space<vmem>>
    %dma_wait3A_788 = tpu.memref_squeeze %dma_wait3A_787 : memref<1x800xi32, #tpu.memory_space<vmem>> -> memref<800xi32, #tpu.memory_space<vmem>>
    %dma_wait3A_789 = arith.constant 0 : i32
    %dma_wait3A_790 = arith.constant 0 : i32
    %dma_wait3A_791 = tpu.memref_slice %arg2[%dma_wait3A_789, %dma_wait3A_790] : memref<1000001x16xi32, #tpu.memory_space<hbm>> -> memref<1000001x16xi32, #tpu.memory_space<hbm>>
    tpu.wait_indirect_dma semaphore(%arg13 : memref<!tpu.dma_semaphore, #tpu.memory_space<semaphore_mem>>) src(%dma_wait3A_791 : memref<1000001x16xi32, #tpu.memory_space<hbm>>) dst(%arg9 : memref<800x16xi32, #tpu.memory_space<vmem>>)
    %mul3A_792 = arith.constant 32 : i32
    %mul3A_793 = arith.muli %add3A, %mul3A_792 : i32
    %add3A_794 = arith.constant 27 : i32
    %add3A_795 = arith.addi %mul3A_793, %add3A_794 : i32
    %mul3A_796 = arith.constant 800 : i32
    %mul3A_797 = arith.muli %add3A_795, %mul3A_796 : i32
    %dma_start3A_798 = arith.constant 0 : i32
    %dma_start3A_799 = tpu.memref_slice %arg4[%mul3A_797, %dma_start3A_798] : memref<819200x16xi32, #tpu.memory_space<hbm>> -> memref<800x16xi32, #tpu.memory_space<hbm>>
    %dma_start3A_800 = arith.constant 0 : i32
    %dma_start3A_801 = tpu.memref_slice %arg4[%mul3A_797, %dma_start3A_800] : memref<819200x16xi32, #tpu.memory_space<hbm>> -> memref<800x16xi32, #tpu.memory_space<hbm>>
    tpu.enqueue_dma source(%arg9 : memref<800x16xi32, #tpu.memory_space<vmem>>) target(%dma_start3A_801 : memref<800x16xi32, #tpu.memory_space<hbm>>) target_semaphore(%arg17 : memref<!tpu.dma_semaphore, #tpu.memory_space<semaphore_mem>>)
    %dma_wait3A_802 = arith.constant 0 : i32
    %dma_wait3A_803 = tpu.memref_slice %arg4[%mul3A_797, %dma_wait3A_802] : memref<819200x16xi32, #tpu.memory_space<hbm>> -> memref<800x16xi32, #tpu.memory_space<hbm>>
    %dma_wait3A_804 = arith.constant 0 : i32
    %dma_wait3A_805 = tpu.memref_slice %arg4[%mul3A_797, %dma_wait3A_804] : memref<819200x16xi32, #tpu.memory_space<hbm>> -> memref<800x16xi32, #tpu.memory_space<hbm>>
    tpu.wait_dma2 semaphore(%arg17 : memref<!tpu.dma_semaphore, #tpu.memory_space<semaphore_mem>>) src(%arg9 : memref<800x16xi32, #tpu.memory_space<vmem>>) dst(%dma_wait3A_805 : memref<800x16xi32, #tpu.memory_space<hbm>>)
    %dma_start3A_806 = arith.constant 31 : i32
    %dma_start3A_807 = arith.constant 0 : i32
    %dma_start3A_808 = tpu.memref_slice %arg5[%dma_start3A_806, %dma_start3A_807] : memref<32x800xi32, #tpu.memory_space<vmem>> -> memref<1x800xi32, #tpu.memory_space<vmem>>
    %dma_start3A_809 = tpu.memref_squeeze %dma_start3A_808 : memref<1x800xi32, #tpu.memory_space<vmem>> -> memref<800xi32, #tpu.memory_space<vmem>>
    %dma_start3A_810 = arith.constant 0 : i32
    %dma_start3A_811 = arith.constant 0 : i32
    %dma_start3A_812 = tpu.memref_slice %arg2[%dma_start3A_810, %dma_start3A_811] : memref<1000001x16xi32, #tpu.memory_space<hbm>> -> memref<1000001x16xi32, #tpu.memory_space<hbm>>
    tpu.enqueue_indirect_dma source(%dma_start3A_812 : memref<1000001x16xi32, #tpu.memory_space<hbm>>) target(%arg9 : memref<800x16xi32, #tpu.memory_space<vmem>>) offsets(%dma_start3A_809 : memref<800xi32, #tpu.memory_space<vmem>>) semaphore(%arg13 : memref<!tpu.dma_semaphore, #tpu.memory_space<semaphore_mem>>)
    %dma_wait3A_813 = arith.constant 28 : i32
    %dma_wait3A_814 = arith.constant 0 : i32
    %dma_wait3A_815 = tpu.memref_slice %arg5[%dma_wait3A_813, %dma_wait3A_814] : memref<32x800xi32, #tpu.memory_space<vmem>> -> memref<1x800xi32, #tpu.memory_space<vmem>>
    %dma_wait3A_816 = tpu.memref_squeeze %dma_wait3A_815 : memref<1x800xi32, #tpu.memory_space<vmem>> -> memref<800xi32, #tpu.memory_space<vmem>>
    %dma_wait3A_817 = arith.constant 0 : i32
    %dma_wait3A_818 = arith.constant 0 : i32
    %dma_wait3A_819 = tpu.memref_slice %arg2[%dma_wait3A_817, %dma_wait3A_818] : memref<1000001x16xi32, #tpu.memory_space<hbm>> -> memref<1000001x16xi32, #tpu.memory_space<hbm>>
    tpu.wait_indirect_dma semaphore(%arg10 : memref<!tpu.dma_semaphore, #tpu.memory_space<semaphore_mem>>) src(%dma_wait3A_819 : memref<1000001x16xi32, #tpu.memory_space<hbm>>) dst(%arg6 : memref<800x16xi32, #tpu.memory_space<vmem>>)
    %mul3A_820 = arith.constant 32 : i32
    %mul3A_821 = arith.muli %add3A, %mul3A_820 : i32
    %add3A_822 = arith.constant 28 : i32
    %add3A_823 = arith.addi %mul3A_821, %add3A_822 : i32
    %mul3A_824 = arith.constant 800 : i32
    %mul3A_825 = arith.muli %add3A_823, %mul3A_824 : i32
    %dma_start3A_826 = arith.constant 0 : i32
    %dma_start3A_827 = tpu.memref_slice %arg4[%mul3A_825, %dma_start3A_826] : memref<819200x16xi32, #tpu.memory_space<hbm>> -> memref<800x16xi32, #tpu.memory_space<hbm>>
    %dma_start3A_828 = arith.constant 0 : i32
    %dma_start3A_829 = tpu.memref_slice %arg4[%mul3A_825, %dma_start3A_828] : memref<819200x16xi32, #tpu.memory_space<hbm>> -> memref<800x16xi32, #tpu.memory_space<hbm>>
    tpu.enqueue_dma source(%arg6 : memref<800x16xi32, #tpu.memory_space<vmem>>) target(%dma_start3A_829 : memref<800x16xi32, #tpu.memory_space<hbm>>) target_semaphore(%arg14 : memref<!tpu.dma_semaphore, #tpu.memory_space<semaphore_mem>>)
    %dma_wait3A_830 = arith.constant 29 : i32
    %dma_wait3A_831 = arith.constant 0 : i32
    %dma_wait3A_832 = tpu.memref_slice %arg5[%dma_wait3A_830, %dma_wait3A_831] : memref<32x800xi32, #tpu.memory_space<vmem>> -> memref<1x800xi32, #tpu.memory_space<vmem>>
    %dma_wait3A_833 = tpu.memref_squeeze %dma_wait3A_832 : memref<1x800xi32, #tpu.memory_space<vmem>> -> memref<800xi32, #tpu.memory_space<vmem>>
    %dma_wait3A_834 = arith.constant 0 : i32
    %dma_wait3A_835 = arith.constant 0 : i32
    %dma_wait3A_836 = tpu.memref_slice %arg2[%dma_wait3A_834, %dma_wait3A_835] : memref<1000001x16xi32, #tpu.memory_space<hbm>> -> memref<1000001x16xi32, #tpu.memory_space<hbm>>
    tpu.wait_indirect_dma semaphore(%arg11 : memref<!tpu.dma_semaphore, #tpu.memory_space<semaphore_mem>>) src(%dma_wait3A_836 : memref<1000001x16xi32, #tpu.memory_space<hbm>>) dst(%arg7 : memref<800x16xi32, #tpu.memory_space<vmem>>)
    %mul3A_837 = arith.constant 32 : i32
    %mul3A_838 = arith.muli %add3A, %mul3A_837 : i32
    %add3A_839 = arith.constant 29 : i32
    %add3A_840 = arith.addi %mul3A_838, %add3A_839 : i32
    %mul3A_841 = arith.constant 800 : i32
    %mul3A_842 = arith.muli %add3A_840, %mul3A_841 : i32
    %dma_start3A_843 = arith.constant 0 : i32
    %dma_start3A_844 = tpu.memref_slice %arg4[%mul3A_842, %dma_start3A_843] : memref<819200x16xi32, #tpu.memory_space<hbm>> -> memref<800x16xi32, #tpu.memory_space<hbm>>
    %dma_start3A_845 = arith.constant 0 : i32
    %dma_start3A_846 = tpu.memref_slice %arg4[%mul3A_842, %dma_start3A_845] : memref<819200x16xi32, #tpu.memory_space<hbm>> -> memref<800x16xi32, #tpu.memory_space<hbm>>
    tpu.enqueue_dma source(%arg7 : memref<800x16xi32, #tpu.memory_space<vmem>>) target(%dma_start3A_846 : memref<800x16xi32, #tpu.memory_space<hbm>>) target_semaphore(%arg15 : memref<!tpu.dma_semaphore, #tpu.memory_space<semaphore_mem>>)
    %dma_wait3A_847 = arith.constant 30 : i32
    %dma_wait3A_848 = arith.constant 0 : i32
    %dma_wait3A_849 = tpu.memref_slice %arg5[%dma_wait3A_847, %dma_wait3A_848] : memref<32x800xi32, #tpu.memory_space<vmem>> -> memref<1x800xi32, #tpu.memory_space<vmem>>
    %dma_wait3A_850 = tpu.memref_squeeze %dma_wait3A_849 : memref<1x800xi32, #tpu.memory_space<vmem>> -> memref<800xi32, #tpu.memory_space<vmem>>
    %dma_wait3A_851 = arith.constant 0 : i32
    %dma_wait3A_852 = arith.constant 0 : i32
    %dma_wait3A_853 = tpu.memref_slice %arg2[%dma_wait3A_851, %dma_wait3A_852] : memref<1000001x16xi32, #tpu.memory_space<hbm>> -> memref<1000001x16xi32, #tpu.memory_space<hbm>>
    tpu.wait_indirect_dma semaphore(%arg12 : memref<!tpu.dma_semaphore, #tpu.memory_space<semaphore_mem>>) src(%dma_wait3A_853 : memref<1000001x16xi32, #tpu.memory_space<hbm>>) dst(%arg8 : memref<800x16xi32, #tpu.memory_space<vmem>>)
    %mul3A_854 = arith.constant 32 : i32
    %mul3A_855 = arith.muli %add3A, %mul3A_854 : i32
    %add3A_856 = arith.constant 30 : i32
    %add3A_857 = arith.addi %mul3A_855, %add3A_856 : i32
    %mul3A_858 = arith.constant 800 : i32
    %mul3A_859 = arith.muli %add3A_857, %mul3A_858 : i32
    %dma_start3A_860 = arith.constant 0 : i32
    %dma_start3A_861 = tpu.memref_slice %arg4[%mul3A_859, %dma_start3A_860] : memref<819200x16xi32, #tpu.memory_space<hbm>> -> memref<800x16xi32, #tpu.memory_space<hbm>>
    %dma_start3A_862 = arith.constant 0 : i32
    %dma_start3A_863 = tpu.memref_slice %arg4[%mul3A_859, %dma_start3A_862] : memref<819200x16xi32, #tpu.memory_space<hbm>> -> memref<800x16xi32, #tpu.memory_space<hbm>>
    tpu.enqueue_dma source(%arg8 : memref<800x16xi32, #tpu.memory_space<vmem>>) target(%dma_start3A_863 : memref<800x16xi32, #tpu.memory_space<hbm>>) target_semaphore(%arg16 : memref<!tpu.dma_semaphore, #tpu.memory_space<semaphore_mem>>)
    %dma_wait3A_864 = arith.constant 31 : i32
    %dma_wait3A_865 = arith.constant 0 : i32
    %dma_wait3A_866 = tpu.memref_slice %arg5[%dma_wait3A_864, %dma_wait3A_865] : memref<32x800xi32, #tpu.memory_space<vmem>> -> memref<1x800xi32, #tpu.memory_space<vmem>>
    %dma_wait3A_867 = tpu.memref_squeeze %dma_wait3A_866 : memref<1x800xi32, #tpu.memory_space<vmem>> -> memref<800xi32, #tpu.memory_space<vmem>>
    %dma_wait3A_868 = arith.constant 0 : i32
    %dma_wait3A_869 = arith.constant 0 : i32
    %dma_wait3A_870 = tpu.memref_slice %arg2[%dma_wait3A_868, %dma_wait3A_869] : memref<1000001x16xi32, #tpu.memory_space<hbm>> -> memref<1000001x16xi32, #tpu.memory_space<hbm>>
    tpu.wait_indirect_dma semaphore(%arg13 : memref<!tpu.dma_semaphore, #tpu.memory_space<semaphore_mem>>) src(%dma_wait3A_870 : memref<1000001x16xi32, #tpu.memory_space<hbm>>) dst(%arg9 : memref<800x16xi32, #tpu.memory_space<vmem>>)
    %mul3A_871 = arith.constant 32 : i32
    %mul3A_872 = arith.muli %add3A, %mul3A_871 : i32
    %add3A_873 = arith.constant 31 : i32
    %add3A_874 = arith.addi %mul3A_872, %add3A_873 : i32
    %mul3A_875 = arith.constant 800 : i32
    %mul3A_876 = arith.muli %add3A_874, %mul3A_875 : i32
    %dma_start3A_877 = arith.constant 0 : i32
    %dma_start3A_878 = tpu.memref_slice %arg4[%mul3A_876, %dma_start3A_877] : memref<819200x16xi32, #tpu.memory_space<hbm>> -> memref<800x16xi32, #tpu.memory_space<hbm>>
    %dma_start3A_879 = arith.constant 0 : i32
    %dma_start3A_880 = tpu.memref_slice %arg4[%mul3A_876, %dma_start3A_879] : memref<819200x16xi32, #tpu.memory_space<hbm>> -> memref<800x16xi32, #tpu.memory_space<hbm>>
    tpu.enqueue_dma source(%arg9 : memref<800x16xi32, #tpu.memory_space<vmem>>) target(%dma_start3A_880 : memref<800x16xi32, #tpu.memory_space<hbm>>) target_semaphore(%arg17 : memref<!tpu.dma_semaphore, #tpu.memory_space<semaphore_mem>>)
    %dma_wait3A_881 = arith.constant 0 : i32
    %dma_wait3A_882 = tpu.memref_slice %arg4[%mul3A_825, %dma_wait3A_881] : memref<819200x16xi32, #tpu.memory_space<hbm>> -> memref<800x16xi32, #tpu.memory_space<hbm>>
    %dma_wait3A_883 = arith.constant 0 : i32
    %dma_wait3A_884 = tpu.memref_slice %arg4[%mul3A_825, %dma_wait3A_883] : memref<819200x16xi32, #tpu.memory_space<hbm>> -> memref<800x16xi32, #tpu.memory_space<hbm>>
    tpu.wait_dma2 semaphore(%arg14 : memref<!tpu.dma_semaphore, #tpu.memory_space<semaphore_mem>>) src(%arg6 : memref<800x16xi32, #tpu.memory_space<vmem>>) dst(%dma_wait3A_884 : memref<800x16xi32, #tpu.memory_space<hbm>>)
    %dma_wait3A_885 = arith.constant 0 : i32
    %dma_wait3A_886 = tpu.memref_slice %arg4[%mul3A_842, %dma_wait3A_885] : memref<819200x16xi32, #tpu.memory_space<hbm>> -> memref<800x16xi32, #tpu.memory_space<hbm>>
    %dma_wait3A_887 = arith.constant 0 : i32
    %dma_wait3A_888 = tpu.memref_slice %arg4[%mul3A_842, %dma_wait3A_887] : memref<819200x16xi32, #tpu.memory_space<hbm>> -> memref<800x16xi32, #tpu.memory_space<hbm>>
    tpu.wait_dma2 semaphore(%arg15 : memref<!tpu.dma_semaphore, #tpu.memory_space<semaphore_mem>>) src(%arg7 : memref<800x16xi32, #tpu.memory_space<vmem>>) dst(%dma_wait3A_888 : memref<800x16xi32, #tpu.memory_space<hbm>>)
    %dma_wait3A_889 = arith.constant 0 : i32
    %dma_wait3A_890 = tpu.memref_slice %arg4[%mul3A_859, %dma_wait3A_889] : memref<819200x16xi32, #tpu.memory_space<hbm>> -> memref<800x16xi32, #tpu.memory_space<hbm>>
    %dma_wait3A_891 = arith.constant 0 : i32
    %dma_wait3A_892 = tpu.memref_slice %arg4[%mul3A_859, %dma_wait3A_891] : memref<819200x16xi32, #tpu.memory_space<hbm>> -> memref<800x16xi32, #tpu.memory_space<hbm>>
    tpu.wait_dma2 semaphore(%arg16 : memref<!tpu.dma_semaphore, #tpu.memory_space<semaphore_mem>>) src(%arg8 : memref<800x16xi32, #tpu.memory_space<vmem>>) dst(%dma_wait3A_892 : memref<800x16xi32, #tpu.memory_space<hbm>>)
    %dma_wait3A_893 = arith.constant 0 : i32
    %dma_wait3A_894 = tpu.memref_slice %arg4[%mul3A_876, %dma_wait3A_893] : memref<819200x16xi32, #tpu.memory_space<hbm>> -> memref<800x16xi32, #tpu.memory_space<hbm>>
    %dma_wait3A_895 = arith.constant 0 : i32
    %dma_wait3A_896 = tpu.memref_slice %arg4[%mul3A_876, %dma_wait3A_895] : memref<819200x16xi32, #tpu.memory_space<hbm>> -> memref<800x16xi32, #tpu.memory_space<hbm>>
    tpu.wait_dma2 semaphore(%arg17 : memref<!tpu.dma_semaphore, #tpu.memory_space<semaphore_mem>>) src(%arg9 : memref<800x16xi32, #tpu.memory_space<vmem>>) dst(%dma_wait3A_896 : memref<800x16xi32, #tpu.memory_space<hbm>>)
    return
  }
}

</mosaic_0001>

<sc_bundles>
// kernel: kernel.3.cloned.1.call-start
scs
__scs_entry_jumppad:
0x0: {  	(pc) =	sbr.rel $0x88, $3  }
0x1: {  	(tag) =	ssettag $0x0;
	lr =	simm.s32 $0x1  }
0x2: {  	[smem:$0x3F9F] =	sst lr;
	_ =	strace $0xD0000000  }
0x3: {  	_ = 	snop  }
0x4: {  	_ = 	snop  }
0x5: {  	_ = 	snop  }
0x6: {  	_ = 	snop  }
0x7: {  	_ = 	snop  }
__scs_overlays_trampoline_lowered:
0x8: {  	[smem:$0x3FAE] =	sst s0  }
0x9: {  	[smem:$0x3FAF] =	sst s1  }
0xa: {  	[smem:$0x3FB0] =	sst s2  }
0xb: {  	[smem:$0x3FB1] =	sst s3  }
0xc: {  	[smem:$0x3FB2] =	sst s4  }
0xd: {  	[smem:$0x3FB3] =	sst s5  }
0xe: {  	[smem:$0x3FB4] =	sst s6  }
0xf: {  	[smem:$0x3FB5] =	sst s7  }
0x10: {  	[smem:$0x3FB6] =	sst s8  }
0x11: {  	[smem:$0x3FB7] =	sst s9;
	s0 =	simm.s32 @!p0 $0x0  }
0x12: {  	s1 =	sld [smem:$0x3F9D];
	s0 =	simm.s32 @p0 $0x1  }
0x13: {  	[smem:$0x3FB8] =	sst s0;
	s0 =	simm.s32 @!p1 $0x0  }
0x14: {  	s2 =	sld [smem:$0x3F9C];
	s0 =	simm.s32 @p1 $0x1  }
0x15: {  	[smem:$0x3FB9] =	sst s0;
	s0 =	simm.s32 @!p2 $0x0  }
0x16: {  	s3 =	sld [smem:$0x3FDB];
	s0 =	simm.s32 @p2 $0x1  }
0x17: {  	s4 =	simm.s32 $0x1BF5;
	[smem:$0x3FBB] =	sst s0  }
0x18: {  	s0 =	sld [smem:$0x3F9E];
	_ =	swait.ge [sflag:s4], $0x0  }
0x19: {  	s7 =	sld [smem:$0x3F9F]  }
0x1a: {  	s8 =	sadd.s32 $0xFFFFE003, lr  }
0x1b: {  	s9 =	sadd.s32 $0xFFFFFEF7, lr;
	s5 =	simm.s32 $0xFFFFFFFF;
	p2 =	slt.u32 s8, $0xFFFFF086  }
0x1c: {  	p1 =	slt.u32 s9, $0xF7A;
	s5 =	simm.s32 @!p2 $0x0  }
0x1d: {  	s5 =	simm.s32 @p1 $0x1;
	p0 =	seq.s32 s7, s2  }
0x1e: {  	s7 =	smul.u32 @!p0 $0xF7A, s2;
	p2 =	seq.s32 @!p0 s5, $0x0  }
0x1f: {  	s9 =	smul.u32 $0xF7A, s1;
	s8 =	simm.s32 @!p0 $0x1BF5;
	p2 =	por !p2, p0  }
0x20: {  	[sflag:s8] =	ssyncset.s32 @!p0 $0xFFFFF086;
	s6 =	sadd.s32 @!p0 s3, s7;
	s7 =	simm.s32 @!p0 $0x108  }
0x21: {  	s3 =	sadd.s32 s3, s9;
	s6 =	sadd.s32 @!p0 $0x88, s6;
	s7 =	simm.s32 @p2 $0x1082  }
0x22: {  	[simem:s7], [sflag:s8] =	dma.local @!p0 [hbm:s6], $0xF7A  }
0x23: {  	s9 =	sor.u32 $0xD0000000, s2;
	s6 =	simm.s32 $0x108;
	_ =	swait.ge @!p0 [sflag:s8], $0x0  }
0x24: {  	s3 =	sadd.s32 $0x88, s3;
	s6 =	simm.s32 @!p1 $0x1082;
	[sflag:s4] =	ssyncset.s32 $0xFFFFF086  }
0x25: {  	[simem:s6], [sflag:s4] =	dma.local [hbm:s3], $0xF7A  }
0x26: {  	[smem:$0x3F9F] =	sst s1;
	(tag) =	ssettag s2;
	_ =	strace s9  }
0x27: {  	s1 =	sld [smem:$0x3FAF]  }
0x28: {  	s2 =	sld [smem:$0x3FB0]  }
0x29: {  	s4 =	sld [smem:$0x3FB2]  }
0x2a: {  	p0 =	seq.s32 s5, $0x0;
	s5 =	sld [smem:$0x3FB3]  }
0x2b: {  	s6 =	sld [smem:$0x3FB4]  }
0x2c: {  	s7 =	sld [smem:$0x3FB5]  }
0x2d: {  	s3 =	simm.s32 $0x108;
	s8 =	sld [smem:$0x3FB6]  }
0x2e: {  	s3 =	simm.s32 @!p0 $0x1082;
	s9 =	sld [smem:$0x3FB7]  }
0x2f: {  	lr =	sadd.s32 s0, s3;
	s0 =	sld [smem:$0x3FAE]  }
0x30: {  	s3 =	sld [smem:$0x3FB1]  }
0x31: {  	[smem:$0x3FBA] =	sst s10  }
0x32: {  	s10 =	sld [smem:$0x3FB8];
	_ =	sdelay $0x3  }
0x33: {  	p0 =	seq.s32 s10, $0x1;
	s10 =	sld [smem:$0x3FBA];
	_ =	sdelay $0x3  }
0x34: {  	[smem:$0x3FBA] =	sst s10  }
0x35: {  	s10 =	sld [smem:$0x3FB9];
	_ =	sdelay $0x3  }
0x36: {  	p1 =	seq.s32 s10, $0x1;
	s10 =	sld [smem:$0x3FBA];
	_ =	sdelay $0x3  }
0x37: {  	[smem:$0x3FBA] =	sst s10  }
0x38: {  	s10 =	sld [smem:$0x3FBB]  }
0x39: {  	_ = 	snop;
	(pc) =	sbr.ind lr, $3  }
0x3a: {  	_ = 	snop  }
0x3b: {  	_ = 	snop  }
0x3c: {  	p2 =	seq.s32 s10, $0x1;
	s10 =	sld [smem:$0x3FBA]  }
0x3d: {  	_ =	shalt  }
0x3e: {  	_ =	shalt  }
0x3f: {  	_ =	shalt  }
0x40: {  	_ =	shalt  }
0x41: {  	_ =	shalt  }
0x42: {  	_ =	shalt  }
0x43: {  	_ =	shalt  }
0x44: {  	_ =	shalt  }
0x45: {  	_ =	shalt  }
0x46: {  	_ =	shalt  }
0x47: {  	_ =	shalt  }
0x48: {  	_ =	shalt  }
0x49: {  	_ =	shalt  }
0x4a: {  	_ =	shalt  }
0x4b: {  	_ =	shalt  }
0x4c: {  	_ =	shalt  }
0x4d: {  	_ =	shalt  }
0x4e: {  	_ =	shalt  }
0x4f: {  	_ =	shalt  }
0x50: {  	_ =	shalt  }
0x51: {  	_ =	shalt  }
0x52: {  	_ =	shalt  }
0x53: {  	_ =	shalt  }
0x54: {  	_ =	shalt  }
0x55: {  	_ =	shalt  }
0x56: {  	_ =	shalt  }
0x57: {  	_ =	shalt  }
0x58: {  	_ =	shalt  }
0x59: {  	_ =	shalt  }
0x5a: {  	_ =	shalt  }
0x5b: {  	_ =	shalt  }
0x5c: {  	_ =	shalt  }
0x5d: {  	_ =	shalt  }
0x5e: {  	_ =	shalt  }
0x5f: {  	_ =	shalt  }
0x60: {  	_ =	shalt  }
0x61: {  	_ =	shalt  }
0x62: {  	_ =	shalt  }
0x63: {  	_ =	shalt  }
0x64: {  	_ =	shalt  }
0x65: {  	_ =	shalt  }
0x66: {  	_ =	shalt  }
0x67: {  	_ =	shalt  }
0x68: {  	_ =	shalt  }
0x69: {  	_ =	shalt  }
0x6a: {  	_ =	shalt  }
0x6b: {  	_ =	shalt  }
0x6c: {  	_ =	shalt  }
0x6d: {  	_ =	shalt  }
0x6e: {  	_ =	shalt  }
0x6f: {  	_ =	shalt  }
0x70: {  	_ =	shalt  }
0x71: {  	_ =	shalt  }
0x72: {  	_ =	shalt  }
0x73: {  	_ =	shalt  }
0x74: {  	_ =	shalt  }
0x75: {  	_ =	shalt  }
0x76: {  	_ =	shalt  }
0x77: {  	_ =	shalt  }
0x78: {  	_ =	shalt  }
0x79: {  	_ =	shalt  }
0x7a: {  	_ =	shalt  }
0x7b: {  	_ =	shalt  }
0x7c: {  	_ =	shalt  }
0x7d: {  	_ =	shalt  }
0x7e: {  	_ =	shalt  }
0x7f: {  	_ =	shalt  }
0x80: {  	_ =	shalt  }
0x81: {  	_ =	shalt  }
0x82: {  	_ =	shalt  }
0x83: {  	_ =	shalt  }
0x84: {  	_ =	shalt  }
0x85: {  	_ =	shalt  }
0x86: {  	_ =	shalt  }
0x87: {  	_ =	shalt  }
.Lfunc_end0:
.L_simem_size_0:
called_computation_lowered:
.L_overlay_start_0:
0x88: {  	s2 =	sld [smem:$0x3FD9]  }
0x89: {  	s3 =	sld [smem:$0x3FFE];
	_ =	sdelay $0x1  }
0x8a: {  	s1 =	srdreg.scid  }
0x8b: {  	s0 =	sand.u32 $0x1, s1  }
0x8c: {  	s17 =	sshll.u32 s0, $0xA;
	s2 =	sadd.s32 s3, s2  }
0x8d: {  	s2 =	sadd.s32 s2, s17  }
0x8e: {  	[smem:$0x3FC6] =	sst s2  }
0x8f: {  	_ = 	snop  }
0x90: {  	s2 =	sld [smem:$0x3FD0];
	(tm) =	ssettm $0x1  }
0x91: {  	s18 =	sld [smem:$0x3FFB];
	_ =	sdelay $0x3  }
0x92: {  	_ =	strace s18  }
0x93: {  	s3 =	sld [smem:$0x3FFC];
	_ =	sdelay $0x3  }
0x94: {  	_ =	strace s3  }
0x95: {  	s3 =	sld [smem:$0x3FFD];
	_ =	sdelay $0x3  }
0x96: {  	_ =	strace s3  }
0x97: {  	_ =	strace $0x8FFFFFFF  }
0x98: {  	s19 =	sld [smem:$0x3FDB];
	_ =	sdelay $0x1  }
0x99: {  	s4 =	simm.s32 $_scs_section_size  }
0x9a: {  	s5 =	simm.s32 $_size__tile_overlayer_lowered;
	s6 =	simm.s32 $_tile_overlayer_lowered  }
0x9b: {  	s22 =	simm.s32 $0x1BFF;
	s21 =	sshll.u32 s6, $0x1;
	s3 =	sadd.s32 s4, s19  }
0x9c: {  	s7 =	simm.s32 $0x0;
	s20 =	sshll.u32 s5, $0x1;
	s5 =	sadd.s32 s21, s3  }
0x9d: {  	[timem:s7], [sflag:s22] =	dma.local [hbm:s5], s20  }
0x9e: {  	_ =	swait.ge [sflag:s22], s20  }
0x9f: {  	s4 =	ssub.s32 $0x0, s20;
	[sflag:s22] =	ssyncset.done $0x0  }
0xa0: {  	[sflag:s22] =	ssyncadd.s32 s4;
	_ =	sdelay $0x1  }
0xa1: {  	s23 =	simm.s32 $0x1B8B  }
0xa2: {  	_ =	swait.ge [sflag:s23], $0x1  }
0xa3: {  	[sflag:s23] =	ssyncset.done $0x0  }
0xa4: {  	s25 =	simm.s32 $0x1B8E;
	s24 =	sld [smem:$0x3FFE];
	[sflag:s23] =	ssyncadd.s32 $0xFFFFFFFF  }
0xa5: {  	s26 =	simm.s32 $execute0_lowered;
	[smem:$0x3FD2] =	sst s25  }
0xa6: {  	s5 =	sshll.u32 s26, $0x1;
	_ =	strace $0x80000046;
	[dreg:$0x1] =	wrdreg $0xFFFFFFFF  }
0xa7: {  	s28 =	simm.s32 $_size_execute0_lowered;
	s3 =	sadd.s32 s3, s5;
	[dreg:$0x0] =	wrdreg $0x0  }
0xa8: {  	s5 =	sshll.u32 s28, $0x1;
	[dreg:$0x2] =	wrdreg s3  }
0xa9: {  	[dreg:$0x3] =	wrdreg s5  }
0xaa: {  	[dreg:$0x4] =	wrdreg $0xC0  }
0xab: {  	_ =	task [dreg:s7], $0x5FFFF  }
0xac: {  	[dreg:$0x1] =	wrdreg $0xFFFFFFFF  }
0xad: {  	[dreg:$0x0] =	wrdreg $0x60  }
0xae: {  	[dreg:$0x2] =	wrdreg s24  }
0xaf: {  	[dreg:$0x3] =	wrdreg s2  }
0xb0: {  	[dreg:$0x4] =	wrdreg $0x9  }
0xb1: {  	_ =	task.clear_ibuf [dreg:s7], $0x5FFFF;
	_ =	strace $0x90000046  }
0xb2: {  	s29 =	simm.s32 $0x9;
	_ =	strace $0x80000048  }
0xb3: {  	_ =	swait.ge [sflag:s29], $0x1  }
0xb4: {  	[sflag:s29] =	ssyncadd.s32 $0xFFFFFFFF  }
0xb5: {  	_ =	strace $0x90000048  }
0xb6: {  	_ =	sfence  }
0xb7: {  	s30 =	sld [smem:$0x0];
	_ =	sdelay $0x2  }
0xb8: {  	s31 =	sshll.u32 s1, $0xD;
	s1 =	sshrl.u32 s1, $0x2  }
0xb9: {  	s3 =	sand.u32 $0x4000, s31;
	s1 =	sadd.s32 s1, s30  }
0xba: {  	s0 =	sor.u32 s3, s0;
	s1 =	sshll.u32 s1, $0x11  }
0xbb: {  	s0 =	sor.u32 s1, s0  }
0xbc: {  	s0 =	sadd.s32 $0x8F2B, s0  }
0xbd: {  	[sflag:s0] =	ssyncadd.remote.s32 $0x1  }
0xbe: {  	_ =	sfence.sel $0xFFFF  }
0xbf: {  	[dreg:$0x0] =	wrdreg $0xFFFFFFFF;
	(pc) =	sbr.abs _section_cstart, $3  }
0xc0: {  	[dreg:$0x1] =	wrdreg $0xFFFFFFFF  }
0xc1: {  	_ =	task.clear_ibuf [dreg:s7], $0x2FFFF;
	_ =	strace $0x9FFFFFFF  }
0xc2: {  	(tm) =	ssettm $0x7FFFFFFF  }
0xc3: {  	_ =	shalt  }
tec
execute0_lowered:
.L_overlay_start_1:
0x0: {  	(tag) =	ssettag $0x1  }
0x1: {  	s0 =	srdreg.scid;
	s17 =	stileid.u32  }
0x2: {  	s1 =	sand.u32 $0x1, s0;
	s19 =	sshll.u32 s17, $0x1  }
0x3: {  	s0 =	sor.u32 s1, s19  }
0x4: {  	s5 =	smul.u32 $0xC80, s0  }
0x5: {  	s3 =	rddreg [dreg:$0x0];
	s2 =	simm.s32 $0x0;
	s6 =	smul.u32 $0xC800, s0  }
0x6: {  	[smem:$0x7FF] =	sst s2;
	s0 =	smul.u32 $0x64000, s0  }
0x7: {  	s4 =	rddreg [dreg:$0x1];
	s7 =	sadd.s32 $0x1E8C00, s3;
	_ =	strace $0x80000047  }
0x8: {  	s4 =	sadd.s32 s4, s5;
	s30 =	sadd.s32 s7, s6;
	s0 =	sshrl.u32 s0, $0x3  }
0x9: {  	[dreg:$0x3] =	wrdreg s4;
	s20 =	sadd.s32 $0x640, s30;
	s0 =	sadd.s32 s7, s0  }
0xa: {  	[dreg:$0x4] =	wrdreg s20;
	s21 =	sadd.s32 $0xC80, s0  }
0xb: {  	s22 =	sadd.s32 $0x12C0, s0;
	[dreg:$0x5] =	wrdreg s21  }
0xc: {  	s23 =	sadd.s32 $0x1900, s0;
	[dreg:$0x6] =	wrdreg s22  }
0xd: {  	s24 =	sadd.s32 $0x1F40, s0;
	[dreg:$0x7] =	wrdreg s23  }
0xe: {  	s25 =	sadd.s32 $0x2580, s0;
	[dreg:$0x8] =	wrdreg s24  }
0xf: {  	s26 =	sadd.s32 $0x2BC0, s0;
	[dreg:$0x9] =	wrdreg s25  }
0x10: {  	s5 =	sadd.s32 $0x3200, s0;
	[dreg:$0xa] =	wrdreg s26  }
0x11: {  	s6 =	sadd.s32 $0x3840, s0;
	[dreg:$0xb] =	wrdreg s5  }
0x12: {  	s7 =	sadd.s32 $0x3E80, s0;
	[dreg:$0xc] =	wrdreg s6  }
0x13: {  	s8 =	sadd.s32 $0x44C0, s0;
	[dreg:$0xd] =	wrdreg s7  }
0x14: {  	s9 =	sadd.s32 $0x4B00, s0;
	[dreg:$0xe] =	wrdreg s8  }
0x15: {  	s10 =	sadd.s32 $0x5140, s0;
	[dreg:$0xf] =	wrdreg s9  }
0x16: {  	s11 =	sadd.s32 $0x5780, s0;
	[dreg:$0x10] =	wrdreg s10  }
0x17: {  	s12 =	sadd.s32 $0x5DC0, s0;
	[dreg:$0x11] =	wrdreg s11  }
0x18: {  	s13 =	sadd.s32 $0x6400, s0;
	[dreg:$0x12] =	wrdreg s12  }
0x19: {  	s14 =	sadd.s32 $0x6A40, s0;
	[dreg:$0x13] =	wrdreg s13  }
0x1a: {  	s15 =	sadd.s32 $0x7080, s0;
	[dreg:$0x14] =	wrdreg s14  }
0x1b: {  	s16 =	sadd.s32 $0x76C0, s0;
	[dreg:$0x15] =	wrdreg s15  }
0x1c: {  	s18 =	sadd.s32 $0x7D00, s0;
	[dreg:$0x16] =	wrdreg s16  }
0x1d: {  	s19 =	sadd.s32 $0x8340, s0;
	[dreg:$0x17] =	wrdreg s18  }
0x1e: {  	s20 =	sadd.s32 $0x8980, s0;
	[dreg:$0x18] =	wrdreg s19  }
0x1f: {  	[dreg:$0x19] =	wrdreg s20;
	s21 =	sadd.s32 $0x8FC0, s0  }
0x20: {  	s22 =	sadd.s32 $0x9600, s0;
	[dreg:$0x1a] =	wrdreg s21  }
0x21: {  	s23 =	sadd.s32 $0x9C40, s0;
	[dreg:$0x1b] =	wrdreg s22  }
0x22: {  	s24 =	sadd.s32 $0xA280, s0;
	[dreg:$0x1c] =	wrdreg s23  }
0x23: {  	s25 =	sadd.s32 $0xA8C0, s0;
	[dreg:$0x1d] =	wrdreg s24  }
0x24: {  	s26 =	sadd.s32 $0xAF00, s0;
	[dreg:$0x1e] =	wrdreg s25  }
0x25: {  	s31 =	simm.s32 $0x9;
	s5 =	sadd.s32 $0xB540, s0;
	[dreg:$0x1f] =	wrdreg s26  }
0x26: {  	s29 =	simm.s32 $0x41A0;
	s6 =	sadd.s32 $0xBB80, s0;
	[smem:$0x7E9] =	sst s5  }
0x27: {  	s28 =	simm.s32 $0x44C0;
	s0 =	sadd.s32 $0xC1C0, s0;
	[smem:$0x7EA] =	sst s6  }
0x28: {  	p0 =	por $0x0, $0x0;
	s7 =	simm.s32 $0x640;
	[smem:$0x7EB] =	sst s0  }
0x29: {  	s3 =	sadd.s32 $0x600, s3;
	s8 =	simm.s32 $0x960;
	[smem:$0x7EC] =	sst s7  }
0x2a: {  	s1 =	ssub.s32 $0x2, s1;
	s10 =	simm.s32 $0xC80;
	[smem:$0x7ED] =	sst s8  }
0x2b: {  	s4 =	simm.s32 $0xFA00;
	s11 =	simm.s32 $0xFA0;
	[smem:$0x7EE] =	sst s10  }
0x2c: {  	s9 =	sshrl.u32 s1, $0x1;
	s12 =	simm.s32 $0x12C0;
	[smem:$0x7EF] =	sst s11  }
0x2d: {  	s13 =	simm.s32 $0x15E0;
	s14 =	simm.s32 $0x1900;
	[smem:$0x7F0] =	sst s12  }
0x2e: {  	s15 =	simm.s32 $0x1C20;
	s16 =	simm.s32 $0x1F40;
	[smem:$0x7F1] =	sst s13  }
0x2f: {  	s18 =	simm.s32 $0x2260;
	s19 =	simm.s32 $0x2580;
	[smem:$0x7F2] =	sst s14  }
0x30: {  	s20 =	simm.s32 $0x28A0;
	s1 =	ssub.s32 s1, s9;
	[smem:$0x7F3] =	sst s15  }
0x31: {  	s10 =	simm.s32 $0x320;
	s8 =	simm.s32 $0x6400;
	[smem:$0x7F4] =	sst s16  }
0x32: {  	s7 =	simm.s32 $0x9600;
	s5 =	simm.s32 $0xC800;
	[smem:$0x7F5] =	sst s18  }
0x33: {  	s13 =	simm.s32 $0x1;
	[smem:$0x7F6] =	sst s19;
	s6 =	simm.s32 $0x5  }
0x34: {  	[smem:$0x7F7] =	sst s20;
	s21 =	simm.s32 $0x2BC0;
	s14 =	simm.s32 $0x2  }
0x35: {  	s22 =	simm.s32 $0x2EE0;
	s9 =	simm.s32 $0x6;
	s23 =	simm.s32 $0x3200  }
0x36: {  	s15 =	simm.s32 $0x3;
	s24 =	simm.s32 $0x3520;
	s0 =	rddreg [dreg:$0x3]  }
0x37: {  	s11 =	simm.s32 $0x7;
	s25 =	simm.s32 $0x3840;
	[smem:$0x7F8] =	sst s21  }
0x38: {  	s16 =	simm.s32 $0x4;
	s1 =	smax.u32 s1, $0x1;
	[smem:$0x7F9] =	sst s22  }
0x39: {  	s26 =	simm.s32 $0x3B60;
	[smem:$0x7FA] =	sst s23;
	p1 =	sne.s32 s1, $0x1  }
.Ltmp0:
0x3a: {  	s12 =	simm.s32 $0x8;
	[smem:$0x7FB] =	sst s24;
	(pc) =	sbr.rel @!p1 .LBB2_1-.Ltmp0, $4  }
0x3b: {  	s20 =	simm.s32 $0x5AA0;
	s19 =	simm.s32 $0x5DC0;
	[smem:$0x7FC] =	sst s25  }
0x3c: {  	s18 =	simm.s32 $0x60E0;
	[smem:$0x7FD] =	sst s26;
	s26 =	simm.s32 $0x47E0  }
0x3d: {  	s25 =	simm.s32 $0x4B00;
	s24 =	simm.s32 $0x4E20;
	s23 =	simm.s32 $0x5140  }
0x3e: {  	s22 =	simm.s32 $0x5460;
	s21 =	simm.s32 $0x5780;
	s1 =	sadd.s32 $0xFFFFFFFF, s1  }
0x3f: {  	[tilespmem:s2], [sflag:$0x9] =	stream.linear.gather [hbm4b:s0+s2], $0x6400, $0x38;
	[tilespmem:$0x12C00] =	vst v63  }
0x40: {  	_ =	swait.ge [sflag:s31], $0x6400  }
0x41: {  	[sflag:s31] =	ssyncset.done $0x0  }
0x42: {  	[sflag:s31] =	ssyncadd.s32 $0xFFFF9C00  }
0x43: {  	[tilespmem:s8], [sflag:$0x1] =	stream.indirect.gather [hbm4b:s3+s10], $0x10, s2, s10, $0xb8;
	[tilespmem:$0x12C00] =	vst v63  }
0x44: {  	s0 =	sld [smem:$0x7EC]  }
0x45: {  	[tilespmem:s7], [sflag:$0x2] =	stream.indirect.gather [hbm4b:s3+s10], $0x10, s10, s10, $0xb8;
	[tilespmem:$0x12C00] =	vst v63  }
0x46: {  	s17 =	smov.u32 s1;
	s1 =	sld [smem:$0x7ED]  }
0x47: {  	[tilespmem:s5], [sflag:$0x3] =	stream.indirect.gather [hbm4b:s3+s10], $0x10, s0, s10, $0xb8;
	[tilespmem:$0x12C00] =	vst v63  }
0x48: {  	_ = 	snop  }
0x49: {  	[tilespmem:s4], [sflag:$0x4] =	stream.indirect.gather [hbm4b:s3+s10], $0x10, s1, s10, $0xb8;
	[tilespmem:$0x12C00] =	vst v63  }
0x4a: {  	_ =	swait.ge [sflag:s13], $0x3200  }
0x4b: {  	[sflag:s13] =	ssyncset.done $0x0  }
0x4c: {  	[sflag:s13] =	ssyncadd.s32 $0xFFFFCE00  }
0x4d: {  	[hbm4b:s30+s2] =	stream.linear.scatter [tilespmem:s8], [sflag:$0x5], $0x3200, $0x38;
	[tilespmem:$0x12C00] =	vst v63  }
0x4e: {  	_ =	swait.ge [sflag:s6], $0x3200  }
0x4f: {  	s1 =	sld [smem:$0x7EE]  }
0x50: {  	[sflag:s6] =	ssyncset.done $0x0  }
0x51: {  	[sflag:s6] =	ssyncadd.s32 $0xFFFFCE00  }
0x52: {  	[tilespmem:s8], [sflag:$0x1] =	stream.indirect.gather [hbm4b:s3+s10], $0x10, s1, s10, $0xb8;
	[tilespmem:$0x12C00] =	vst v63  }
0x53: {  	_ =	swait.ge [sflag:s14], $0x3200  }
0x54: {  	[sflag:s14] =	ssyncset.done $0x0  }
0x55: {  	s1 =	rddreg [dreg:$0x4];
	[sflag:s14] =	ssyncadd.s32 $0xFFFFCE00  }
0x56: {  	[hbm4b:s1+s2] =	stream.linear.scatter [tilespmem:s7], [sflag:$0x6], $0x3200, $0x38;
	[tilespmem:$0x12C00] =	vst v63  }
0x57: {  	_ =	swait.ge [sflag:s9], $0x3200  }
0x58: {  	s1 =	sld [smem:$0x7EF]  }
0x59: {  	[sflag:s9] =	ssyncset.done $0x0  }
0x5a: {  	[sflag:s9] =	ssyncadd.s32 $0xFFFFCE00  }
0x5b: {  	[tilespmem:s7], [sflag:$0x2] =	stream.indirect.gather [hbm4b:s3+s10], $0x10, s1, s10, $0xb8;
	[tilespmem:$0x12C00] =	vst v63  }
0x5c: {  	_ =	swait.ge [sflag:s15], $0x3200  }
0x5d: {  	[sflag:s15] =	ssyncset.done $0x0  }
0x5e: {  	s1 =	rddreg [dreg:$0x5];
	[sflag:s15] =	ssyncadd.s32 $0xFFFFCE00  }
0x5f: {  	[hbm4b:s1+s2] =	stream.linear.scatter [tilespmem:s5], [sflag:$0x7], $0x3200, $0x38;
	[tilespmem:$0x12C00] =	vst v63  }
0x60: {  	_ =	swait.ge [sflag:s11], $0x3200  }
0x61: {  	s1 =	sld [smem:$0x7F0]  }
0x62: {  	[sflag:s11] =	ssyncset.done $0x0  }
0x63: {  	[sflag:s11] =	ssyncadd.s32 $0xFFFFCE00  }
0x64: {  	[tilespmem:s5], [sflag:$0x3] =	stream.indirect.gather [hbm4b:s3+s10], $0x10, s1, s10, $0xb8;
	[tilespmem:$0x12C00] =	vst v63  }
0x65: {  	_ =	swait.ge [sflag:s16], $0x3200  }
0x66: {  	[sflag:s16] =	ssyncset.done $0x0  }
0x67: {  	s1 =	rddreg [dreg:$0x6];
	[sflag:s16] =	ssyncadd.s32 $0xFFFFCE00  }
0x68: {  	[hbm4b:s1+s2] =	stream.linear.scatter [tilespmem:s4], [sflag:$0x8], $0x3200, $0x38;
	[tilespmem:$0x12C00] =	vst v63  }
0x69: {  	_ =	swait.ge [sflag:s12], $0x3200  }
0x6a: {  	s1 =	sld [smem:$0x7F1]  }
0x6b: {  	[sflag:s12] =	ssyncset.done $0x0  }
0x6c: {  	[sflag:s12] =	ssyncadd.s32 $0xFFFFCE00  }
0x6d: {  	[tilespmem:s4], [sflag:$0x4] =	stream.indirect.gather [hbm4b:s3+s10], $0x10, s1, s10, $0xb8;
	[tilespmem:$0x12C00] =	vst v63  }
0x6e: {  	_ =	swait.ge [sflag:s13], $0x3200  }
0x6f: {  	[sflag:s13] =	ssyncset.done $0x0  }
0x70: {  	s1 =	rddreg [dreg:$0x7];
	[sflag:s13] =	ssyncadd.s32 $0xFFFFCE00  }
0x71: {  	[hbm4b:s1+s2] =	stream.linear.scatter [tilespmem:s8], [sflag:$0x5], $0x3200, $0x38;
	[tilespmem:$0x12C00] =	vst v63  }
0x72: {  	_ =	swait.ge [sflag:s6], $0x3200  }
0x73: {  	s1 =	sld [smem:$0x7F2]  }
0x74: {  	[sflag:s6] =	ssyncset.done $0x0  }
0x75: {  	[sflag:s6] =	ssyncadd.s32 $0xFFFFCE00  }
0x76: {  	[tilespmem:s8], [sflag:$0x1] =	stream.indirect.gather [hbm4b:s3+s10], $0x10, s1, s10, $0xb8;
	[tilespmem:$0x12C00] =	vst v63  }
0x77: {  	_ =	swait.ge [sflag:s14], $0x3200  }
0x78: {  	[sflag:s14] =	ssyncset.done $0x0  }
0x79: {  	s1 =	rddreg [dreg:$0x8];
	[sflag:s14] =	ssyncadd.s32 $0xFFFFCE00  }
0x7a: {  	[hbm4b:s1+s2] =	stream.linear.scatter [tilespmem:s7], [sflag:$0x6], $0x3200, $0x38;
	[tilespmem:$0x12C00] =	vst v63  }
0x7b: {  	_ =	swait.ge [sflag:s9], $0x3200  }
0x7c: {  	s1 =	sld [smem:$0x7F3]  }
0x7d: {  	[sflag:s9] =	ssyncset.done $0x0  }
0x7e: {  	[sflag:s9] =	ssyncadd.s32 $0xFFFFCE00  }
0x7f: {  	[tilespmem:s7], [sflag:$0x2] =	stream.indirect.gather [hbm4b:s3+s10], $0x10, s1, s10, $0xb8;
	[tilespmem:$0x12C00] =	vst v63  }
0x80: {  	_ =	swait.ge [sflag:s15], $0x3200  }
0x81: {  	[sflag:s15] =	ssyncset.done $0x0  }
0x82: {  	s1 =	rddreg [dreg:$0x9];
	[sflag:s15] =	ssyncadd.s32 $0xFFFFCE00  }
0x83: {  	[hbm4b:s1+s2] =	stream.linear.scatter [tilespmem:s5], [sflag:$0x7], $0x3200, $0x38;
	[tilespmem:$0x12C00] =	vst v63  }
0x84: {  	_ =	swait.ge [sflag:s11], $0x3200  }
0x85: {  	s1 =	sld [smem:$0x7F4]  }
0x86: {  	[sflag:s11] =	ssyncset.done $0x0  }
0x87: {  	[sflag:s11] =	ssyncadd.s32 $0xFFFFCE00  }
0x88: {  	[tilespmem:s5], [sflag:$0x3] =	stream.indirect.gather [hbm4b:s3+s10], $0x10, s1, s10, $0xb8;
	[tilespmem:$0x12C00] =	vst v63  }
0x89: {  	_ =	swait.ge [sflag:s16], $0x3200  }
0x8a: {  	[sflag:s16] =	ssyncset.done $0x0  }
0x8b: {  	s1 =	rddreg [dreg:$0xa];
	[sflag:s16] =	ssyncadd.s32 $0xFFFFCE00  }
0x8c: {  	[hbm4b:s1+s2] =	stream.linear.scatter [tilespmem:s4], [sflag:$0x8], $0x3200, $0x38;
	[tilespmem:$0x12C00] =	vst v63  }
0x8d: {  	_ =	swait.ge [sflag:s12], $0x3200  }
0x8e: {  	s1 =	sld [smem:$0x7F5]  }
0x8f: {  	[sflag:s12] =	ssyncset.done $0x0  }
0x90: {  	[sflag:s12] =	ssyncadd.s32 $0xFFFFCE00  }
0x91: {  	[tilespmem:s4], [sflag:$0x4] =	stream.indirect.gather [hbm4b:s3+s10], $0x10, s1, s10, $0xb8;
	[tilespmem:$0x12C00] =	vst v63  }
0x92: {  	_ =	swait.ge [sflag:s13], $0x3200  }
0x93: {  	[sflag:s13] =	ssyncset.done $0x0  }
0x94: {  	s1 =	rddreg [dreg:$0xb];
	[sflag:s13] =	ssyncadd.s32 $0xFFFFCE00  }
0x95: {  	[hbm4b:s1+s2] =	stream.linear.scatter [tilespmem:s8], [sflag:$0x5], $0x3200, $0x38;
	[tilespmem:$0x12C00] =	vst v63  }
0x96: {  	_ =	swait.ge [sflag:s6], $0x3200  }
0x97: {  	s1 =	sld [smem:$0x7F6]  }
0x98: {  	[sflag:s6] =	ssyncset.done $0x0  }
0x99: {  	[sflag:s6] =	ssyncadd.s32 $0xFFFFCE00  }
0x9a: {  	[tilespmem:s8], [sflag:$0x1] =	stream.indirect.gather [hbm4b:s3+s10], $0x10, s1, s10, $0xb8;
	[tilespmem:$0x12C00] =	vst v63  }
0x9b: {  	_ =	swait.ge [sflag:s14], $0x3200  }
0x9c: {  	[sflag:s14] =	ssyncset.done $0x0  }
0x9d: {  	s1 =	rddreg [dreg:$0xc];
	[sflag:s14] =	ssyncadd.s32 $0xFFFFCE00  }
0x9e: {  	[hbm4b:s1+s2] =	stream.linear.scatter [tilespmem:s7], [sflag:$0x6], $0x3200, $0x38;
	[tilespmem:$0x12C00] =	vst v63  }
0x9f: {  	_ =	swait.ge [sflag:s9], $0x3200  }
0xa0: {  	s1 =	sld [smem:$0x7F7]  }
0xa1: {  	[sflag:s9] =	ssyncset.done $0x0  }
0xa2: {  	[sflag:s9] =	ssyncadd.s32 $0xFFFFCE00  }
0xa3: {  	[tilespmem:s7], [sflag:$0x2] =	stream.indirect.gather [hbm4b:s3+s10], $0x10, s1, s10, $0xb8;
	[tilespmem:$0x12C00] =	vst v63  }
0xa4: {  	_ =	swait.ge [sflag:s15], $0x3200  }
0xa5: {  	[sflag:s15] =	ssyncset.done $0x0  }
0xa6: {  	s1 =	rddreg [dreg:$0xd];
	[sflag:s15] =	ssyncadd.s32 $0xFFFFCE00  }
0xa7: {  	[hbm4b:s1+s2] =	stream.linear.scatter [tilespmem:s5], [sflag:$0x7], $0x3200, $0x38;
	[tilespmem:$0x12C00] =	vst v63  }
0xa8: {  	_ =	swait.ge [sflag:s11], $0x3200  }
0xa9: {  	s1 =	sld [smem:$0x7F8]  }
0xaa: {  	[sflag:s11] =	ssyncset.done $0x0  }
0xab: {  	[sflag:s11] =	ssyncadd.s32 $0xFFFFCE00  }
0xac: {  	[tilespmem:s5], [sflag:$0x3] =	stream.indirect.gather [hbm4b:s3+s10], $0x10, s1, s10, $0xb8;
	[tilespmem:$0x12C00] =	vst v63  }
0xad: {  	_ =	swait.ge [sflag:s16], $0x3200  }
0xae: {  	[sflag:s16] =	ssyncset.done $0x0  }
0xaf: {  	s1 =	rddreg [dreg:$0xe];
	[sflag:s16] =	ssyncadd.s32 $0xFFFFCE00  }
0xb0: {  	[hbm4b:s1+s2] =	stream.linear.scatter [tilespmem:s4], [sflag:$0x8], $0x3200, $0x38;
	[tilespmem:$0x12C00] =	vst v63  }
0xb1: {  	_ =	swait.ge [sflag:s12], $0x3200  }
0xb2: {  	s1 =	sld [smem:$0x7F9]  }
0xb3: {  	[sflag:s12] =	ssyncset.done $0x0  }
0xb4: {  	[sflag:s12] =	ssyncadd.s32 $0xFFFFCE00  }
0xb5: {  	[tilespmem:s4], [sflag:$0x4] =	stream.indirect.gather [hbm4b:s3+s10], $0x10, s1, s10, $0xb8;
	[tilespmem:$0x12C00] =	vst v63  }
0xb6: {  	_ =	swait.ge [sflag:s13], $0x3200  }
0xb7: {  	[sflag:s13] =	ssyncset.done $0x0  }
0xb8: {  	s1 =	rddreg [dreg:$0xf];
	[sflag:s13] =	ssyncadd.s32 $0xFFFFCE00  }
0xb9: {  	[hbm4b:s1+s2] =	stream.linear.scatter [tilespmem:s8], [sflag:$0x5], $0x3200, $0x38;
	[tilespmem:$0x12C00] =	vst v63  }
0xba: {  	_ =	swait.ge [sflag:s6], $0x3200  }
0xbb: {  	s1 =	sld [smem:$0x7FA]  }
0xbc: {  	[sflag:s6] =	ssyncset.done $0x0  }
0xbd: {  	[sflag:s6] =	ssyncadd.s32 $0xFFFFCE00  }
0xbe: {  	[tilespmem:s8], [sflag:$0x1] =	stream.indirect.gather [hbm4b:s3+s10], $0x10, s1, s10, $0xb8;
	[tilespmem:$0x12C00] =	vst v63  }
0xbf: {  	_ =	swait.ge [sflag:s14], $0x3200  }
0xc0: {  	[sflag:s14] =	ssyncset.done $0x0  }
0xc1: {  	s1 =	rddreg [dreg:$0x10];
	[sflag:s14] =	ssyncadd.s32 $0xFFFFCE00  }
0xc2: {  	[hbm4b:s1+s2] =	stream.linear.scatter [tilespmem:s7], [sflag:$0x6], $0x3200, $0x38;
	[tilespmem:$0x12C00] =	vst v63  }
0xc3: {  	_ =	swait.ge [sflag:s9], $0x3200  }
0xc4: {  	s1 =	sld [smem:$0x7FB]  }
0xc5: {  	[sflag:s9] =	ssyncset.done $0x0  }
0xc6: {  	[sflag:s9] =	ssyncadd.s32 $0xFFFFCE00  }
0xc7: {  	[tilespmem:s7], [sflag:$0x2] =	stream.indirect.gather [hbm4b:s3+s10], $0x10, s1, s10, $0xb8;
	[tilespmem:$0x12C00] =	vst v63  }
0xc8: {  	_ =	swait.ge [sflag:s15], $0x3200  }
0xc9: {  	[sflag:s15] =	ssyncset.done $0x0  }
0xca: {  	s1 =	rddreg [dreg:$0x11];
	[sflag:s15] =	ssyncadd.s32 $0xFFFFCE00  }
0xcb: {  	[hbm4b:s1+s2] =	stream.linear.scatter [tilespmem:s5], [sflag:$0x7], $0x3200, $0x38;
	[tilespmem:$0x12C00] =	vst v63  }
0xcc: {  	_ =	swait.ge [sflag:s11], $0x3200  }
0xcd: {  	s1 =	sld [smem:$0x7FC]  }
0xce: {  	[sflag:s11] =	ssyncset.done $0x0  }
0xcf: {  	[sflag:s11] =	ssyncadd.s32 $0xFFFFCE00  }
0xd0: {  	[tilespmem:s5], [sflag:$0x3] =	stream.indirect.gather [hbm4b:s3+s10], $0x10, s1, s10, $0xb8;
	[tilespmem:$0x12C00] =	vst v63  }
0xd1: {  	_ =	swait.ge [sflag:s16], $0x3200  }
0xd2: {  	[sflag:s16] =	ssyncset.done $0x0  }
0xd3: {  	s1 =	rddreg [dreg:$0x12];
	[sflag:s16] =	ssyncadd.s32 $0xFFFFCE00  }
0xd4: {  	[hbm4b:s1+s2] =	stream.linear.scatter [tilespmem:s4], [sflag:$0x8], $0x3200, $0x38;
	[tilespmem:$0x12C00] =	vst v63  }
0xd5: {  	_ =	swait.ge [sflag:s12], $0x3200  }
0xd6: {  	s1 =	sld [smem:$0x7FD]  }
0xd7: {  	[sflag:s12] =	ssyncset.done $0x0  }
0xd8: {  	[sflag:s12] =	ssyncadd.s32 $0xFFFFCE00  }
0xd9: {  	[tilespmem:s4], [sflag:$0x4] =	stream.indirect.gather [hbm4b:s3+s10], $0x10, s1, s10, $0xb8;
	[tilespmem:$0x12C00] =	vst v63  }
0xda: {  	_ =	swait.ge [sflag:s13], $0x3200  }
0xdb: {  	[sflag:s13] =	ssyncset.done $0x0  }
0xdc: {  	s1 =	rddreg [dreg:$0x13];
	[sflag:s13] =	ssyncadd.s32 $0xFFFFCE00  }
0xdd: {  	[hbm4b:s1+s2] =	stream.linear.scatter [tilespmem:s8], [sflag:$0x5], $0x3200, $0x38;
	[tilespmem:$0x12C00] =	vst v63  }
0xde: {  	_ =	swait.ge [sflag:s6], $0x3200  }
0xdf: {  	[sflag:s6] =	ssyncset.done $0x0  }
0xe0: {  	s1 =	simm.s32 $0x3E80;
	[sflag:s6] =	ssyncadd.s32 $0xFFFFCE00  }
0xe1: {  	[tilespmem:s8], [sflag:$0x1] =	stream.indirect.gather [hbm4b:s3+s10], $0x10, s1, s10, $0xb8;
	[tilespmem:$0x12C00] =	vst v63  }
0xe2: {  	_ =	swait.ge [sflag:s14], $0x3200  }
0xe3: {  	[sflag:s14] =	ssyncset.done $0x0  }
0xe4: {  	s1 =	rddreg [dreg:$0x14];
	[sflag:s14] =	ssyncadd.s32 $0xFFFFCE00  }
0xe5: {  	[hbm4b:s1+s2] =	stream.linear.scatter [tilespmem:s7], [sflag:$0x6], $0x3200, $0x38;
	[tilespmem:$0x12C00] =	vst v63  }
0xe6: {  	_ =	swait.ge [sflag:s9], $0x3200  }
0xe7: {  	[sflag:s9] =	ssyncset.done $0x0  }
0xe8: {  	[sflag:s9] =	ssyncadd.s32 $0xFFFFCE00  }
0xe9: {  	[tilespmem:s7], [sflag:$0x2] =	stream.indirect.gather [hbm4b:s3+s10], $0x10, s29, s10, $0xb8;
	[tilespmem:$0x12C00] =	vst v63  }
0xea: {  	_ =	swait.ge [sflag:s15], $0x3200  }
0xeb: {  	[sflag:s15] =	ssyncset.done $0x0  }
0xec: {  	s1 =	rddreg [dreg:$0x15];
	[sflag:s15] =	ssyncadd.s32 $0xFFFFCE00  }
0xed: {  	[hbm4b:s1+s2] =	stream.linear.scatter [tilespmem:s5], [sflag:$0x7], $0x3200, $0x38;
	[tilespmem:$0x12C00] =	vst v63  }
0xee: {  	_ =	swait.ge [sflag:s11], $0x3200  }
0xef: {  	[sflag:s11] =	ssyncset.done $0x0  }
0xf0: {  	[sflag:s11] =	ssyncadd.s32 $0xFFFFCE00  }
0xf1: {  	[tilespmem:s5], [sflag:$0x3] =	stream.indirect.gather [hbm4b:s3+s10], $0x10, s28, s10, $0xb8;
	[tilespmem:$0x12C00] =	vst v63  }
0xf2: {  	_ =	swait.ge [sflag:s16], $0x3200  }
0xf3: {  	[sflag:s16] =	ssyncset.done $0x0  }
0xf4: {  	s1 =	rddreg [dreg:$0x16];
	[sflag:s16] =	ssyncadd.s32 $0xFFFFCE00  }
0xf5: {  	[hbm4b:s1+s2] =	stream.linear.scatter [tilespmem:s4], [sflag:$0x8], $0x3200, $0x38;
	[tilespmem:$0x12C00] =	vst v63  }
0xf6: {  	_ =	swait.ge [sflag:s12], $0x3200  }
0xf7: {  	[sflag:s12] =	ssyncset.done $0x0  }
0xf8: {  	[sflag:s12] =	ssyncadd.s32 $0xFFFFCE00  }
0xf9: {  	[tilespmem:s4], [sflag:$0x4] =	stream.indirect.gather [hbm4b:s3+s10], $0x10, s26, s10, $0xb8;
	[tilespmem:$0x12C00] =	vst v63  }
0xfa: {  	_ =	swait.ge [sflag:s13], $0x3200  }
0xfb: {  	[sflag:s13] =	ssyncset.done $0x0  }
0xfc: {  	s1 =	rddreg [dreg:$0x17];
	[sflag:s13] =	ssyncadd.s32 $0xFFFFCE00  }
0xfd: {  	[hbm4b:s1+s2] =	stream.linear.scatter [tilespmem:s8], [sflag:$0x5], $0x3200, $0x38;
	[tilespmem:$0x12C00] =	vst v63  }
0xfe: {  	_ =	swait.ge [sflag:s6], $0x3200  }
0xff: {  	[sflag:s6] =	ssyncset.done $0x0  }
0x100: {  	[sflag:s6] =	ssyncadd.s32 $0xFFFFCE00  }
0x101: {  	[tilespmem:s8], [sflag:$0x1] =	stream.indirect.gather [hbm4b:s3+s10], $0x10, s25, s10, $0xb8;
	[tilespmem:$0x12C00] =	vst v63  }
0x102: {  	_ =	swait.ge [sflag:s14], $0x3200  }
0x103: {  	[sflag:s14] =	ssyncset.done $0x0  }
0x104: {  	s1 =	rddreg [dreg:$0x18];
	[sflag:s14] =	ssyncadd.s32 $0xFFFFCE00  }
0x105: {  	[hbm4b:s1+s2] =	stream.linear.scatter [tilespmem:s7], [sflag:$0x6], $0x3200, $0x38;
	[tilespmem:$0x12C00] =	vst v63  }
0x106: {  	_ =	swait.ge [sflag:s9], $0x3200  }
0x107: {  	[sflag:s9] =	ssyncset.done $0x0  }
0x108: {  	[sflag:s9] =	ssyncadd.s32 $0xFFFFCE00  }
0x109: {  	[tilespmem:s7], [sflag:$0x2] =	stream.indirect.gather [hbm4b:s3+s10], $0x10, s24, s10, $0xb8;
	[tilespmem:$0x12C00] =	vst v63  }
0x10a: {  	_ =	swait.ge [sflag:s15], $0x3200  }
0x10b: {  	[sflag:s15] =	ssyncset.done $0x0  }
0x10c: {  	s1 =	rddreg [dreg:$0x19];
	[sflag:s15] =	ssyncadd.s32 $0xFFFFCE00  }
0x10d: {  	[hbm4b:s1+s2] =	stream.linear.scatter [tilespmem:s5], [sflag:$0x7], $0x3200, $0x38;
	[tilespmem:$0x12C00] =	vst v63  }
0x10e: {  	_ =	swait.ge [sflag:s11], $0x3200  }
0x10f: {  	[sflag:s11] =	ssyncset.done $0x0  }
0x110: {  	[sflag:s11] =	ssyncadd.s32 $0xFFFFCE00  }
0x111: {  	[tilespmem:s5], [sflag:$0x3] =	stream.indirect.gather [hbm4b:s3+s10], $0x10, s23, s10, $0xb8;
	[tilespmem:$0x12C00] =	vst v63  }
0x112: {  	_ =	swait.ge [sflag:s16], $0x3200  }
0x113: {  	[sflag:s16] =	ssyncset.done $0x0  }
0x114: {  	s1 =	rddreg [dreg:$0x1a];
	[sflag:s16] =	ssyncadd.s32 $0xFFFFCE00  }
0x115: {  	[hbm4b:s1+s2] =	stream.linear.scatter [tilespmem:s4], [sflag:$0x8], $0x3200, $0x38;
	[tilespmem:$0x12C00] =	vst v63  }
0x116: {  	_ =	swait.ge [sflag:s12], $0x3200  }
0x117: {  	[sflag:s12] =	ssyncset.done $0x0  }
0x118: {  	[sflag:s12] =	ssyncadd.s32 $0xFFFFCE00  }
0x119: {  	[tilespmem:s4], [sflag:$0x4] =	stream.indirect.gather [hbm4b:s3+s10], $0x10, s22, s10, $0xb8;
	[tilespmem:$0x12C00] =	vst v63  }
0x11a: {  	_ =	swait.ge [sflag:s13], $0x3200  }
0x11b: {  	[sflag:s13] =	ssyncset.done $0x0  }
0x11c: {  	s1 =	rddreg [dreg:$0x1b];
	[sflag:s13] =	ssyncadd.s32 $0xFFFFCE00  }
0x11d: {  	[hbm4b:s1+s2] =	stream.linear.scatter [tilespmem:s8], [sflag:$0x5], $0x3200, $0x38;
	[tilespmem:$0x12C00] =	vst v63  }
0x11e: {  	_ =	swait.ge [sflag:s6], $0x3200  }
0x11f: {  	[sflag:s6] =	ssyncset.done $0x0  }
0x120: {  	[sflag:s6] =	ssyncadd.s32 $0xFFFFCE00  }
0x121: {  	[tilespmem:s8], [sflag:$0x1] =	stream.indirect.gather [hbm4b:s3+s10], $0x10, s21, s10, $0xb8;
	[tilespmem:$0x12C00] =	vst v63  }
0x122: {  	_ =	swait.ge [sflag:s14], $0x3200  }
0x123: {  	[sflag:s14] =	ssyncset.done $0x0  }
0x124: {  	s1 =	rddreg [dreg:$0x1c];
	[sflag:s14] =	ssyncadd.s32 $0xFFFFCE00  }
0x125: {  	[hbm4b:s1+s2] =	stream.linear.scatter [tilespmem:s7], [sflag:$0x6], $0x3200, $0x38;
	[tilespmem:$0x12C00] =	vst v63  }
0x126: {  	_ =	swait.ge [sflag:s9], $0x3200  }
0x127: {  	[sflag:s9] =	ssyncset.done $0x0  }
0x128: {  	[sflag:s9] =	ssyncadd.s32 $0xFFFFCE00  }
0x129: {  	[tilespmem:s7], [sflag:$0x2] =	stream.indirect.gather [hbm4b:s3+s10], $0x10, s20, s10, $0xb8;
	[tilespmem:$0x12C00] =	vst v63  }
0x12a: {  	_ =	swait.ge [sflag:s15], $0x3200  }
0x12b: {  	[sflag:s15] =	ssyncset.done $0x0  }
0x12c: {  	s1 =	rddreg [dreg:$0x1d];
	[sflag:s15] =	ssyncadd.s32 $0xFFFFCE00  }
0x12d: {  	[hbm4b:s1+s2] =	stream.linear.scatter [tilespmem:s5], [sflag:$0x7], $0x3200, $0x38;
	[tilespmem:$0x12C00] =	vst v63  }
0x12e: {  	_ =	swait.ge [sflag:s11], $0x3200  }
0x12f: {  	[sflag:s11] =	ssyncset.done $0x0  }
0x130: {  	[sflag:s11] =	ssyncadd.s32 $0xFFFFCE00  }
0x131: {  	[tilespmem:s5], [sflag:$0x3] =	stream.indirect.gather [hbm4b:s3+s10], $0x10, s19, s10, $0xb8;
	[tilespmem:$0x12C00] =	vst v63  }
0x132: {  	_ =	swait.ge [sflag:s16], $0x3200  }
0x133: {  	[sflag:s16] =	ssyncset.done $0x0  }
0x134: {  	s1 =	rddreg [dreg:$0x1e];
	[sflag:s16] =	ssyncadd.s32 $0xFFFFCE00  }
0x135: {  	[hbm4b:s1+s2] =	stream.linear.scatter [tilespmem:s4], [sflag:$0x8], $0x3200, $0x38;
	[tilespmem:$0x12C00] =	vst v63  }
0x136: {  	_ =	swait.ge [sflag:s12], $0x3200  }
0x137: {  	[sflag:s12] =	ssyncset.done $0x0  }
0x138: {  	[sflag:s12] =	ssyncadd.s32 $0xFFFFCE00  }
0x139: {  	[tilespmem:s4], [sflag:$0x4] =	stream.indirect.gather [hbm4b:s3+s10], $0x10, s18, s10, $0xb8;
	[tilespmem:$0x12C00] =	vst v63  }
0x13a: {  	_ =	swait.ge [sflag:s13], $0x3200  }
0x13b: {  	[sflag:s13] =	ssyncset.done $0x0  }
0x13c: {  	s1 =	rddreg [dreg:$0x1f];
	[sflag:s13] =	ssyncadd.s32 $0xFFFFCE00  }
0x13d: {  	[hbm4b:s1+s2] =	stream.linear.scatter [tilespmem:s8], [sflag:$0x5], $0x3200, $0x38;
	[tilespmem:$0x12C00] =	vst v63  }
0x13e: {  	_ =	swait.ge [sflag:s14], $0x3200  }
0x13f: {  	s1 =	sld [smem:$0x7E9]  }
0x140: {  	[sflag:s14] =	ssyncset.done $0x0  }
0x141: {  	[sflag:s14] =	ssyncadd.s32 $0xFFFFCE00  }
0x142: {  	[hbm4b:s1+s2] =	stream.linear.scatter [tilespmem:s7], [sflag:$0x6], $0x3200, $0x38;
	[tilespmem:$0x12C00] =	vst v63  }
0x143: {  	_ =	swait.ge [sflag:s15], $0x3200  }
0x144: {  	s1 =	sld [smem:$0x7EA]  }
0x145: {  	[sflag:s15] =	ssyncset.done $0x0  }
0x146: {  	[sflag:s15] =	ssyncadd.s32 $0xFFFFCE00  }
0x147: {  	[hbm4b:s1+s2] =	stream.linear.scatter [tilespmem:s5], [sflag:$0x7], $0x3200, $0x38;
	[tilespmem:$0x12C00] =	vst v63  }
0x148: {  	_ =	swait.ge [sflag:s16], $0x3200  }
0x149: {  	s1 =	sld [smem:$0x7EB]  }
0x14a: {  	[sflag:s16] =	ssyncset.done $0x0  }
0x14b: {  	[sflag:s16] =	ssyncadd.s32 $0xFFFFCE00  }
0x14c: {  	[hbm4b:s1+s2] =	stream.linear.scatter [tilespmem:s4], [sflag:$0x8], $0x3200, $0x38;
	[tilespmem:$0x12C00] =	vst v63  }
0x14d: {  	_ =	swait.ge [sflag:s6], $0x3200  }
0x14e: {  	[sflag:s6] =	ssyncset.done $0x0  }
0x14f: {  	[sflag:s6] =	ssyncadd.s32 $0xFFFFCE00  }
0x150: {  	_ =	swait.ge [sflag:s9], $0x3200  }
0x151: {  	[sflag:s9] =	ssyncset.done $0x0  }
0x152: {  	p1 =	sne.s32 s17, $0x1;
	[sflag:s9] =	ssyncadd.s32 $0xFFFFCE00  }
.Ltmp1:
0x153: {  	_ =	swait.ge [sflag:s11], $0x3200;
	(pc) =	sbr.rel @!p1 .LBB2_3-.Ltmp1, $4  }
0x154: {  	[sflag:s11] =	ssyncset.done $0x0  }
0x155: {  	[sflag:s11] =	ssyncadd.s32 $0xFFFFCE00  }
0x156: {  	p0 =	por $0x1, $0x1;
	_ =	swait.ge [sflag:s12], $0x3200  }
0x157: {  	s1 =	sadd.s32 $0xFFFFFFFF, s17;
	s0 =	rddreg [dreg:$0x3];
	[sflag:s12] =	ssyncset.done $0x0  }
.LBB2_4:
0x158: {  	[sflag:s12] =	ssyncadd.s32 $0xFFFFCE00  }
0x159: {  	[tilespmem:s2], [sflag:$0x9] =	stream.linear.gather [hbm4b:s0+s2], $0x6400, $0x38;
	[tilespmem:$0x12C00] =	vst v63  }
0x15a: {  	_ =	swait.ge [sflag:s31], $0x6400  }
0x15b: {  	[sflag:s31] =	ssyncset.done $0x0  }
0x15c: {  	[sflag:s31] =	ssyncadd.s32 $0xFFFF9C00  }
0x15d: {  	[tilespmem:s8], [sflag:$0x1] =	stream.indirect.gather [hbm4b:s3+s10], $0x10, s2, s10, $0xb8;
	[tilespmem:$0x12C00] =	vst v63  }
0x15e: {  	s0 =	sld [smem:$0x7EC]  }
0x15f: {  	[tilespmem:s7], [sflag:$0x2] =	stream.indirect.gather [hbm4b:s3+s10], $0x10, s10, s10, $0xb8;
	[tilespmem:$0x12C00] =	vst v63  }
0x160: {  	s17 =	sld [smem:$0x7ED]  }
0x161: {  	[tilespmem:s5], [sflag:$0x3] =	stream.indirect.gather [hbm4b:s3+s10], $0x10, s0, s10, $0xb8;
	[tilespmem:$0x12C00] =	vst v63  }
0x162: {  	_ = 	snop  }
0x163: {  	[tilespmem:s4], [sflag:$0x4] =	stream.indirect.gather [hbm4b:s3+s10], $0x10, s17, s10, $0xb8;
	[tilespmem:$0x12C00] =	vst v63  }
0x164: {  	_ =	swait.ge [sflag:s13], $0x3200  }
0x165: {  	[sflag:s13] =	ssyncset.done $0x0  }
0x166: {  	[sflag:s13] =	ssyncadd.s32 $0xFFFFCE00  }
0x167: {  	[hbm4b:s30+s2] =	stream.linear.scatter [tilespmem:s8], [sflag:$0x5], $0x3200, $0x38;
	[tilespmem:$0x12C00] =	vst v63  }
0x168: {  	_ =	swait.ge [sflag:s6], $0x3200  }
0x169: {  	s17 =	sld [smem:$0x7EE]  }
0x16a: {  	[sflag:s6] =	ssyncset.done $0x0  }
0x16b: {  	[sflag:s6] =	ssyncadd.s32 $0xFFFFCE00  }
0x16c: {  	[tilespmem:s8], [sflag:$0x1] =	stream.indirect.gather [hbm4b:s3+s10], $0x10, s17, s10, $0xb8;
	[tilespmem:$0x12C00] =	vst v63  }
0x16d: {  	_ =	swait.ge [sflag:s14], $0x3200  }
0x16e: {  	[sflag:s14] =	ssyncset.done $0x0  }
0x16f: {  	s17 =	rddreg [dreg:$0x4];
	[sflag:s14] =	ssyncadd.s32 $0xFFFFCE00  }
0x170: {  	[hbm4b:s17+s2] =	stream.linear.scatter [tilespmem:s7], [sflag:$0x6], $0x3200, $0x38;
	[tilespmem:$0x12C00] =	vst v63  }
0x171: {  	_ =	swait.ge [sflag:s9], $0x3200  }
0x172: {  	s17 =	sld [smem:$0x7EF]  }
0x173: {  	[sflag:s9] =	ssyncset.done $0x0  }
0x174: {  	[sflag:s9] =	ssyncadd.s32 $0xFFFFCE00  }
0x175: {  	[tilespmem:s7], [sflag:$0x2] =	stream.indirect.gather [hbm4b:s3+s10], $0x10, s17, s10, $0xb8;
	[tilespmem:$0x12C00] =	vst v63  }
0x176: {  	_ =	swait.ge [sflag:s15], $0x3200  }
0x177: {  	[sflag:s15] =	ssyncset.done $0x0  }
0x178: {  	s17 =	rddreg [dreg:$0x5];
	[sflag:s15] =	ssyncadd.s32 $0xFFFFCE00  }
0x179: {  	[hbm4b:s17+s2] =	stream.linear.scatter [tilespmem:s5], [sflag:$0x7], $0x3200, $0x38;
	[tilespmem:$0x12C00] =	vst v63  }
0x17a: {  	_ =	swait.ge [sflag:s11], $0x3200  }
0x17b: {  	s17 =	sld [smem:$0x7F0]  }
0x17c: {  	[sflag:s11] =	ssyncset.done $0x0  }
0x17d: {  	[sflag:s11] =	ssyncadd.s32 $0xFFFFCE00  }
0x17e: {  	[tilespmem:s5], [sflag:$0x3] =	stream.indirect.gather [hbm4b:s3+s10], $0x10, s17, s10, $0xb8;
	[tilespmem:$0x12C00] =	vst v63  }
0x17f: {  	_ =	swait.ge [sflag:s16], $0x3200  }
0x180: {  	[sflag:s16] =	ssyncset.done $0x0  }
0x181: {  	s17 =	rddreg [dreg:$0x6];
	[sflag:s16] =	ssyncadd.s32 $0xFFFFCE00  }
0x182: {  	[hbm4b:s17+s2] =	stream.linear.scatter [tilespmem:s4], [sflag:$0x8], $0x3200, $0x38;
	[tilespmem:$0x12C00] =	vst v63  }
0x183: {  	_ =	swait.ge [sflag:s12], $0x3200  }
0x184: {  	s17 =	sld [smem:$0x7F1]  }
0x185: {  	[sflag:s12] =	ssyncset.done $0x0  }
0x186: {  	[sflag:s12] =	ssyncadd.s32 $0xFFFFCE00  }
0x187: {  	[tilespmem:s4], [sflag:$0x4] =	stream.indirect.gather [hbm4b:s3+s10], $0x10, s17, s10, $0xb8;
	[tilespmem:$0x12C00] =	vst v63  }
0x188: {  	_ =	swait.ge [sflag:s13], $0x3200  }
0x189: {  	[sflag:s13] =	ssyncset.done $0x0  }
0x18a: {  	s17 =	rddreg [dreg:$0x7];
	[sflag:s13] =	ssyncadd.s32 $0xFFFFCE00  }
0x18b: {  	[hbm4b:s17+s2] =	stream.linear.scatter [tilespmem:s8], [sflag:$0x5], $0x3200, $0x38;
	[tilespmem:$0x12C00] =	vst v63  }
0x18c: {  	_ =	swait.ge [sflag:s6], $0x3200  }
0x18d: {  	s17 =	sld [smem:$0x7F2]  }
0x18e: {  	[sflag:s6] =	ssyncset.done $0x0  }
0x18f: {  	[sflag:s6] =	ssyncadd.s32 $0xFFFFCE00  }
0x190: {  	[tilespmem:s8], [sflag:$0x1] =	stream.indirect.gather [hbm4b:s3+s10], $0x10, s17, s10, $0xb8;
	[tilespmem:$0x12C00] =	vst v63  }
0x191: {  	_ =	swait.ge [sflag:s14], $0x3200  }
0x192: {  	[sflag:s14] =	ssyncset.done $0x0  }
0x193: {  	s17 =	rddreg [dreg:$0x8];
	[sflag:s14] =	ssyncadd.s32 $0xFFFFCE00  }
0x194: {  	[hbm4b:s17+s2] =	stream.linear.scatter [tilespmem:s7], [sflag:$0x6], $0x3200, $0x38;
	[tilespmem:$0x12C00] =	vst v63  }
0x195: {  	_ =	swait.ge [sflag:s9], $0x3200  }
0x196: {  	s17 =	sld [smem:$0x7F3]  }
0x197: {  	[sflag:s9] =	ssyncset.done $0x0  }
0x198: {  	[sflag:s9] =	ssyncadd.s32 $0xFFFFCE00  }
0x199: {  	[tilespmem:s7], [sflag:$0x2] =	stream.indirect.gather [hbm4b:s3+s10], $0x10, s17, s10, $0xb8;
	[tilespmem:$0x12C00] =	vst v63  }
0x19a: {  	_ =	swait.ge [sflag:s15], $0x3200  }
0x19b: {  	[sflag:s15] =	ssyncset.done $0x0  }
0x19c: {  	s17 =	rddreg [dreg:$0x9];
	[sflag:s15] =	ssyncadd.s32 $0xFFFFCE00  }
0x19d: {  	[hbm4b:s17+s2] =	stream.linear.scatter [tilespmem:s5], [sflag:$0x7], $0x3200, $0x38;
	[tilespmem:$0x12C00] =	vst v63  }
0x19e: {  	_ =	swait.ge [sflag:s11], $0x3200  }
0x19f: {  	s17 =	sld [smem:$0x7F4]  }
0x1a0: {  	[sflag:s11] =	ssyncset.done $0x0  }
0x1a1: {  	[sflag:s11] =	ssyncadd.s32 $0xFFFFCE00  }
0x1a2: {  	[tilespmem:s5], [sflag:$0x3] =	stream.indirect.gather [hbm4b:s3+s10], $0x10, s17, s10, $0xb8;
	[tilespmem:$0x12C00] =	vst v63  }
0x1a3: {  	_ =	swait.ge [sflag:s16], $0x3200  }
0x1a4: {  	[sflag:s16] =	ssyncset.done $0x0  }
0x1a5: {  	s17 =	rddreg [dreg:$0xa];
	[sflag:s16] =	ssyncadd.s32 $0xFFFFCE00  }
0x1a6: {  	[hbm4b:s17+s2] =	stream.linear.scatter [tilespmem:s4], [sflag:$0x8], $0x3200, $0x38;
	[tilespmem:$0x12C00] =	vst v63  }
0x1a7: {  	_ =	swait.ge [sflag:s12], $0x3200  }
0x1a8: {  	s17 =	sld [smem:$0x7F5]  }
0x1a9: {  	[sflag:s12] =	ssyncset.done $0x0  }
0x1aa: {  	[sflag:s12] =	ssyncadd.s32 $0xFFFFCE00  }
0x1ab: {  	[tilespmem:s4], [sflag:$0x4] =	stream.indirect.gather [hbm4b:s3+s10], $0x10, s17, s10, $0xb8;
	[tilespmem:$0x12C00] =	vst v63  }
0x1ac: {  	_ =	swait.ge [sflag:s13], $0x3200  }
0x1ad: {  	[sflag:s13] =	ssyncset.done $0x0  }
0x1ae: {  	s17 =	rddreg [dreg:$0xb];
	[sflag:s13] =	ssyncadd.s32 $0xFFFFCE00  }
0x1af: {  	[hbm4b:s17+s2] =	stream.linear.scatter [tilespmem:s8], [sflag:$0x5], $0x3200, $0x38;
	[tilespmem:$0x12C00] =	vst v63  }
0x1b0: {  	_ =	swait.ge [sflag:s6], $0x3200  }
0x1b1: {  	s17 =	sld [smem:$0x7F6]  }
0x1b2: {  	[sflag:s6] =	ssyncset.done $0x0  }
0x1b3: {  	[sflag:s6] =	ssyncadd.s32 $0xFFFFCE00  }
0x1b4: {  	[tilespmem:s8], [sflag:$0x1] =	stream.indirect.gather [hbm4b:s3+s10], $0x10, s17, s10, $0xb8;
	[tilespmem:$0x12C00] =	vst v63  }
0x1b5: {  	_ =	swait.ge [sflag:s14], $0x3200  }
0x1b6: {  	[sflag:s14] =	ssyncset.done $0x0  }
0x1b7: {  	s17 =	rddreg [dreg:$0xc];
	[sflag:s14] =	ssyncadd.s32 $0xFFFFCE00  }
0x1b8: {  	[hbm4b:s17+s2] =	stream.linear.scatter [tilespmem:s7], [sflag:$0x6], $0x3200, $0x38;
	[tilespmem:$0x12C00] =	vst v63  }
0x1b9: {  	_ =	swait.ge [sflag:s9], $0x3200  }
0x1ba: {  	s17 =	sld [smem:$0x7F7]  }
0x1bb: {  	[sflag:s9] =	ssyncset.done $0x0  }
0x1bc: {  	[sflag:s9] =	ssyncadd.s32 $0xFFFFCE00  }
0x1bd: {  	[tilespmem:s7], [sflag:$0x2] =	stream.indirect.gather [hbm4b:s3+s10], $0x10, s17, s10, $0xb8;
	[tilespmem:$0x12C00] =	vst v63  }
0x1be: {  	_ =	swait.ge [sflag:s15], $0x3200  }
0x1bf: {  	[sflag:s15] =	ssyncset.done $0x0  }
0x1c0: {  	s17 =	rddreg [dreg:$0xd];
	[sflag:s15] =	ssyncadd.s32 $0xFFFFCE00  }
0x1c1: {  	[hbm4b:s17+s2] =	stream.linear.scatter [tilespmem:s5], [sflag:$0x7], $0x3200, $0x38;
	[tilespmem:$0x12C00] =	vst v63  }
0x1c2: {  	_ =	swait.ge [sflag:s11], $0x3200  }
0x1c3: {  	s17 =	sld [smem:$0x7F8]  }
0x1c4: {  	[sflag:s11] =	ssyncset.done $0x0  }
0x1c5: {  	[sflag:s11] =	ssyncadd.s32 $0xFFFFCE00  }
0x1c6: {  	[tilespmem:s5], [sflag:$0x3] =	stream.indirect.gather [hbm4b:s3+s10], $0x10, s17, s10, $0xb8;
	[tilespmem:$0x12C00] =	vst v63  }
0x1c7: {  	_ =	swait.ge [sflag:s16], $0x3200  }
0x1c8: {  	[sflag:s16] =	ssyncset.done $0x0  }
0x1c9: {  	s17 =	rddreg [dreg:$0xe];
	[sflag:s16] =	ssyncadd.s32 $0xFFFFCE00  }
0x1ca: {  	[hbm4b:s17+s2] =	stream.linear.scatter [tilespmem:s4], [sflag:$0x8], $0x3200, $0x38;
	[tilespmem:$0x12C00] =	vst v63  }
0x1cb: {  	_ =	swait.ge [sflag:s12], $0x3200  }
0x1cc: {  	s17 =	sld [smem:$0x7F9]  }
0x1cd: {  	[sflag:s12] =	ssyncset.done $0x0  }
0x1ce: {  	[sflag:s12] =	ssyncadd.s32 $0xFFFFCE00  }
0x1cf: {  	[tilespmem:s4], [sflag:$0x4] =	stream.indirect.gather [hbm4b:s3+s10], $0x10, s17, s10, $0xb8;
	[tilespmem:$0x12C00] =	vst v63  }
0x1d0: {  	_ =	swait.ge [sflag:s13], $0x3200  }
0x1d1: {  	[sflag:s13] =	ssyncset.done $0x0  }
0x1d2: {  	s17 =	rddreg [dreg:$0xf];
	[sflag:s13] =	ssyncadd.s32 $0xFFFFCE00  }
0x1d3: {  	[hbm4b:s17+s2] =	stream.linear.scatter [tilespmem:s8], [sflag:$0x5], $0x3200, $0x38;
	[tilespmem:$0x12C00] =	vst v63  }
0x1d4: {  	_ =	swait.ge [sflag:s6], $0x3200  }
0x1d5: {  	s17 =	sld [smem:$0x7FA]  }
0x1d6: {  	[sflag:s6] =	ssyncset.done $0x0  }
0x1d7: {  	[sflag:s6] =	ssyncadd.s32 $0xFFFFCE00  }
0x1d8: {  	[tilespmem:s8], [sflag:$0x1] =	stream.indirect.gather [hbm4b:s3+s10], $0x10, s17, s10, $0xb8;
	[tilespmem:$0x12C00] =	vst v63  }
0x1d9: {  	_ =	swait.ge [sflag:s14], $0x3200  }
0x1da: {  	[sflag:s14] =	ssyncset.done $0x0  }
0x1db: {  	s17 =	rddreg [dreg:$0x10];
	[sflag:s14] =	ssyncadd.s32 $0xFFFFCE00  }
0x1dc: {  	[hbm4b:s17+s2] =	stream.linear.scatter [tilespmem:s7], [sflag:$0x6], $0x3200, $0x38;
	[tilespmem:$0x12C00] =	vst v63  }
0x1dd: {  	_ =	swait.ge [sflag:s9], $0x3200  }
0x1de: {  	s17 =	sld [smem:$0x7FB]  }
0x1df: {  	[sflag:s9] =	ssyncset.done $0x0  }
0x1e0: {  	[sflag:s9] =	ssyncadd.s32 $0xFFFFCE00  }
0x1e1: {  	[tilespmem:s7], [sflag:$0x2] =	stream.indirect.gather [hbm4b:s3+s10], $0x10, s17, s10, $0xb8;
	[tilespmem:$0x12C00] =	vst v63  }
0x1e2: {  	_ =	swait.ge [sflag:s15], $0x3200  }
0x1e3: {  	[sflag:s15] =	ssyncset.done $0x0  }
0x1e4: {  	s17 =	rddreg [dreg:$0x11];
	[sflag:s15] =	ssyncadd.s32 $0xFFFFCE00  }
0x1e5: {  	[hbm4b:s17+s2] =	stream.linear.scatter [tilespmem:s5], [sflag:$0x7], $0x3200, $0x38;
	[tilespmem:$0x12C00] =	vst v63  }
0x1e6: {  	_ =	swait.ge [sflag:s11], $0x3200  }
0x1e7: {  	s17 =	sld [smem:$0x7FC]  }
0x1e8: {  	[sflag:s11] =	ssyncset.done $0x0  }
0x1e9: {  	[sflag:s11] =	ssyncadd.s32 $0xFFFFCE00  }
0x1ea: {  	[tilespmem:s5], [sflag:$0x3] =	stream.indirect.gather [hbm4b:s3+s10], $0x10, s17, s10, $0xb8;
	[tilespmem:$0x12C00] =	vst v63  }
0x1eb: {  	_ =	swait.ge [sflag:s16], $0x3200  }
0x1ec: {  	[sflag:s16] =	ssyncset.done $0x0  }
0x1ed: {  	s17 =	rddreg [dreg:$0x12];
	[sflag:s16] =	ssyncadd.s32 $0xFFFFCE00  }
0x1ee: {  	[hbm4b:s17+s2] =	stream.linear.scatter [tilespmem:s4], [sflag:$0x8], $0x3200, $0x38;
	[tilespmem:$0x12C00] =	vst v63  }
0x1ef: {  	_ =	swait.ge [sflag:s12], $0x3200  }
0x1f0: {  	s17 =	sld [smem:$0x7FD]  }
0x1f1: {  	[sflag:s12] =	ssyncset.done $0x0  }
0x1f2: {  	[sflag:s12] =	ssyncadd.s32 $0xFFFFCE00  }
0x1f3: {  	[tilespmem:s4], [sflag:$0x4] =	stream.indirect.gather [hbm4b:s3+s10], $0x10, s17, s10, $0xb8;
	[tilespmem:$0x12C00] =	vst v63  }
0x1f4: {  	_ =	swait.ge [sflag:s13], $0x3200  }
0x1f5: {  	[sflag:s13] =	ssyncset.done $0x0  }
0x1f6: {  	s17 =	rddreg [dreg:$0x13];
	[sflag:s13] =	ssyncadd.s32 $0xFFFFCE00  }
0x1f7: {  	[hbm4b:s17+s2] =	stream.linear.scatter [tilespmem:s8], [sflag:$0x5], $0x3200, $0x38;
	[tilespmem:$0x12C00] =	vst v63  }
0x1f8: {  	_ =	swait.ge [sflag:s6], $0x3200  }
0x1f9: {  	[sflag:s6] =	ssyncset.done $0x0  }
0x1fa: {  	s17 =	simm.s32 $0x3E80;
	[sflag:s6] =	ssyncadd.s32 $0xFFFFCE00  }
0x1fb: {  	[tilespmem:s8], [sflag:$0x1] =	stream.indirect.gather [hbm4b:s3+s10], $0x10, s17, s10, $0xb8;
	[tilespmem:$0x12C00] =	vst v63  }
0x1fc: {  	_ =	swait.ge [sflag:s14], $0x3200  }
0x1fd: {  	[sflag:s14] =	ssyncset.done $0x0  }
0x1fe: {  	s17 =	rddreg [dreg:$0x14];
	[sflag:s14] =	ssyncadd.s32 $0xFFFFCE00  }
0x1ff: {  	[hbm4b:s17+s2] =	stream.linear.scatter [tilespmem:s7], [sflag:$0x6], $0x3200, $0x38;
	[tilespmem:$0x12C00] =	vst v63  }
0x200: {  	_ =	swait.ge [sflag:s9], $0x3200  }
0x201: {  	[sflag:s9] =	ssyncset.done $0x0  }
0x202: {  	[sflag:s9] =	ssyncadd.s32 $0xFFFFCE00  }
0x203: {  	[tilespmem:s7], [sflag:$0x2] =	stream.indirect.gather [hbm4b:s3+s10], $0x10, s29, s10, $0xb8;
	[tilespmem:$0x12C00] =	vst v63  }
0x204: {  	_ =	swait.ge [sflag:s15], $0x3200  }
0x205: {  	[sflag:s15] =	ssyncset.done $0x0  }
0x206: {  	s17 =	rddreg [dreg:$0x15];
	[sflag:s15] =	ssyncadd.s32 $0xFFFFCE00  }
0x207: {  	[hbm4b:s17+s2] =	stream.linear.scatter [tilespmem:s5], [sflag:$0x7], $0x3200, $0x38;
	[tilespmem:$0x12C00] =	vst v63  }
0x208: {  	_ =	swait.ge [sflag:s11], $0x3200  }
0x209: {  	[sflag:s11] =	ssyncset.done $0x0  }
0x20a: {  	[sflag:s11] =	ssyncadd.s32 $0xFFFFCE00  }
0x20b: {  	[tilespmem:s5], [sflag:$0x3] =	stream.indirect.gather [hbm4b:s3+s10], $0x10, s28, s10, $0xb8;
	[tilespmem:$0x12C00] =	vst v63  }
0x20c: {  	_ =	swait.ge [sflag:s16], $0x3200  }
0x20d: {  	[sflag:s16] =	ssyncset.done $0x0  }
0x20e: {  	s17 =	rddreg [dreg:$0x16];
	[sflag:s16] =	ssyncadd.s32 $0xFFFFCE00  }
0x20f: {  	[hbm4b:s17+s2] =	stream.linear.scatter [tilespmem:s4], [sflag:$0x8], $0x3200, $0x38;
	[tilespmem:$0x12C00] =	vst v63  }
0x210: {  	_ =	swait.ge [sflag:s12], $0x3200  }
0x211: {  	[sflag:s12] =	ssyncset.done $0x0  }
0x212: {  	[sflag:s12] =	ssyncadd.s32 $0xFFFFCE00  }
0x213: {  	[tilespmem:s4], [sflag:$0x4] =	stream.indirect.gather [hbm4b:s3+s10], $0x10, s26, s10, $0xb8;
	[tilespmem:$0x12C00] =	vst v63  }
0x214: {  	_ =	swait.ge [sflag:s13], $0x3200  }
0x215: {  	[sflag:s13] =	ssyncset.done $0x0  }
0x216: {  	s17 =	rddreg [dreg:$0x17];
	[sflag:s13] =	ssyncadd.s32 $0xFFFFCE00  }
0x217: {  	[hbm4b:s17+s2] =	stream.linear.scatter [tilespmem:s8], [sflag:$0x5], $0x3200, $0x38;
	[tilespmem:$0x12C00] =	vst v63  }
0x218: {  	_ =	swait.ge [sflag:s6], $0x3200  }
0x219: {  	[sflag:s6] =	ssyncset.done $0x0  }
0x21a: {  	[sflag:s6] =	ssyncadd.s32 $0xFFFFCE00  }
0x21b: {  	[tilespmem:s8], [sflag:$0x1] =	stream.indirect.gather [hbm4b:s3+s10], $0x10, s25, s10, $0xb8;
	[tilespmem:$0x12C00] =	vst v63  }
0x21c: {  	_ =	swait.ge [sflag:s14], $0x3200  }
0x21d: {  	[sflag:s14] =	ssyncset.done $0x0  }
0x21e: {  	s17 =	rddreg [dreg:$0x18];
	[sflag:s14] =	ssyncadd.s32 $0xFFFFCE00  }
0x21f: {  	[hbm4b:s17+s2] =	stream.linear.scatter [tilespmem:s7], [sflag:$0x6], $0x3200, $0x38;
	[tilespmem:$0x12C00] =	vst v63  }
0x220: {  	_ =	swait.ge [sflag:s9], $0x3200  }
0x221: {  	[sflag:s9] =	ssyncset.done $0x0  }
0x222: {  	[sflag:s9] =	ssyncadd.s32 $0xFFFFCE00  }
0x223: {  	[tilespmem:s7], [sflag:$0x2] =	stream.indirect.gather [hbm4b:s3+s10], $0x10, s24, s10, $0xb8;
	[tilespmem:$0x12C00] =	vst v63  }
0x224: {  	_ =	swait.ge [sflag:s15], $0x3200  }
0x225: {  	[sflag:s15] =	ssyncset.done $0x0  }
0x226: {  	s17 =	rddreg [dreg:$0x19];
	[sflag:s15] =	ssyncadd.s32 $0xFFFFCE00  }
0x227: {  	[hbm4b:s17+s2] =	stream.linear.scatter [tilespmem:s5], [sflag:$0x7], $0x3200, $0x38;
	[tilespmem:$0x12C00] =	vst v63  }
0x228: {  	_ =	swait.ge [sflag:s11], $0x3200  }
0x229: {  	[sflag:s11] =	ssyncset.done $0x0  }
0x22a: {  	[sflag:s11] =	ssyncadd.s32 $0xFFFFCE00  }
0x22b: {  	[tilespmem:s5], [sflag:$0x3] =	stream.indirect.gather [hbm4b:s3+s10], $0x10, s23, s10, $0xb8;
	[tilespmem:$0x12C00] =	vst v63  }
0x22c: {  	_ =	swait.ge [sflag:s16], $0x3200  }
0x22d: {  	[sflag:s16] =	ssyncset.done $0x0  }
0x22e: {  	s17 =	rddreg [dreg:$0x1a];
	[sflag:s16] =	ssyncadd.s32 $0xFFFFCE00  }
0x22f: {  	[hbm4b:s17+s2] =	stream.linear.scatter [tilespmem:s4], [sflag:$0x8], $0x3200, $0x38;
	[tilespmem:$0x12C00] =	vst v63  }
0x230: {  	_ =	swait.ge [sflag:s12], $0x3200  }
0x231: {  	[sflag:s12] =	ssyncset.done $0x0  }
0x232: {  	[sflag:s12] =	ssyncadd.s32 $0xFFFFCE00  }
0x233: {  	[tilespmem:s4], [sflag:$0x4] =	stream.indirect.gather [hbm4b:s3+s10], $0x10, s22, s10, $0xb8;
	[tilespmem:$0x12C00] =	vst v63  }
0x234: {  	_ =	swait.ge [sflag:s13], $0x3200  }
0x235: {  	[sflag:s13] =	ssyncset.done $0x0  }
0x236: {  	s17 =	rddreg [dreg:$0x1b];
	[sflag:s13] =	ssyncadd.s32 $0xFFFFCE00  }
0x237: {  	[hbm4b:s17+s2] =	stream.linear.scatter [tilespmem:s8], [sflag:$0x5], $0x3200, $0x38;
	[tilespmem:$0x12C00] =	vst v63  }
0x238: {  	_ =	swait.ge [sflag:s6], $0x3200  }
0x239: {  	[sflag:s6] =	ssyncset.done $0x0  }
0x23a: {  	[sflag:s6] =	ssyncadd.s32 $0xFFFFCE00  }
0x23b: {  	[tilespmem:s8], [sflag:$0x1] =	stream.indirect.gather [hbm4b:s3+s10], $0x10, s21, s10, $0xb8;
	[tilespmem:$0x12C00] =	vst v63  }
0x23c: {  	_ =	swait.ge [sflag:s14], $0x3200  }
0x23d: {  	[sflag:s14] =	ssyncset.done $0x0  }
0x23e: {  	s17 =	rddreg [dreg:$0x1c];
	[sflag:s14] =	ssyncadd.s32 $0xFFFFCE00  }
0x23f: {  	[hbm4b:s17+s2] =	stream.linear.scatter [tilespmem:s7], [sflag:$0x6], $0x3200, $0x38;
	[tilespmem:$0x12C00] =	vst v63  }
0x240: {  	_ =	swait.ge [sflag:s9], $0x3200  }
0x241: {  	[sflag:s9] =	ssyncset.done $0x0  }
0x242: {  	[sflag:s9] =	ssyncadd.s32 $0xFFFFCE00  }
0x243: {  	[tilespmem:s7], [sflag:$0x2] =	stream.indirect.gather [hbm4b:s3+s10], $0x10, s20, s10, $0xb8;
	[tilespmem:$0x12C00] =	vst v63  }
0x244: {  	_ =	swait.ge [sflag:s15], $0x3200  }
0x245: {  	[sflag:s15] =	ssyncset.done $0x0  }
0x246: {  	s17 =	rddreg [dreg:$0x1d];
	[sflag:s15] =	ssyncadd.s32 $0xFFFFCE00  }
0x247: {  	[hbm4b:s17+s2] =	stream.linear.scatter [tilespmem:s5], [sflag:$0x7], $0x3200, $0x38;
	[tilespmem:$0x12C00] =	vst v63  }
0x248: {  	_ =	swait.ge [sflag:s11], $0x3200  }
0x249: {  	[sflag:s11] =	ssyncset.done $0x0  }
0x24a: {  	[sflag:s11] =	ssyncadd.s32 $0xFFFFCE00  }
0x24b: {  	[tilespmem:s5], [sflag:$0x3] =	stream.indirect.gather [hbm4b:s3+s10], $0x10, s19, s10, $0xb8;
	[tilespmem:$0x12C00] =	vst v63  }
0x24c: {  	_ =	swait.ge [sflag:s16], $0x3200  }
0x24d: {  	[sflag:s16] =	ssyncset.done $0x0  }
0x24e: {  	s17 =	rddreg [dreg:$0x1e];
	[sflag:s16] =	ssyncadd.s32 $0xFFFFCE00  }
0x24f: {  	[hbm4b:s17+s2] =	stream.linear.scatter [tilespmem:s4], [sflag:$0x8], $0x3200, $0x38;
	[tilespmem:$0x12C00] =	vst v63  }
0x250: {  	_ =	swait.ge [sflag:s12], $0x3200  }
0x251: {  	[sflag:s12] =	ssyncset.done $0x0  }
0x252: {  	[sflag:s12] =	ssyncadd.s32 $0xFFFFCE00  }
0x253: {  	[tilespmem:s4], [sflag:$0x4] =	stream.indirect.gather [hbm4b:s3+s10], $0x10, s18, s10, $0xb8;
	[tilespmem:$0x12C00] =	vst v63  }
0x254: {  	_ =	swait.ge [sflag:s13], $0x3200  }
0x255: {  	[sflag:s13] =	ssyncset.done $0x0  }
0x256: {  	s17 =	rddreg [dreg:$0x1f];
	[sflag:s13] =	ssyncadd.s32 $0xFFFFCE00  }
0x257: {  	[hbm4b:s17+s2] =	stream.linear.scatter [tilespmem:s8], [sflag:$0x5], $0x3200, $0x38;
	[tilespmem:$0x12C00] =	vst v63  }
0x258: {  	_ =	swait.ge [sflag:s14], $0x3200  }
0x259: {  	s17 =	sld [smem:$0x7E9]  }
0x25a: {  	[sflag:s14] =	ssyncset.done $0x0  }
0x25b: {  	[sflag:s14] =	ssyncadd.s32 $0xFFFFCE00  }
0x25c: {  	[hbm4b:s17+s2] =	stream.linear.scatter [tilespmem:s7], [sflag:$0x6], $0x3200, $0x38;
	[tilespmem:$0x12C00] =	vst v63  }
0x25d: {  	_ =	swait.ge [sflag:s15], $0x3200  }
0x25e: {  	s17 =	sld [smem:$0x7EA]  }
0x25f: {  	[sflag:s15] =	ssyncset.done $0x0  }
0x260: {  	[sflag:s15] =	ssyncadd.s32 $0xFFFFCE00  }
0x261: {  	[hbm4b:s17+s2] =	stream.linear.scatter [tilespmem:s5], [sflag:$0x7], $0x3200, $0x38;
	[tilespmem:$0x12C00] =	vst v63  }
0x262: {  	_ =	swait.ge [sflag:s16], $0x3200  }
0x263: {  	s17 =	sld [smem:$0x7EB]  }
0x264: {  	[sflag:s16] =	ssyncset.done $0x0  }
0x265: {  	[sflag:s16] =	ssyncadd.s32 $0xFFFFCE00  }
0x266: {  	[hbm4b:s17+s2] =	stream.linear.scatter [tilespmem:s4], [sflag:$0x8], $0x3200, $0x38;
	[tilespmem:$0x12C00] =	vst v63  }
0x267: {  	_ =	swait.ge [sflag:s6], $0x3200  }
0x268: {  	[sflag:s6] =	ssyncset.done $0x0  }
0x269: {  	[sflag:s6] =	ssyncadd.s32 $0xFFFFCE00  }
0x26a: {  	_ =	swait.ge [sflag:s9], $0x3200  }
0x26b: {  	[sflag:s9] =	ssyncset.done $0x0  }
0x26c: {  	p1 =	sne.s32 s1, $0x1;
	[sflag:s9] =	ssyncadd.s32 $0xFFFFCE00  }
.Ltmp2:
0x26d: {  	_ =	swait.ge [sflag:s11], $0x3200;
	(pc) =	sbr.rel @p1 .LBB2_4-.Ltmp2, $4  }
0x26e: {  	[sflag:s11] =	ssyncset.done $0x0  }
0x26f: {  	[sflag:s11] =	ssyncadd.s32 $0xFFFFCE00  }
0x270: {  	_ =	swait.ge [sflag:s12], $0x3200  }
0x271: {  	s1 =	sadd.s32 $0xFFFFFFFF, s1;
	s0 =	rddreg [dreg:$0x3];
	[sflag:s12] =	ssyncset.done $0x0  }
0x272: {  	s18 =	simm.s32 $0x3E80;
	s29 =	simm.s32 $0x41A0;
	s28 =	simm.s32 $0x44C0  }
0x273: {  	s26 =	simm.s32 $0x47E0;
	s25 =	simm.s32 $0x4B00;
	s24 =	simm.s32 $0x4E20  }
0x274: {  	s23 =	simm.s32 $0x5140;
	s22 =	simm.s32 $0x5460;
	s21 =	simm.s32 $0x5780  }
0x275: {  	s20 =	simm.s32 $0x5AA0;
	s19 =	simm.s32 $0x5DC0;
	s17 =	stileid.u32  }
.LBB2_6:
0x276: {  	[sflag:s12] =	ssyncadd.s32 @p0 $0xFFFFCE00  }
0x277: {  	[tilespmem:s2], [sflag:$0x9] =	stream.linear.gather [hbm4b:s0+s2], $0x6400, $0x38;
	[tilespmem:$0x12C00] =	vst v63  }
0x278: {  	_ =	swait.ge [sflag:s31], $0x6400  }
0x279: {  	[sflag:s31] =	ssyncset.done $0x0  }
0x27a: {  	[sflag:s31] =	ssyncadd.s32 $0xFFFF9C00  }
0x27b: {  	[tilespmem:s8], [sflag:$0x1] =	stream.indirect.gather [hbm4b:s3+s10], $0x10, s2, s10, $0xb8;
	[tilespmem:$0x12C00] =	vst v63  }
0x27c: {  	s31 =	sld [smem:$0x7EC]  }
0x27d: {  	[tilespmem:s7], [sflag:$0x2] =	stream.indirect.gather [hbm4b:s3+s10], $0x10, s10, s10, $0xb8;
	[tilespmem:$0x12C00] =	vst v63  }
0x27e: {  	s1 =	sld [smem:$0x7ED]  }
0x27f: {  	[tilespmem:s5], [sflag:$0x3] =	stream.indirect.gather [hbm4b:s3+s10], $0x10, s31, s10, $0xb8;
	[tilespmem:$0x12C00] =	vst v63  }
0x280: {  	_ = 	snop  }
0x281: {  	[tilespmem:s4], [sflag:$0x4] =	stream.indirect.gather [hbm4b:s3+s10], $0x10, s1, s10, $0xb8;
	[tilespmem:$0x12C00] =	vst v63  }
0x282: {  	_ =	swait.ge [sflag:s13], $0x3200  }
0x283: {  	[sflag:s13] =	ssyncset.done $0x0  }
0x284: {  	[sflag:s13] =	ssyncadd.s32 $0xFFFFCE00  }
0x285: {  	[hbm4b:s30+s2] =	stream.linear.scatter [tilespmem:s8], [sflag:$0x5], $0x3200, $0x38;
	[tilespmem:$0x12C00] =	vst v63  }
0x286: {  	_ =	swait.ge [sflag:s6], $0x3200  }
0x287: {  	s30 =	sld [smem:$0x7EE]  }
0x288: {  	[sflag:s6] =	ssyncset.done $0x0  }
0x289: {  	[sflag:s6] =	ssyncadd.s32 $0xFFFFCE00  }
0x28a: {  	[tilespmem:s8], [sflag:$0x1] =	stream.indirect.gather [hbm4b:s3+s10], $0x10, s30, s10, $0xb8;
	[tilespmem:$0x12C00] =	vst v63  }
0x28b: {  	_ =	swait.ge [sflag:s14], $0x3200  }
0x28c: {  	[sflag:s14] =	ssyncset.done $0x0  }
0x28d: {  	s31 =	rddreg [dreg:$0x4];
	[sflag:s14] =	ssyncadd.s32 $0xFFFFCE00  }
0x28e: {  	[hbm4b:s31+s2] =	stream.linear.scatter [tilespmem:s7], [sflag:$0x6], $0x3200, $0x38;
	[tilespmem:$0x12C00] =	vst v63  }
0x28f: {  	_ =	swait.ge [sflag:s9], $0x3200  }
0x290: {  	s1 =	sld [smem:$0x7EF]  }
0x291: {  	[sflag:s9] =	ssyncset.done $0x0  }
0x292: {  	[sflag:s9] =	ssyncadd.s32 $0xFFFFCE00  }
0x293: {  	[tilespmem:s7], [sflag:$0x2] =	stream.indirect.gather [hbm4b:s3+s10], $0x10, s1, s10, $0xb8;
	[tilespmem:$0x12C00] =	vst v63  }
0x294: {  	_ =	swait.ge [sflag:s15], $0x3200  }
0x295: {  	[sflag:s15] =	ssyncset.done $0x0  }
0x296: {  	s30 =	rddreg [dreg:$0x5];
	[sflag:s15] =	ssyncadd.s32 $0xFFFFCE00  }
0x297: {  	[hbm4b:s30+s2] =	stream.linear.scatter [tilespmem:s5], [sflag:$0x7], $0x3200, $0x38;
	[tilespmem:$0x12C00] =	vst v63  }
0x298: {  	_ =	swait.ge [sflag:s11], $0x3200  }
0x299: {  	s31 =	sld [smem:$0x7F0]  }
0x29a: {  	[sflag:s11] =	ssyncset.done $0x0  }
0x29b: {  	[sflag:s11] =	ssyncadd.s32 $0xFFFFCE00  }
0x29c: {  	[tilespmem:s5], [sflag:$0x3] =	stream.indirect.gather [hbm4b:s3+s10], $0x10, s31, s10, $0xb8;
	[tilespmem:$0x12C00] =	vst v63  }
0x29d: {  	_ =	swait.ge [sflag:s16], $0x3200  }
0x29e: {  	[sflag:s16] =	ssyncset.done $0x0  }
0x29f: {  	s1 =	rddreg [dreg:$0x6];
	[sflag:s16] =	ssyncadd.s32 $0xFFFFCE00  }
0x2a0: {  	[hbm4b:s1+s2] =	stream.linear.scatter [tilespmem:s4], [sflag:$0x8], $0x3200, $0x38;
	[tilespmem:$0x12C00] =	vst v63  }
0x2a1: {  	_ =	swait.ge [sflag:s12], $0x3200  }
0x2a2: {  	s30 =	sld [smem:$0x7F1]  }
0x2a3: {  	[sflag:s12] =	ssyncset.done $0x0  }
0x2a4: {  	[sflag:s12] =	ssyncadd.s32 $0xFFFFCE00  }
0x2a5: {  	[tilespmem:s4], [sflag:$0x4] =	stream.indirect.gather [hbm4b:s3+s10], $0x10, s30, s10, $0xb8;
	[tilespmem:$0x12C00] =	vst v63  }
0x2a6: {  	_ =	swait.ge [sflag:s13], $0x3200  }
0x2a7: {  	[sflag:s13] =	ssyncset.done $0x0  }
0x2a8: {  	s31 =	rddreg [dreg:$0x7];
	[sflag:s13] =	ssyncadd.s32 $0xFFFFCE00  }
0x2a9: {  	[hbm4b:s31+s2] =	stream.linear.scatter [tilespmem:s8], [sflag:$0x5], $0x3200, $0x38;
	[tilespmem:$0x12C00] =	vst v63  }
0x2aa: {  	_ =	swait.ge [sflag:s6], $0x3200  }
0x2ab: {  	s1 =	sld [smem:$0x7F2]  }
0x2ac: {  	[sflag:s6] =	ssyncset.done $0x0  }
0x2ad: {  	[sflag:s6] =	ssyncadd.s32 $0xFFFFCE00  }
0x2ae: {  	[tilespmem:s8], [sflag:$0x1] =	stream.indirect.gather [hbm4b:s3+s10], $0x10, s1, s10, $0xb8;
	[tilespmem:$0x12C00] =	vst v63  }
0x2af: {  	_ =	swait.ge [sflag:s14], $0x3200  }
0x2b0: {  	[sflag:s14] =	ssyncset.done $0x0  }
0x2b1: {  	s30 =	rddreg [dreg:$0x8];
	[sflag:s14] =	ssyncadd.s32 $0xFFFFCE00  }
0x2b2: {  	[hbm4b:s30+s2] =	stream.linear.scatter [tilespmem:s7], [sflag:$0x6], $0x3200, $0x38;
	[tilespmem:$0x12C00] =	vst v63  }
0x2b3: {  	_ =	swait.ge [sflag:s9], $0x3200  }
0x2b4: {  	s31 =	sld [smem:$0x7F3]  }
0x2b5: {  	[sflag:s9] =	ssyncset.done $0x0  }
0x2b6: {  	[sflag:s9] =	ssyncadd.s32 $0xFFFFCE00  }
0x2b7: {  	[tilespmem:s7], [sflag:$0x2] =	stream.indirect.gather [hbm4b:s3+s10], $0x10, s31, s10, $0xb8;
	[tilespmem:$0x12C00] =	vst v63  }
0x2b8: {  	_ =	swait.ge [sflag:s15], $0x3200  }
0x2b9: {  	[sflag:s15] =	ssyncset.done $0x0  }
0x2ba: {  	s1 =	rddreg [dreg:$0x9];
	[sflag:s15] =	ssyncadd.s32 $0xFFFFCE00  }
0x2bb: {  	[hbm4b:s1+s2] =	stream.linear.scatter [tilespmem:s5], [sflag:$0x7], $0x3200, $0x38;
	[tilespmem:$0x12C00] =	vst v63  }
0x2bc: {  	_ =	swait.ge [sflag:s11], $0x3200  }
0x2bd: {  	s30 =	sld [smem:$0x7F4]  }
0x2be: {  	[sflag:s11] =	ssyncset.done $0x0  }
0x2bf: {  	[sflag:s11] =	ssyncadd.s32 $0xFFFFCE00  }
0x2c0: {  	[tilespmem:s5], [sflag:$0x3] =	stream.indirect.gather [hbm4b:s3+s10], $0x10, s30, s10, $0xb8;
	[tilespmem:$0x12C00] =	vst v63  }
0x2c1: {  	_ =	swait.ge [sflag:s16], $0x3200  }
0x2c2: {  	[sflag:s16] =	ssyncset.done $0x0  }
0x2c3: {  	s31 =	rddreg [dreg:$0xa];
	[sflag:s16] =	ssyncadd.s32 $0xFFFFCE00  }
0x2c4: {  	[hbm4b:s31+s2] =	stream.linear.scatter [tilespmem:s4], [sflag:$0x8], $0x3200, $0x38;
	[tilespmem:$0x12C00] =	vst v63  }
0x2c5: {  	_ =	swait.ge [sflag:s12], $0x3200  }
0x2c6: {  	s1 =	sld [smem:$0x7F5]  }
0x2c7: {  	[sflag:s12] =	ssyncset.done $0x0  }
0x2c8: {  	[sflag:s12] =	ssyncadd.s32 $0xFFFFCE00  }
0x2c9: {  	[tilespmem:s4], [sflag:$0x4] =	stream.indirect.gather [hbm4b:s3+s10], $0x10, s1, s10, $0xb8;
	[tilespmem:$0x12C00] =	vst v63  }
0x2ca: {  	_ =	swait.ge [sflag:s13], $0x3200  }
0x2cb: {  	[sflag:s13] =	ssyncset.done $0x0  }
0x2cc: {  	s30 =	rddreg [dreg:$0xb];
	[sflag:s13] =	ssyncadd.s32 $0xFFFFCE00  }
0x2cd: {  	[hbm4b:s30+s2] =	stream.linear.scatter [tilespmem:s8], [sflag:$0x5], $0x3200, $0x38;
	[tilespmem:$0x12C00] =	vst v63  }
0x2ce: {  	_ =	swait.ge [sflag:s6], $0x3200  }
0x2cf: {  	s31 =	sld [smem:$0x7F6]  }
0x2d0: {  	[sflag:s6] =	ssyncset.done $0x0  }
0x2d1: {  	[sflag:s6] =	ssyncadd.s32 $0xFFFFCE00  }
0x2d2: {  	[tilespmem:s8], [sflag:$0x1] =	stream.indirect.gather [hbm4b:s3+s10], $0x10, s31, s10, $0xb8;
	[tilespmem:$0x12C00] =	vst v63  }
0x2d3: {  	_ =	swait.ge [sflag:s14], $0x3200  }
0x2d4: {  	[sflag:s14] =	ssyncset.done $0x0  }
0x2d5: {  	s1 =	rddreg [dreg:$0xc];
	[sflag:s14] =	ssyncadd.s32 $0xFFFFCE00  }
0x2d6: {  	[hbm4b:s1+s2] =	stream.linear.scatter [tilespmem:s7], [sflag:$0x6], $0x3200, $0x38;
	[tilespmem:$0x12C00] =	vst v63  }
0x2d7: {  	_ =	swait.ge [sflag:s9], $0x3200  }
0x2d8: {  	s30 =	sld [smem:$0x7F7]  }
0x2d9: {  	[sflag:s9] =	ssyncset.done $0x0  }
0x2da: {  	[sflag:s9] =	ssyncadd.s32 $0xFFFFCE00  }
0x2db: {  	[tilespmem:s7], [sflag:$0x2] =	stream.indirect.gather [hbm4b:s3+s10], $0x10, s30, s10, $0xb8;
	[tilespmem:$0x12C00] =	vst v63  }
0x2dc: {  	_ =	swait.ge [sflag:s15], $0x3200  }
0x2dd: {  	[sflag:s15] =	ssyncset.done $0x0  }
0x2de: {  	s31 =	rddreg [dreg:$0xd];
	[sflag:s15] =	ssyncadd.s32 $0xFFFFCE00  }
0x2df: {  	[hbm4b:s31+s2] =	stream.linear.scatter [tilespmem:s5], [sflag:$0x7], $0x3200, $0x38;
	[tilespmem:$0x12C00] =	vst v63  }
0x2e0: {  	_ =	swait.ge [sflag:s11], $0x3200  }
0x2e1: {  	s1 =	sld [smem:$0x7F8]  }
0x2e2: {  	[sflag:s11] =	ssyncset.done $0x0  }
0x2e3: {  	[sflag:s11] =	ssyncadd.s32 $0xFFFFCE00  }
0x2e4: {  	[tilespmem:s5], [sflag:$0x3] =	stream.indirect.gather [hbm4b:s3+s10], $0x10, s1, s10, $0xb8;
	[tilespmem:$0x12C00] =	vst v63  }
0x2e5: {  	_ =	swait.ge [sflag:s16], $0x3200  }
0x2e6: {  	[sflag:s16] =	ssyncset.done $0x0  }
0x2e7: {  	s30 =	rddreg [dreg:$0xe];
	[sflag:s16] =	ssyncadd.s32 $0xFFFFCE00  }
0x2e8: {  	[hbm4b:s30+s2] =	stream.linear.scatter [tilespmem:s4], [sflag:$0x8], $0x3200, $0x38;
	[tilespmem:$0x12C00] =	vst v63  }
0x2e9: {  	_ =	swait.ge [sflag:s12], $0x3200  }
0x2ea: {  	s31 =	sld [smem:$0x7F9]  }
0x2eb: {  	[sflag:s12] =	ssyncset.done $0x0  }
0x2ec: {  	[sflag:s12] =	ssyncadd.s32 $0xFFFFCE00  }
0x2ed: {  	[tilespmem:s4], [sflag:$0x4] =	stream.indirect.gather [hbm4b:s3+s10], $0x10, s31, s10, $0xb8;
	[tilespmem:$0x12C00] =	vst v63  }
0x2ee: {  	_ =	swait.ge [sflag:s13], $0x3200  }
0x2ef: {  	[sflag:s13] =	ssyncset.done $0x0  }
0x2f0: {  	s1 =	rddreg [dreg:$0xf];
	[sflag:s13] =	ssyncadd.s32 $0xFFFFCE00  }
0x2f1: {  	[hbm4b:s1+s2] =	stream.linear.scatter [tilespmem:s8], [sflag:$0x5], $0x3200, $0x38;
	[tilespmem:$0x12C00] =	vst v63  }
0x2f2: {  	_ =	swait.ge [sflag:s6], $0x3200  }
0x2f3: {  	s30 =	sld [smem:$0x7FA]  }
0x2f4: {  	[sflag:s6] =	ssyncset.done $0x0  }
0x2f5: {  	[sflag:s6] =	ssyncadd.s32 $0xFFFFCE00  }
0x2f6: {  	[tilespmem:s8], [sflag:$0x1] =	stream.indirect.gather [hbm4b:s3+s10], $0x10, s30, s10, $0xb8;
	[tilespmem:$0x12C00] =	vst v63  }
0x2f7: {  	_ =	swait.ge [sflag:s14], $0x3200  }
0x2f8: {  	[sflag:s14] =	ssyncset.done $0x0  }
0x2f9: {  	s31 =	rddreg [dreg:$0x10];
	[sflag:s14] =	ssyncadd.s32 $0xFFFFCE00  }
0x2fa: {  	[hbm4b:s31+s2] =	stream.linear.scatter [tilespmem:s7], [sflag:$0x6], $0x3200, $0x38;
	[tilespmem:$0x12C00] =	vst v63  }
0x2fb: {  	_ =	swait.ge [sflag:s9], $0x3200  }
0x2fc: {  	s1 =	sld [smem:$0x7FB]  }
0x2fd: {  	[sflag:s9] =	ssyncset.done $0x0  }
0x2fe: {  	[sflag:s9] =	ssyncadd.s32 $0xFFFFCE00  }
0x2ff: {  	[tilespmem:s7], [sflag:$0x2] =	stream.indirect.gather [hbm4b:s3+s10], $0x10, s1, s10, $0xb8;
	[tilespmem:$0x12C00] =	vst v63  }
0x300: {  	_ =	swait.ge [sflag:s15], $0x3200  }
0x301: {  	[sflag:s15] =	ssyncset.done $0x0  }
0x302: {  	s30 =	rddreg [dreg:$0x11];
	[sflag:s15] =	ssyncadd.s32 $0xFFFFCE00  }
0x303: {  	[hbm4b:s30+s2] =	stream.linear.scatter [tilespmem:s5], [sflag:$0x7], $0x3200, $0x38;
	[tilespmem:$0x12C00] =	vst v63  }
0x304: {  	_ =	swait.ge [sflag:s11], $0x3200  }
0x305: {  	s31 =	sld [smem:$0x7FC]  }
0x306: {  	[sflag:s11] =	ssyncset.done $0x0  }
0x307: {  	[sflag:s11] =	ssyncadd.s32 $0xFFFFCE00  }
0x308: {  	[tilespmem:s5], [sflag:$0x3] =	stream.indirect.gather [hbm4b:s3+s10], $0x10, s31, s10, $0xb8;
	[tilespmem:$0x12C00] =	vst v63  }
0x309: {  	_ =	swait.ge [sflag:s16], $0x3200  }
0x30a: {  	[sflag:s16] =	ssyncset.done $0x0  }
0x30b: {  	s1 =	rddreg [dreg:$0x12];
	[sflag:s16] =	ssyncadd.s32 $0xFFFFCE00  }
0x30c: {  	[hbm4b:s1+s2] =	stream.linear.scatter [tilespmem:s4], [sflag:$0x8], $0x3200, $0x38;
	[tilespmem:$0x12C00] =	vst v63  }
0x30d: {  	_ =	swait.ge [sflag:s12], $0x3200  }
0x30e: {  	s30 =	sld [smem:$0x7FD]  }
0x30f: {  	[sflag:s12] =	ssyncset.done $0x0  }
0x310: {  	[sflag:s12] =	ssyncadd.s32 $0xFFFFCE00  }
0x311: {  	[tilespmem:s4], [sflag:$0x4] =	stream.indirect.gather [hbm4b:s3+s10], $0x10, s30, s10, $0xb8;
	[tilespmem:$0x12C00] =	vst v63  }
0x312: {  	_ =	swait.ge [sflag:s13], $0x3200  }
0x313: {  	[sflag:s13] =	ssyncset.done $0x0  }
0x314: {  	s31 =	rddreg [dreg:$0x13];
	[sflag:s13] =	ssyncadd.s32 $0xFFFFCE00  }
0x315: {  	[hbm4b:s31+s2] =	stream.linear.scatter [tilespmem:s8], [sflag:$0x5], $0x3200, $0x38;
	[tilespmem:$0x12C00] =	vst v63  }
0x316: {  	_ =	swait.ge [sflag:s6], $0x3200  }
0x317: {  	[sflag:s6] =	ssyncset.done $0x0  }
0x318: {  	[sflag:s6] =	ssyncadd.s32 $0xFFFFCE00  }
0x319: {  	[tilespmem:s8], [sflag:$0x1] =	stream.indirect.gather [hbm4b:s3+s10], $0x10, s18, s10, $0xb8;
	[tilespmem:$0x12C00] =	vst v63  }
0x31a: {  	_ =	swait.ge [sflag:s14], $0x3200  }
0x31b: {  	[sflag:s14] =	ssyncset.done $0x0  }
0x31c: {  	s1 =	rddreg [dreg:$0x14];
	[sflag:s14] =	ssyncadd.s32 $0xFFFFCE00  }
0x31d: {  	[hbm4b:s1+s2] =	stream.linear.scatter [tilespmem:s7], [sflag:$0x6], $0x3200, $0x38;
	[tilespmem:$0x12C00] =	vst v63  }
0x31e: {  	_ =	swait.ge [sflag:s9], $0x3200  }
0x31f: {  	[sflag:s9] =	ssyncset.done $0x0  }
0x320: {  	[sflag:s9] =	ssyncadd.s32 $0xFFFFCE00  }
0x321: {  	[tilespmem:s7], [sflag:$0x2] =	stream.indirect.gather [hbm4b:s3+s10], $0x10, s29, s10, $0xb8;
	[tilespmem:$0x12C00] =	vst v63  }
0x322: {  	_ =	swait.ge [sflag:s15], $0x3200  }
0x323: {  	[sflag:s15] =	ssyncset.done $0x0  }
0x324: {  	s18 =	rddreg [dreg:$0x15];
	[sflag:s15] =	ssyncadd.s32 $0xFFFFCE00  }
0x325: {  	[hbm4b:s18+s2] =	stream.linear.scatter [tilespmem:s5], [sflag:$0x7], $0x3200, $0x38;
	[tilespmem:$0x12C00] =	vst v63  }
0x326: {  	_ =	swait.ge [sflag:s11], $0x3200  }
0x327: {  	[sflag:s11] =	ssyncset.done $0x0  }
0x328: {  	[sflag:s11] =	ssyncadd.s32 $0xFFFFCE00  }
0x329: {  	[tilespmem:s5], [sflag:$0x3] =	stream.indirect.gather [hbm4b:s3+s10], $0x10, s28, s10, $0xb8;
	[tilespmem:$0x12C00] =	vst v63  }
0x32a: {  	_ =	swait.ge [sflag:s16], $0x3200  }
0x32b: {  	[sflag:s16] =	ssyncset.done $0x0  }
0x32c: {  	s29 =	rddreg [dreg:$0x16];
	[sflag:s16] =	ssyncadd.s32 $0xFFFFCE00  }
0x32d: {  	[hbm4b:s29+s2] =	stream.linear.scatter [tilespmem:s4], [sflag:$0x8], $0x3200, $0x38;
	[tilespmem:$0x12C00] =	vst v63  }
0x32e: {  	_ =	swait.ge [sflag:s12], $0x3200  }
0x32f: {  	[sflag:s12] =	ssyncset.done $0x0  }
0x330: {  	[sflag:s12] =	ssyncadd.s32 $0xFFFFCE00  }
0x331: {  	[tilespmem:s4], [sflag:$0x4] =	stream.indirect.gather [hbm4b:s3+s10], $0x10, s26, s10, $0xb8;
	[tilespmem:$0x12C00] =	vst v63  }
0x332: {  	_ =	swait.ge [sflag:s13], $0x3200  }
0x333: {  	[sflag:s13] =	ssyncset.done $0x0  }
0x334: {  	s30 =	rddreg [dreg:$0x17];
	[sflag:s13] =	ssyncadd.s32 $0xFFFFCE00  }
0x335: {  	[hbm4b:s30+s2] =	stream.linear.scatter [tilespmem:s8], [sflag:$0x5], $0x3200, $0x38;
	[tilespmem:$0x12C00] =	vst v63  }
0x336: {  	_ =	swait.ge [sflag:s6], $0x3200  }
0x337: {  	[sflag:s6] =	ssyncset.done $0x0  }
0x338: {  	[sflag:s6] =	ssyncadd.s32 $0xFFFFCE00  }
0x339: {  	[tilespmem:s8], [sflag:$0x1] =	stream.indirect.gather [hbm4b:s3+s10], $0x10, s25, s10, $0xb8;
	[tilespmem:$0x12C00] =	vst v63  }
0x33a: {  	_ =	swait.ge [sflag:s14], $0x3200  }
0x33b: {  	[sflag:s14] =	ssyncset.done $0x0  }
0x33c: {  	s31 =	rddreg [dreg:$0x18];
	[sflag:s14] =	ssyncadd.s32 $0xFFFFCE00  }
0x33d: {  	[hbm4b:s31+s2] =	stream.linear.scatter [tilespmem:s7], [sflag:$0x6], $0x3200, $0x38;
	[tilespmem:$0x12C00] =	vst v63  }
0x33e: {  	_ =	swait.ge [sflag:s9], $0x3200  }
0x33f: {  	[sflag:s9] =	ssyncset.done $0x0  }
0x340: {  	[sflag:s9] =	ssyncadd.s32 $0xFFFFCE00  }
0x341: {  	[tilespmem:s7], [sflag:$0x2] =	stream.indirect.gather [hbm4b:s3+s10], $0x10, s24, s10, $0xb8;
	[tilespmem:$0x12C00] =	vst v63  }
0x342: {  	_ =	swait.ge [sflag:s15], $0x3200  }
0x343: {  	[sflag:s15] =	ssyncset.done $0x0  }
0x344: {  	s1 =	rddreg [dreg:$0x19];
	[sflag:s15] =	ssyncadd.s32 $0xFFFFCE00  }
0x345: {  	[hbm4b:s1+s2] =	stream.linear.scatter [tilespmem:s5], [sflag:$0x7], $0x3200, $0x38;
	[tilespmem:$0x12C00] =	vst v63  }
0x346: {  	_ =	swait.ge [sflag:s11], $0x3200  }
0x347: {  	[sflag:s11] =	ssyncset.done $0x0  }
0x348: {  	[sflag:s11] =	ssyncadd.s32 $0xFFFFCE00  }
0x349: {  	[tilespmem:s5], [sflag:$0x3] =	stream.indirect.gather [hbm4b:s3+s10], $0x10, s23, s10, $0xb8;
	[tilespmem:$0x12C00] =	vst v63  }
0x34a: {  	_ =	swait.ge [sflag:s16], $0x3200  }
0x34b: {  	[sflag:s16] =	ssyncset.done $0x0  }
0x34c: {  	s18 =	rddreg [dreg:$0x1a];
	[sflag:s16] =	ssyncadd.s32 $0xFFFFCE00  }
0x34d: {  	[hbm4b:s18+s2] =	stream.linear.scatter [tilespmem:s4], [sflag:$0x8], $0x3200, $0x38;
	[tilespmem:$0x12C00] =	vst v63  }
0x34e: {  	_ =	swait.ge [sflag:s12], $0x3200  }
0x34f: {  	[sflag:s12] =	ssyncset.done $0x0  }
0x350: {  	[sflag:s12] =	ssyncadd.s32 $0xFFFFCE00  }
0x351: {  	[tilespmem:s4], [sflag:$0x4] =	stream.indirect.gather [hbm4b:s3+s10], $0x10, s22, s10, $0xb8;
	[tilespmem:$0x12C00] =	vst v63  }
0x352: {  	_ =	swait.ge [sflag:s13], $0x3200  }
0x353: {  	[sflag:s13] =	ssyncset.done $0x0  }
0x354: {  	s22 =	rddreg [dreg:$0x1b];
	[sflag:s13] =	ssyncadd.s32 $0xFFFFCE00  }
0x355: {  	[hbm4b:s22+s2] =	stream.linear.scatter [tilespmem:s8], [sflag:$0x5], $0x3200, $0x38;
	[tilespmem:$0x12C00] =	vst v63  }
0x356: {  	_ =	swait.ge [sflag:s6], $0x3200  }
0x357: {  	[sflag:s6] =	ssyncset.done $0x0  }
0x358: {  	[sflag:s6] =	ssyncadd.s32 $0xFFFFCE00  }
0x359: {  	[tilespmem:s8], [sflag:$0x1] =	stream.indirect.gather [hbm4b:s3+s10], $0x10, s21, s10, $0xb8;
	[tilespmem:$0x12C00] =	vst v63  }
0x35a: {  	_ =	swait.ge [sflag:s14], $0x3200  }
0x35b: {  	[sflag:s14] =	ssyncset.done $0x0  }
0x35c: {  	s23 =	rddreg [dreg:$0x1c];
	[sflag:s14] =	ssyncadd.s32 $0xFFFFCE00  }
0x35d: {  	[hbm4b:s23+s2] =	stream.linear.scatter [tilespmem:s7], [sflag:$0x6], $0x3200, $0x38;
	[tilespmem:$0x12C00] =	vst v63  }
0x35e: {  	_ =	swait.ge [sflag:s9], $0x3200  }
0x35f: {  	[sflag:s9] =	ssyncset.done $0x0  }
0x360: {  	[sflag:s9] =	ssyncadd.s32 $0xFFFFCE00  }
0x361: {  	[tilespmem:s7], [sflag:$0x2] =	stream.indirect.gather [hbm4b:s3+s10], $0x10, s20, s10, $0xb8;
	[tilespmem:$0x12C00] =	vst v63  }
0x362: {  	_ =	swait.ge [sflag:s15], $0x3200  }
0x363: {  	[sflag:s15] =	ssyncset.done $0x0  }
0x364: {  	s24 =	rddreg [dreg:$0x1d];
	[sflag:s15] =	ssyncadd.s32 $0xFFFFCE00  }
0x365: {  	[hbm4b:s24+s2] =	stream.linear.scatter [tilespmem:s5], [sflag:$0x7], $0x3200, $0x38;
	[tilespmem:$0x12C00] =	vst v63  }
0x366: {  	_ =	swait.ge [sflag:s11], $0x3200  }
0x367: {  	[sflag:s11] =	ssyncset.done $0x0  }
0x368: {  	[sflag:s11] =	ssyncadd.s32 $0xFFFFCE00  }
0x369: {  	[tilespmem:s5], [sflag:$0x3] =	stream.indirect.gather [hbm4b:s3+s10], $0x10, s19, s10, $0xb8;
	[tilespmem:$0x12C00] =	vst v63  }
0x36a: {  	_ =	swait.ge [sflag:s16], $0x3200  }
0x36b: {  	[sflag:s16] =	ssyncset.done $0x0  }
0x36c: {  	s25 =	rddreg [dreg:$0x1e];
	[sflag:s16] =	ssyncadd.s32 $0xFFFFCE00  }
0x36d: {  	[hbm4b:s25+s2] =	stream.linear.scatter [tilespmem:s4], [sflag:$0x8], $0x3200, $0x38;
	[tilespmem:$0x12C00] =	vst v63  }
0x36e: {  	_ =	swait.ge [sflag:s12], $0x3200  }
0x36f: {  	[sflag:s12] =	ssyncset.done $0x0  }
0x370: {  	s26 =	simm.s32 $0x60E0;
	[sflag:s12] =	ssyncadd.s32 $0xFFFFCE00  }
0x371: {  	[tilespmem:s4], [sflag:$0x4] =	stream.indirect.gather [hbm4b:s3+s10], $0x10, s26, s10, $0xb8;
	[tilespmem:$0x12C00] =	vst v63  }
0x372: {  	_ =	swait.ge [sflag:s13], $0x3200  }
0x373: {  	[sflag:s13] =	ssyncset.done $0x0  }
0x374: {  	s28 =	rddreg [dreg:$0x1f];
	[sflag:s13] =	ssyncadd.s32 $0xFFFFCE00  }
0x375: {  	[hbm4b:s28+s2] =	stream.linear.scatter [tilespmem:s8], [sflag:$0x5], $0x3200, $0x38;
	[tilespmem:$0x12C00] =	vst v63  }
0x376: {  	_ =	swait.ge [sflag:s14], $0x3200  }
0x377: {  	s29 =	sld [smem:$0x7E9]  }
0x378: {  	[sflag:s14] =	ssyncset.done $0x0  }
0x379: {  	[sflag:s14] =	ssyncadd.s32 $0xFFFFCE00  }
0x37a: {  	[hbm4b:s29+s2] =	stream.linear.scatter [tilespmem:s7], [sflag:$0x6], $0x3200, $0x38;
	[tilespmem:$0x12C00] =	vst v63  }
0x37b: {  	_ =	swait.ge [sflag:s15], $0x3200  }
0x37c: {  	s30 =	sld [smem:$0x7EA]  }
0x37d: {  	[sflag:s15] =	ssyncset.done $0x0  }
0x37e: {  	[sflag:s15] =	ssyncadd.s32 $0xFFFFCE00  }
0x37f: {  	[hbm4b:s30+s2] =	stream.linear.scatter [tilespmem:s5], [sflag:$0x7], $0x3200, $0x38;
	[tilespmem:$0x12C00] =	vst v63  }
0x380: {  	_ =	swait.ge [sflag:s16], $0x3200  }
0x381: {  	s31 =	sld [smem:$0x7EB]  }
0x382: {  	[sflag:s16] =	ssyncset.done $0x0  }
0x383: {  	[sflag:s16] =	ssyncadd.s32 $0xFFFFCE00  }
0x384: {  	[hbm4b:s31+s2] =	stream.linear.scatter [tilespmem:s4], [sflag:$0x8], $0x3200, $0x38;
	[tilespmem:$0x12C00] =	vst v63  }
0x385: {  	_ =	swait.ge [sflag:s6], $0x3200  }
0x386: {  	[sflag:s6] =	ssyncset.done $0x0  }
0x387: {  	[sflag:s6] =	ssyncadd.s32 $0xFFFFCE00  }
0x388: {  	_ =	swait.ge [sflag:s9], $0x3200  }
0x389: {  	[sflag:s9] =	ssyncset.done $0x0  }
0x38a: {  	[sflag:s9] =	ssyncadd.s32 $0xFFFFCE00  }
0x38b: {  	_ =	swait.ge [sflag:s11], $0x3200  }
0x38c: {  	[sflag:s11] =	ssyncset.done $0x0  }
0x38d: {  	[sflag:s11] =	ssyncadd.s32 $0xFFFFCE00  }
0x38e: {  	_ =	swait.ge [sflag:s12], $0x3200  }
0x38f: {  	[sflag:s12] =	ssyncset.done $0x0  }
0x390: {  	[sflag:s12] =	ssyncadd.s32 $0xFFFFCE00  }
0x391: {  	_ =	sfence.sel $0x180000  }
0x392: {  	[bflag:$0x0] =	sbarrier.arrive $0xFFFF  }
0x393: {  	_ =	strace $0x90000047  }
0x394: {  	[bflag:$0x2] =	sbarrier.arrive $0xFFFF  }
0x395: {  	p0 =	sne.s32 s17, $0x0;
	s0 =	rddreg [dreg:$0x2]  }
0x396: {  	s0 =	sadd.s32 @!p0 $0x100000, s0  }
0x397: {  	[sflag:s0] =	ssyncadd.tile.s32 @!p0 $0x1;
	_ =	shalt  }
.LBB2_1:
.Ltmp3:
0x398: {  	(pc) =	sbr.rel .LBB2_6-.Ltmp3, $4  }
0x399: {  	s18 =	simm.s32 $0x3E80;
	s29 =	simm.s32 $0x41A0  }
0x39a: {  	s28 =	simm.s32 $0x44C0;
	s26 =	simm.s32 $0x47E0;
	s25 =	simm.s32 $0x4B00  }
0x39b: {  	s24 =	simm.s32 $0x4E20;
	s23 =	simm.s32 $0x5140;
	s22 =	simm.s32 $0x5460  }
0x39c: {  	s21 =	simm.s32 $0x5780;
	s20 =	simm.s32 $0x5AA0;
	s19 =	simm.s32 $0x5DC0  }
.LBB2_3:
.Ltmp4:
0x39d: {  	(pc) =	sbr.rel .LBB2_6-.Ltmp4, $4  }
0x39e: {  	s18 =	simm.s32 $0x3E80;
	s29 =	simm.s32 $0x41A0;
	s28 =	simm.s32 $0x44C0  }
0x39f: {  	s26 =	simm.s32 $0x47E0;
	s25 =	simm.s32 $0x4B00;
	s24 =	simm.s32 $0x4E20  }
0x3a0: {  	s23 =	simm.s32 $0x5140;
	s22 =	simm.s32 $0x5460;
	s21 =	simm.s32 $0x5780  }
0x3a1: {  	s20 =	simm.s32 $0x5AA0;
	s19 =	simm.s32 $0x5DC0;
	s17 =	stileid.u32  }
.Lfunc_end2:
_tile_overlayer_lowered:
.L_overlay_start_2:
0x3a2: {  	(tag) =	ssettag $0x2  }
0x3a3: {  	s0 =	rddreg [dreg:$0x0];
	s2 =	stileid.u32  }
0x3a4: {  	s1 =	rddreg [dreg:$0x1];
	p0 =	sne.s32 s2, $0x0  }
0x3a5: {  	s3 =	rddreg [dreg:$0x2];
	[bflag:$0x3] =	sbarrier.arrive $0xFFFF;
	s2 =	simm.s32 @!p0 $0x1C09  }
0x3a6: {  	[timem:s3], [sflag:s2] =	dma.local @!p0 [hbm:s0], s1  }
0x3a7: {  	s0 =	simm.s32 @!p0 $0x9  }
0x3a8: {  	_ =	swait.ge @!p0 [sflag:s0], s1  }
0x3a9: {  	s1 =	ssub.s32 @!p0 $0x0, s1;
	[sflag:s0] =	ssyncset.done @!p0 $0x0  }
0x3aa: {  	[sflag:s0] =	ssyncadd.s32 @!p0 s1  }
0x3ab: {  	[bflag:$0x3] =	sbarrier.arrive $0xFFFF  }
0x3ac: {  	_ =	shalt  }

</sc_bundles>
